<compile_context>
chip_gen: v7x
topology: tpu7x:2x2x1
jax: 0.10.2.dev20260603
libtpu: 0.0.44.dev20260713+nightly
codegen_flags: <defaults>
</compile_context>

<pallas_src>
import jax
import jax.numpy as jnp
from jax import lax
from jax.experimental import pallas as pl
from jax.experimental.pallas import tpu as pltpu
from jax.experimental.pallas import tpu_sc as plsc

NUM_ENTITIES = 1000000
EMBEDDING_DIM = 32
BATCH = 16384

_LANE = 128

_info = plsc.get_sparse_core_info()
_NC, _NS = _info.num_cores, _info.num_subcores
_NW = _NC * _NS
_B_PER_W = BATCH // _NW
_NBUF = 16


def _scalar_at(idx_v, lane_i, k):
    vec = idx_v[pl.ds(pl.multiple_of((k >> 4) * 16, 16), 16)]
    return lax.reduce_max(jnp.where(lane_i == (k & 15), vec, 0), (0,))


def _fetch(tab_hbm, idx_v, lane_i, buf, sem, k):
    tc = _scalar_at(idx_v, lane_i, k) >> 7
    return pltpu.make_async_copy(
        tab_hbm.at[:, pl.ds(pl.multiple_of(tc * _LANE, _LANE), _LANE)],
        buf,
        sem,
    )


def _gather_body(idx_hbm, tab_hbm, out_t_hbm, idx_v, bufs, block_v, sems):
    wid = lax.axis_index("s") * _NC + lax.axis_index("c")
    base = wid * _B_PER_W
    pltpu.sync_copy(idx_hbm.at[pl.ds(base, _B_PER_W)], idx_v)
    lane_i = jax.lax.broadcasted_iota(jnp.int32, (16,), 0)

    for b in range(_NBUF):
        _fetch(tab_hbm, idx_v, lane_i, bufs[b], sems[b % 4], b).start()

    def step(g, carry):
        del carry
        for b in range(_NBUF):
            k = g * _NBUF + b
            _fetch(tab_hbm, idx_v, lane_i, bufs[b], sems[b % 4], k).wait()
            c = _scalar_at(idx_v, lane_i, k) & (_LANE - 1)
            c_vec = jnp.full((16,), c, jnp.int32)
            k_vec = jnp.full((16,), k, jnp.int32)
            for h in range(2):
                vals = plsc.load_gather(bufs[b], [16 * h + lane_i, c_vec])
                plsc.store_scatter(block_v, [16 * h + lane_i, k_vec], vals)

            @pl.when(k + _NBUF < _B_PER_W)
            def _():
                _fetch(
                    tab_hbm, idx_v, lane_i, bufs[b], sems[b % 4], k + _NBUF
                ).start()

        return 0

    lax.fori_loop(0, _B_PER_W // _NBUF, step, 0)
    pltpu.sync_copy(block_v, out_t_hbm.at[:, pl.ds(base, _B_PER_W)])


@jax.jit
def kernel(elements, entity_embeddings):
    mesh = plsc.VectorSubcoreMesh(core_axis_name="c", subcore_axis_name="s")
    gather = pl.kernel(
        _gather_body,
        mesh=mesh,
        out_type=jax.ShapeDtypeStruct((EMBEDDING_DIM, BATCH), jnp.float32),
        scratch_types=[
            pltpu.VMEM((_B_PER_W,), jnp.int32),
            [pltpu.VMEM((EMBEDDING_DIM, _LANE), jnp.float32) for _ in range(_NBUF)],
            pltpu.VMEM((EMBEDDING_DIM, _B_PER_W), jnp.float32),
            [pltpu.SemaphoreType.DMA for _ in range(4)],
        ],
        compiler_params=pltpu.CompilerParams(needs_layout_passes=False),
    )
    out_t = gather(elements.astype(jnp.int32), entity_embeddings.T)
    return out_t.T

# --- scband reference (transcript-rebuilt; emitter-appended) ---
"""Pipeline reference for scband-base-owamodule-22892175688468 (READ-ONLY COPY).

The authoritative reference and input builder live on the scoring server;
editing this copy changes nothing except your own understanding.
"""

import jax, jax.numpy as jnp
import numpy as np

NUM_ENTITIES = 1000000
EMBEDDING_DIM = 32
BATCH = 16384

def setup_inputs(seed: int = 0) -> dict:
    key = jax.random.key(seed)
    k_idx, k_tab = jax.random.split(key)
    elements = jax.random.randint(k_idx, (BATCH,), 0, NUM_ENTITIES, dtype=jnp.int64) if jax.config.jax_enable_x64 else jax.random.randint(k_idx, (BATCH,), 0, NUM_ENTITIES, dtype=jnp.int32)
    entity_embeddings = jax.random.normal(k_tab, (NUM_ENTITIES, EMBEDDING_DIM), dtype=jnp.float32) * 0.02
    return {"elements": elements, "entity_embeddings": entity_embeddings}

def reference(elements, entity_embeddings):
    # Equivalent to self._get_embeddings(elements, self.entity_embeddings, self.embedding_dim)
    # nn.Embedding lookup followed by view(-1, embedding_dim)
    emb = jnp.take(entity_embeddings, elements, axis=0)
    return emb.reshape(-1, EMBEDDING_DIM)

if __name__ == "__main__":
    import jax
    _d = setup_inputs()
    print(jax.jit(kernel)(*tuple(_d.values())))

</pallas_src>

<mosaic_0001>
#map = affine_map<(d0, d1) -> (0)>
#map1 = affine_map<(d0, d1) -> (0, 0)>
module attributes {stable_mosaic.version = 14 : i64} {
  func.func @_gather_body(%arg0: i32, %arg1: i32, %arg2: memref<16384xi32, #tpu.memory_space<hbm>>, %arg3: memref<32x1000000xf32, #tpu.memory_space<hbm>>, %arg4: memref<32x16384xf32, #tpu.memory_space<hbm>>, %arg5: memref<512xi32, #tpu.memory_space<vmem>>, %arg6: memref<32x128xf32, #tpu.memory_space<vmem>>, %arg7: memref<32x128xf32, #tpu.memory_space<vmem>>, %arg8: memref<32x128xf32, #tpu.memory_space<vmem>>, %arg9: memref<32x128xf32, #tpu.memory_space<vmem>>, %arg10: memref<32x128xf32, #tpu.memory_space<vmem>>, %arg11: memref<32x128xf32, #tpu.memory_space<vmem>>, %arg12: memref<32x128xf32, #tpu.memory_space<vmem>>, %arg13: memref<32x128xf32, #tpu.memory_space<vmem>>, %arg14: memref<32x128xf32, #tpu.memory_space<vmem>>, %arg15: memref<32x128xf32, #tpu.memory_space<vmem>>, %arg16: memref<32x128xf32, #tpu.memory_space<vmem>>, %arg17: memref<32x128xf32, #tpu.memory_space<vmem>>, %arg18: memref<32x128xf32, #tpu.memory_space<vmem>>, %arg19: memref<32x128xf32, #tpu.memory_space<vmem>>, %arg20: memref<32x128xf32, #tpu.memory_space<vmem>>, %arg21: memref<32x128xf32, #tpu.memory_space<vmem>>, %arg22: memref<32x512xf32, #tpu.memory_space<vmem>>, %arg23: memref<!tpu.dma_semaphore, #tpu.memory_space<semaphore_mem>>, %arg24: memref<!tpu.dma_semaphore, #tpu.memory_space<semaphore_mem>>, %arg25: memref<!tpu.dma_semaphore, #tpu.memory_space<semaphore_mem>>, %arg26: memref<!tpu.dma_semaphore, #tpu.memory_space<semaphore_mem>>) attributes {dimension_semantics = [#tpu.dimension_semantics<core_parallel>, #tpu.dimension_semantics<subcore_parallel>], iteration_bounds = array<i64: 2, 16>, scalar_prefetch = 0 : i64, scratch_operands = 22 : i64, tpu.core_type = #tpu.core_type<sc_vector_subcore>, window_params = [{transform_indices = #map}, {transform_indices = #map1}, {transform_indices = #map1}]} {
    %mul3A = arith.constant 2 : i32
    %mul3A_0 = arith.muli %arg1, %mul3A : i32
    %add3A = arith.addi %mul3A_0, %arg0 : i32
    %mul3A_1 = arith.constant 512 : i32
    %mul3A_2 = arith.muli %add3A, %mul3A_1 : i32
    "tpu.region"() ({
      %run_scoped3A = tpu.sem_alloc : memref<!tpu.dma_semaphore, #tpu.memory_space<semaphore_mem>>
      %dma_start3A_432 = tpu.memref_slice %arg2[%mul3A_2] : memref<16384xi32, #tpu.memory_space<hbm>> -> memref<512xi32, #tpu.memory_space<hbm>>
      %dma_start3A_433 = tpu.memref_slice %arg2[%mul3A_2] : memref<16384xi32, #tpu.memory_space<hbm>> -> memref<512xi32, #tpu.memory_space<hbm>>
      tpu.enqueue_dma source(%dma_start3A_433 : memref<512xi32, #tpu.memory_space<hbm>>) target(%arg5 : memref<512xi32, #tpu.memory_space<vmem>>) target_semaphore(%run_scoped3A : memref<!tpu.dma_semaphore, #tpu.memory_space<semaphore_mem>>)
      %dma_wait3A = tpu.memref_slice %arg2[%mul3A_2] : memref<16384xi32, #tpu.memory_space<hbm>> -> memref<512xi32, #tpu.memory_space<hbm>>
      %dma_wait3A_434 = tpu.memref_slice %arg2[%mul3A_2] : memref<16384xi32, #tpu.memory_space<hbm>> -> memref<512xi32, #tpu.memory_space<hbm>>
      tpu.wait_dma2 semaphore(%run_scoped3A : memref<!tpu.dma_semaphore, #tpu.memory_space<semaphore_mem>>) src(%dma_wait3A_434 : memref<512xi32, #tpu.memory_space<hbm>>) dst(%arg5 : memref<512xi32, #tpu.memory_space<vmem>>)
      tpu.yield
    }) : () -> ()
    %iota3A = tpu.iota {dimensions = array<i32: 0>} : vector<16xi32>
    %multiple_of3A = arith.constant 0 : i32
    %multiple_of3A_3 = tpu.assume_multiple %multiple_of3A, 16 : i32
    %get3A = arith.index_cast %multiple_of3A_3 : i32 to index
    %get3A_4 = tpu.vector_load %arg5[%get3A] {strides = array<i32>} : memref<512xi32, #tpu.memory_space<vmem>>, vector<16xi32>,
    %eq3A = arith.constant 0 : i32
    %eq3A_5 = vector.broadcast %eq3A : i32 to vector<16xi32>
    %eq3A_6 = arith.cmpi eq, %iota3A, %eq3A_5 : vector<16xi32>
    %jit3A = arith.constant 0 : i32
    %broadcast_in_dim3A = vector.broadcast %jit3A : i32 to vector<16xi32>
    %select_n3A = arith.select %eq3A_6, %get3A_4, %broadcast_in_dim3A : vector<16xi1>, vector<16xi32>
    %reduce_max3A = arith.constant true
    %reduce_max3A_7 = vector.broadcast %reduce_max3A : i1 to vector<16xi1>
    %reduce_max3A_8 = arith.constant -2147483648 : i32
    %reduce_max3A_9 = vector.broadcast %reduce_max3A_8 : i32 to vector<16xi32>
    %reduce_max3A_10 = arith.xori %select_n3A, %reduce_max3A_9 : vector<16xi32>
    %reduce_max3A_11 = tpu.scan <max>, %reduce_max3A_10 masked %reduce_max3A_7 : vector<16xi32>, vector<16xi1> -> vector<16xi32>
    %reduce_max3A_12 = arith.xori %reduce_max3A_11, %reduce_max3A_9 : vector<16xi32>
    %reduce_max3A_13 = vector.extract %reduce_max3A_12[15] : i32 from vector<16xi32>
    %shift_right_arithmetic3A = arith.constant 7 : i32
    %shift_right_arithmetic3A_14 = arith.shrsi %reduce_max3A_13, %shift_right_arithmetic3A : i32
    %mul3A_15 = arith.constant 128 : i32
    %mul3A_16 = arith.muli %shift_right_arithmetic3A_14, %mul3A_15 : i32
    %multiple_of3A_17 = tpu.assume_multiple %mul3A_16, 128 : i32
    %dma_start3A = arith.constant 0 : i32
    %dma_start3A_18 = tpu.memref_slice %arg3[%dma_start3A, %multiple_of3A_17] : memref<32x1000000xf32, #tpu.memory_space<hbm>> -> memref<32x128xf32, #tpu.memory_space<hbm>>
    %dma_start3A_19 = arith.constant 0 : i32
    %dma_start3A_20 = tpu.memref_slice %arg3[%dma_start3A_19, %multiple_of3A_17] : memref<32x1000000xf32, #tpu.memory_space<hbm>> -> memref<32x128xf32, #tpu.memory_space<hbm>>
    tpu.enqueue_dma source(%dma_start3A_20 : memref<32x128xf32, #tpu.memory_space<hbm>>) target(%arg6 : memref<32x128xf32, #tpu.memory_space<vmem>>) target_semaphore(%arg23 : memref<!tpu.dma_semaphore, #tpu.memory_space<semaphore_mem>>)
    %multiple_of3A_21 = arith.constant 0 : i32
    %multiple_of3A_22 = tpu.assume_multiple %multiple_of3A_21, 16 : i32
    %get3A_23 = arith.index_cast %multiple_of3A_22 : i32 to index
    %get3A_24 = tpu.vector_load %arg5[%get3A_23] {strides = array<i32>} : memref<512xi32, #tpu.memory_space<vmem>>, vector<16xi32>,
    %eq3A_25 = arith.constant 1 : i32
    %eq3A_26 = vector.broadcast %eq3A_25 : i32 to vector<16xi32>
    %eq3A_27 = arith.cmpi eq, %iota3A, %eq3A_26 : vector<16xi32>
    %jit3A_28 = arith.constant 0 : i32
    %broadcast_in_dim3A_29 = vector.broadcast %jit3A_28 : i32 to vector<16xi32>
    %select_n3A_30 = arith.select %eq3A_27, %get3A_24, %broadcast_in_dim3A_29 : vector<16xi1>, vector<16xi32>
    %reduce_max3A_31 = arith.constant true
    %reduce_max3A_32 = vector.broadcast %reduce_max3A_31 : i1 to vector<16xi1>
    %reduce_max3A_33 = arith.constant -2147483648 : i32
    %reduce_max3A_34 = vector.broadcast %reduce_max3A_33 : i32 to vector<16xi32>
    %reduce_max3A_35 = arith.xori %select_n3A_30, %reduce_max3A_34 : vector<16xi32>
    %reduce_max3A_36 = tpu.scan <max>, %reduce_max3A_35 masked %reduce_max3A_32 : vector<16xi32>, vector<16xi1> -> vector<16xi32>
    %reduce_max3A_37 = arith.xori %reduce_max3A_36, %reduce_max3A_34 : vector<16xi32>
    %reduce_max3A_38 = vector.extract %reduce_max3A_37[15] : i32 from vector<16xi32>
    %shift_right_arithmetic3A_39 = arith.constant 7 : i32
    %shift_right_arithmetic3A_40 = arith.shrsi %reduce_max3A_38, %shift_right_arithmetic3A_39 : i32
    %mul3A_41 = arith.constant 128 : i32
    %mul3A_42 = arith.muli %shift_right_arithmetic3A_40, %mul3A_41 : i32
    %multiple_of3A_43 = tpu.assume_multiple %mul3A_42, 128 : i32
    %dma_start3A_44 = arith.constant 0 : i32
    %dma_start3A_45 = tpu.memref_slice %arg3[%dma_start3A_44, %multiple_of3A_43] : memref<32x1000000xf32, #tpu.memory_space<hbm>> -> memref<32x128xf32, #tpu.memory_space<hbm>>
    %dma_start3A_46 = arith.constant 0 : i32
    %dma_start3A_47 = tpu.memref_slice %arg3[%dma_start3A_46, %multiple_of3A_43] : memref<32x1000000xf32, #tpu.memory_space<hbm>> -> memref<32x128xf32, #tpu.memory_space<hbm>>
    tpu.enqueue_dma source(%dma_start3A_47 : memref<32x128xf32, #tpu.memory_space<hbm>>) target(%arg7 : memref<32x128xf32, #tpu.memory_space<vmem>>) target_semaphore(%arg24 : memref<!tpu.dma_semaphore, #tpu.memory_space<semaphore_mem>>)
    %multiple_of3A_48 = arith.constant 0 : i32
    %multiple_of3A_49 = tpu.assume_multiple %multiple_of3A_48, 16 : i32
    %get3A_50 = arith.index_cast %multiple_of3A_49 : i32 to index
    %get3A_51 = tpu.vector_load %arg5[%get3A_50] {strides = array<i32>} : memref<512xi32, #tpu.memory_space<vmem>>, vector<16xi32>,
    %eq3A_52 = arith.constant 2 : i32
    %eq3A_53 = vector.broadcast %eq3A_52 : i32 to vector<16xi32>
    %eq3A_54 = arith.cmpi eq, %iota3A, %eq3A_53 : vector<16xi32>
    %jit3A_55 = arith.constant 0 : i32
    %broadcast_in_dim3A_56 = vector.broadcast %jit3A_55 : i32 to vector<16xi32>
    %select_n3A_57 = arith.select %eq3A_54, %get3A_51, %broadcast_in_dim3A_56 : vector<16xi1>, vector<16xi32>
    %reduce_max3A_58 = arith.constant true
    %reduce_max3A_59 = vector.broadcast %reduce_max3A_58 : i1 to vector<16xi1>
    %reduce_max3A_60 = arith.constant -2147483648 : i32
    %reduce_max3A_61 = vector.broadcast %reduce_max3A_60 : i32 to vector<16xi32>
    %reduce_max3A_62 = arith.xori %select_n3A_57, %reduce_max3A_61 : vector<16xi32>
    %reduce_max3A_63 = tpu.scan <max>, %reduce_max3A_62 masked %reduce_max3A_59 : vector<16xi32>, vector<16xi1> -> vector<16xi32>
    %reduce_max3A_64 = arith.xori %reduce_max3A_63, %reduce_max3A_61 : vector<16xi32>
    %reduce_max3A_65 = vector.extract %reduce_max3A_64[15] : i32 from vector<16xi32>
    %shift_right_arithmetic3A_66 = arith.constant 7 : i32
    %shift_right_arithmetic3A_67 = arith.shrsi %reduce_max3A_65, %shift_right_arithmetic3A_66 : i32
    %mul3A_68 = arith.constant 128 : i32
    %mul3A_69 = arith.muli %shift_right_arithmetic3A_67, %mul3A_68 : i32
    %multiple_of3A_70 = tpu.assume_multiple %mul3A_69, 128 : i32
    %dma_start3A_71 = arith.constant 0 : i32
    %dma_start3A_72 = tpu.memref_slice %arg3[%dma_start3A_71, %multiple_of3A_70] : memref<32x1000000xf32, #tpu.memory_space<hbm>> -> memref<32x128xf32, #tpu.memory_space<hbm>>
    %dma_start3A_73 = arith.constant 0 : i32
    %dma_start3A_74 = tpu.memref_slice %arg3[%dma_start3A_73, %multiple_of3A_70] : memref<32x1000000xf32, #tpu.memory_space<hbm>> -> memref<32x128xf32, #tpu.memory_space<hbm>>
    tpu.enqueue_dma source(%dma_start3A_74 : memref<32x128xf32, #tpu.memory_space<hbm>>) target(%arg8 : memref<32x128xf32, #tpu.memory_space<vmem>>) target_semaphore(%arg25 : memref<!tpu.dma_semaphore, #tpu.memory_space<semaphore_mem>>)
    %multiple_of3A_75 = arith.constant 0 : i32
    %multiple_of3A_76 = tpu.assume_multiple %multiple_of3A_75, 16 : i32
    %get3A_77 = arith.index_cast %multiple_of3A_76 : i32 to index
    %get3A_78 = tpu.vector_load %arg5[%get3A_77] {strides = array<i32>} : memref<512xi32, #tpu.memory_space<vmem>>, vector<16xi32>,
    %eq3A_79 = arith.constant 3 : i32
    %eq3A_80 = vector.broadcast %eq3A_79 : i32 to vector<16xi32>
    %eq3A_81 = arith.cmpi eq, %iota3A, %eq3A_80 : vector<16xi32>
    %jit3A_82 = arith.constant 0 : i32
    %broadcast_in_dim3A_83 = vector.broadcast %jit3A_82 : i32 to vector<16xi32>
    %select_n3A_84 = arith.select %eq3A_81, %get3A_78, %broadcast_in_dim3A_83 : vector<16xi1>, vector<16xi32>
    %reduce_max3A_85 = arith.constant true
    %reduce_max3A_86 = vector.broadcast %reduce_max3A_85 : i1 to vector<16xi1>
    %reduce_max3A_87 = arith.constant -2147483648 : i32
    %reduce_max3A_88 = vector.broadcast %reduce_max3A_87 : i32 to vector<16xi32>
    %reduce_max3A_89 = arith.xori %select_n3A_84, %reduce_max3A_88 : vector<16xi32>
    %reduce_max3A_90 = tpu.scan <max>, %reduce_max3A_89 masked %reduce_max3A_86 : vector<16xi32>, vector<16xi1> -> vector<16xi32>
    %reduce_max3A_91 = arith.xori %reduce_max3A_90, %reduce_max3A_88 : vector<16xi32>
    %reduce_max3A_92 = vector.extract %reduce_max3A_91[15] : i32 from vector<16xi32>
    %shift_right_arithmetic3A_93 = arith.constant 7 : i32
    %shift_right_arithmetic3A_94 = arith.shrsi %reduce_max3A_92, %shift_right_arithmetic3A_93 : i32
    %mul3A_95 = arith.constant 128 : i32
    %mul3A_96 = arith.muli %shift_right_arithmetic3A_94, %mul3A_95 : i32
    %multiple_of3A_97 = tpu.assume_multiple %mul3A_96, 128 : i32
    %dma_start3A_98 = arith.constant 0 : i32
    %dma_start3A_99 = tpu.memref_slice %arg3[%dma_start3A_98, %multiple_of3A_97] : memref<32x1000000xf32, #tpu.memory_space<hbm>> -> memref<32x128xf32, #tpu.memory_space<hbm>>
    %dma_start3A_100 = arith.constant 0 : i32
    %dma_start3A_101 = tpu.memref_slice %arg3[%dma_start3A_100, %multiple_of3A_97] : memref<32x1000000xf32, #tpu.memory_space<hbm>> -> memref<32x128xf32, #tpu.memory_space<hbm>>
    tpu.enqueue_dma source(%dma_start3A_101 : memref<32x128xf32, #tpu.memory_space<hbm>>) target(%arg9 : memref<32x128xf32, #tpu.memory_space<vmem>>) target_semaphore(%arg26 : memref<!tpu.dma_semaphore, #tpu.memory_space<semaphore_mem>>)
    %multiple_of3A_102 = arith.constant 0 : i32
    %multiple_of3A_103 = tpu.assume_multiple %multiple_of3A_102, 16 : i32
    %get3A_104 = arith.index_cast %multiple_of3A_103 : i32 to index
    %get3A_105 = tpu.vector_load %arg5[%get3A_104] {strides = array<i32>} : memref<512xi32, #tpu.memory_space<vmem>>, vector<16xi32>,
    %eq3A_106 = arith.constant 4 : i32
    %eq3A_107 = vector.broadcast %eq3A_106 : i32 to vector<16xi32>
    %eq3A_108 = arith.cmpi eq, %iota3A, %eq3A_107 : vector<16xi32>
    %jit3A_109 = arith.constant 0 : i32
    %broadcast_in_dim3A_110 = vector.broadcast %jit3A_109 : i32 to vector<16xi32>
    %select_n3A_111 = arith.select %eq3A_108, %get3A_105, %broadcast_in_dim3A_110 : vector<16xi1>, vector<16xi32>
    %reduce_max3A_112 = arith.constant true
    %reduce_max3A_113 = vector.broadcast %reduce_max3A_112 : i1 to vector<16xi1>
    %reduce_max3A_114 = arith.constant -2147483648 : i32
    %reduce_max3A_115 = vector.broadcast %reduce_max3A_114 : i32 to vector<16xi32>
    %reduce_max3A_116 = arith.xori %select_n3A_111, %reduce_max3A_115 : vector<16xi32>
    %reduce_max3A_117 = tpu.scan <max>, %reduce_max3A_116 masked %reduce_max3A_113 : vector<16xi32>, vector<16xi1> -> vector<16xi32>
    %reduce_max3A_118 = arith.xori %reduce_max3A_117, %reduce_max3A_115 : vector<16xi32>
    %reduce_max3A_119 = vector.extract %reduce_max3A_118[15] : i32 from vector<16xi32>
    %shift_right_arithmetic3A_120 = arith.constant 7 : i32
    %shift_right_arithmetic3A_121 = arith.shrsi %reduce_max3A_119, %shift_right_arithmetic3A_120 : i32
    %mul3A_122 = arith.constant 128 : i32
    %mul3A_123 = arith.muli %shift_right_arithmetic3A_121, %mul3A_122 : i32
    %multiple_of3A_124 = tpu.assume_multiple %mul3A_123, 128 : i32
    %dma_start3A_125 = arith.constant 0 : i32
    %dma_start3A_126 = tpu.memref_slice %arg3[%dma_start3A_125, %multiple_of3A_124] : memref<32x1000000xf32, #tpu.memory_space<hbm>> -> memref<32x128xf32, #tpu.memory_space<hbm>>
    %dma_start3A_127 = arith.constant 0 : i32
    %dma_start3A_128 = tpu.memref_slice %arg3[%dma_start3A_127, %multiple_of3A_124] : memref<32x1000000xf32, #tpu.memory_space<hbm>> -> memref<32x128xf32, #tpu.memory_space<hbm>>
    tpu.enqueue_dma source(%dma_start3A_128 : memref<32x128xf32, #tpu.memory_space<hbm>>) target(%arg10 : memref<32x128xf32, #tpu.memory_space<vmem>>) target_semaphore(%arg23 : memref<!tpu.dma_semaphore, #tpu.memory_space<semaphore_mem>>)
    %multiple_of3A_129 = arith.constant 0 : i32
    %multiple_of3A_130 = tpu.assume_multiple %multiple_of3A_129, 16 : i32
    %get3A_131 = arith.index_cast %multiple_of3A_130 : i32 to index
    %get3A_132 = tpu.vector_load %arg5[%get3A_131] {strides = array<i32>} : memref<512xi32, #tpu.memory_space<vmem>>, vector<16xi32>,
    %eq3A_133 = arith.constant 5 : i32
    %eq3A_134 = vector.broadcast %eq3A_133 : i32 to vector<16xi32>
    %eq3A_135 = arith.cmpi eq, %iota3A, %eq3A_134 : vector<16xi32>
    %jit3A_136 = arith.constant 0 : i32
    %broadcast_in_dim3A_137 = vector.broadcast %jit3A_136 : i32 to vector<16xi32>
    %select_n3A_138 = arith.select %eq3A_135, %get3A_132, %broadcast_in_dim3A_137 : vector<16xi1>, vector<16xi32>
    %reduce_max3A_139 = arith.constant true
    %reduce_max3A_140 = vector.broadcast %reduce_max3A_139 : i1 to vector<16xi1>
    %reduce_max3A_141 = arith.constant -2147483648 : i32
    %reduce_max3A_142 = vector.broadcast %reduce_max3A_141 : i32 to vector<16xi32>
    %reduce_max3A_143 = arith.xori %select_n3A_138, %reduce_max3A_142 : vector<16xi32>
    %reduce_max3A_144 = tpu.scan <max>, %reduce_max3A_143 masked %reduce_max3A_140 : vector<16xi32>, vector<16xi1> -> vector<16xi32>
    %reduce_max3A_145 = arith.xori %reduce_max3A_144, %reduce_max3A_142 : vector<16xi32>
    %reduce_max3A_146 = vector.extract %reduce_max3A_145[15] : i32 from vector<16xi32>
    %shift_right_arithmetic3A_147 = arith.constant 7 : i32
    %shift_right_arithmetic3A_148 = arith.shrsi %reduce_max3A_146, %shift_right_arithmetic3A_147 : i32
    %mul3A_149 = arith.constant 128 : i32
    %mul3A_150 = arith.muli %shift_right_arithmetic3A_148, %mul3A_149 : i32
    %multiple_of3A_151 = tpu.assume_multiple %mul3A_150, 128 : i32
    %dma_start3A_152 = arith.constant 0 : i32
    %dma_start3A_153 = tpu.memref_slice %arg3[%dma_start3A_152, %multiple_of3A_151] : memref<32x1000000xf32, #tpu.memory_space<hbm>> -> memref<32x128xf32, #tpu.memory_space<hbm>>
    %dma_start3A_154 = arith.constant 0 : i32
    %dma_start3A_155 = tpu.memref_slice %arg3[%dma_start3A_154, %multiple_of3A_151] : memref<32x1000000xf32, #tpu.memory_space<hbm>> -> memref<32x128xf32, #tpu.memory_space<hbm>>
    tpu.enqueue_dma source(%dma_start3A_155 : memref<32x128xf32, #tpu.memory_space<hbm>>) target(%arg11 : memref<32x128xf32, #tpu.memory_space<vmem>>) target_semaphore(%arg24 : memref<!tpu.dma_semaphore, #tpu.memory_space<semaphore_mem>>)
    %multiple_of3A_156 = arith.constant 0 : i32
    %multiple_of3A_157 = tpu.assume_multiple %multiple_of3A_156, 16 : i32
    %get3A_158 = arith.index_cast %multiple_of3A_157 : i32 to index
    %get3A_159 = tpu.vector_load %arg5[%get3A_158] {strides = array<i32>} : memref<512xi32, #tpu.memory_space<vmem>>, vector<16xi32>,
    %eq3A_160 = arith.constant 6 : i32
    %eq3A_161 = vector.broadcast %eq3A_160 : i32 to vector<16xi32>
    %eq3A_162 = arith.cmpi eq, %iota3A, %eq3A_161 : vector<16xi32>
    %jit3A_163 = arith.constant 0 : i32
    %broadcast_in_dim3A_164 = vector.broadcast %jit3A_163 : i32 to vector<16xi32>
    %select_n3A_165 = arith.select %eq3A_162, %get3A_159, %broadcast_in_dim3A_164 : vector<16xi1>, vector<16xi32>
    %reduce_max3A_166 = arith.constant true
    %reduce_max3A_167 = vector.broadcast %reduce_max3A_166 : i1 to vector<16xi1>
    %reduce_max3A_168 = arith.constant -2147483648 : i32
    %reduce_max3A_169 = vector.broadcast %reduce_max3A_168 : i32 to vector<16xi32>
    %reduce_max3A_170 = arith.xori %select_n3A_165, %reduce_max3A_169 : vector<16xi32>
    %reduce_max3A_171 = tpu.scan <max>, %reduce_max3A_170 masked %reduce_max3A_167 : vector<16xi32>, vector<16xi1> -> vector<16xi32>
    %reduce_max3A_172 = arith.xori %reduce_max3A_171, %reduce_max3A_169 : vector<16xi32>
    %reduce_max3A_173 = vector.extract %reduce_max3A_172[15] : i32 from vector<16xi32>
    %shift_right_arithmetic3A_174 = arith.constant 7 : i32
    %shift_right_arithmetic3A_175 = arith.shrsi %reduce_max3A_173, %shift_right_arithmetic3A_174 : i32
    %mul3A_176 = arith.constant 128 : i32
    %mul3A_177 = arith.muli %shift_right_arithmetic3A_175, %mul3A_176 : i32
    %multiple_of3A_178 = tpu.assume_multiple %mul3A_177, 128 : i32
    %dma_start3A_179 = arith.constant 0 : i32
    %dma_start3A_180 = tpu.memref_slice %arg3[%dma_start3A_179, %multiple_of3A_178] : memref<32x1000000xf32, #tpu.memory_space<hbm>> -> memref<32x128xf32, #tpu.memory_space<hbm>>
    %dma_start3A_181 = arith.constant 0 : i32
    %dma_start3A_182 = tpu.memref_slice %arg3[%dma_start3A_181, %multiple_of3A_178] : memref<32x1000000xf32, #tpu.memory_space<hbm>> -> memref<32x128xf32, #tpu.memory_space<hbm>>
    tpu.enqueue_dma source(%dma_start3A_182 : memref<32x128xf32, #tpu.memory_space<hbm>>) target(%arg12 : memref<32x128xf32, #tpu.memory_space<vmem>>) target_semaphore(%arg25 : memref<!tpu.dma_semaphore, #tpu.memory_space<semaphore_mem>>)
    %multiple_of3A_183 = arith.constant 0 : i32
    %multiple_of3A_184 = tpu.assume_multiple %multiple_of3A_183, 16 : i32
    %get3A_185 = arith.index_cast %multiple_of3A_184 : i32 to index
    %get3A_186 = tpu.vector_load %arg5[%get3A_185] {strides = array<i32>} : memref<512xi32, #tpu.memory_space<vmem>>, vector<16xi32>,
    %eq3A_187 = arith.constant 7 : i32
    %eq3A_188 = vector.broadcast %eq3A_187 : i32 to vector<16xi32>
    %eq3A_189 = arith.cmpi eq, %iota3A, %eq3A_188 : vector<16xi32>
    %jit3A_190 = arith.constant 0 : i32
    %broadcast_in_dim3A_191 = vector.broadcast %jit3A_190 : i32 to vector<16xi32>
    %select_n3A_192 = arith.select %eq3A_189, %get3A_186, %broadcast_in_dim3A_191 : vector<16xi1>, vector<16xi32>
    %reduce_max3A_193 = arith.constant true
    %reduce_max3A_194 = vector.broadcast %reduce_max3A_193 : i1 to vector<16xi1>
    %reduce_max3A_195 = arith.constant -2147483648 : i32
    %reduce_max3A_196 = vector.broadcast %reduce_max3A_195 : i32 to vector<16xi32>
    %reduce_max3A_197 = arith.xori %select_n3A_192, %reduce_max3A_196 : vector<16xi32>
    %reduce_max3A_198 = tpu.scan <max>, %reduce_max3A_197 masked %reduce_max3A_194 : vector<16xi32>, vector<16xi1> -> vector<16xi32>
    %reduce_max3A_199 = arith.xori %reduce_max3A_198, %reduce_max3A_196 : vector<16xi32>
    %reduce_max3A_200 = vector.extract %reduce_max3A_199[15] : i32 from vector<16xi32>
    %shift_right_arithmetic3A_201 = arith.constant 7 : i32
    %shift_right_arithmetic3A_202 = arith.shrsi %reduce_max3A_200, %shift_right_arithmetic3A_201 : i32
    %mul3A_203 = arith.constant 128 : i32
    %mul3A_204 = arith.muli %shift_right_arithmetic3A_202, %mul3A_203 : i32
    %multiple_of3A_205 = tpu.assume_multiple %mul3A_204, 128 : i32
    %dma_start3A_206 = arith.constant 0 : i32
    %dma_start3A_207 = tpu.memref_slice %arg3[%dma_start3A_206, %multiple_of3A_205] : memref<32x1000000xf32, #tpu.memory_space<hbm>> -> memref<32x128xf32, #tpu.memory_space<hbm>>
    %dma_start3A_208 = arith.constant 0 : i32
    %dma_start3A_209 = tpu.memref_slice %arg3[%dma_start3A_208, %multiple_of3A_205] : memref<32x1000000xf32, #tpu.memory_space<hbm>> -> memref<32x128xf32, #tpu.memory_space<hbm>>
    tpu.enqueue_dma source(%dma_start3A_209 : memref<32x128xf32, #tpu.memory_space<hbm>>) target(%arg13 : memref<32x128xf32, #tpu.memory_space<vmem>>) target_semaphore(%arg26 : memref<!tpu.dma_semaphore, #tpu.memory_space<semaphore_mem>>)
    %multiple_of3A_210 = arith.constant 0 : i32
    %multiple_of3A_211 = tpu.assume_multiple %multiple_of3A_210, 16 : i32
    %get3A_212 = arith.index_cast %multiple_of3A_211 : i32 to index
    %get3A_213 = tpu.vector_load %arg5[%get3A_212] {strides = array<i32>} : memref<512xi32, #tpu.memory_space<vmem>>, vector<16xi32>,
    %eq3A_214 = arith.constant 8 : i32
    %eq3A_215 = vector.broadcast %eq3A_214 : i32 to vector<16xi32>
    %eq3A_216 = arith.cmpi eq, %iota3A, %eq3A_215 : vector<16xi32>
    %jit3A_217 = arith.constant 0 : i32
    %broadcast_in_dim3A_218 = vector.broadcast %jit3A_217 : i32 to vector<16xi32>
    %select_n3A_219 = arith.select %eq3A_216, %get3A_213, %broadcast_in_dim3A_218 : vector<16xi1>, vector<16xi32>
    %reduce_max3A_220 = arith.constant true
    %reduce_max3A_221 = vector.broadcast %reduce_max3A_220 : i1 to vector<16xi1>
    %reduce_max3A_222 = arith.constant -2147483648 : i32
    %reduce_max3A_223 = vector.broadcast %reduce_max3A_222 : i32 to vector<16xi32>
    %reduce_max3A_224 = arith.xori %select_n3A_219, %reduce_max3A_223 : vector<16xi32>
    %reduce_max3A_225 = tpu.scan <max>, %reduce_max3A_224 masked %reduce_max3A_221 : vector<16xi32>, vector<16xi1> -> vector<16xi32>
    %reduce_max3A_226 = arith.xori %reduce_max3A_225, %reduce_max3A_223 : vector<16xi32>
    %reduce_max3A_227 = vector.extract %reduce_max3A_226[15] : i32 from vector<16xi32>
    %shift_right_arithmetic3A_228 = arith.constant 7 : i32
    %shift_right_arithmetic3A_229 = arith.shrsi %reduce_max3A_227, %shift_right_arithmetic3A_228 : i32
    %mul3A_230 = arith.constant 128 : i32
    %mul3A_231 = arith.muli %shift_right_arithmetic3A_229, %mul3A_230 : i32
    %multiple_of3A_232 = tpu.assume_multiple %mul3A_231, 128 : i32
    %dma_start3A_233 = arith.constant 0 : i32
    %dma_start3A_234 = tpu.memref_slice %arg3[%dma_start3A_233, %multiple_of3A_232] : memref<32x1000000xf32, #tpu.memory_space<hbm>> -> memref<32x128xf32, #tpu.memory_space<hbm>>
    %dma_start3A_235 = arith.constant 0 : i32
    %dma_start3A_236 = tpu.memref_slice %arg3[%dma_start3A_235, %multiple_of3A_232] : memref<32x1000000xf32, #tpu.memory_space<hbm>> -> memref<32x128xf32, #tpu.memory_space<hbm>>
    tpu.enqueue_dma source(%dma_start3A_236 : memref<32x128xf32, #tpu.memory_space<hbm>>) target(%arg14 : memref<32x128xf32, #tpu.memory_space<vmem>>) target_semaphore(%arg23 : memref<!tpu.dma_semaphore, #tpu.memory_space<semaphore_mem>>)
    %multiple_of3A_237 = arith.constant 0 : i32
    %multiple_of3A_238 = tpu.assume_multiple %multiple_of3A_237, 16 : i32
    %get3A_239 = arith.index_cast %multiple_of3A_238 : i32 to index
    %get3A_240 = tpu.vector_load %arg5[%get3A_239] {strides = array<i32>} : memref<512xi32, #tpu.memory_space<vmem>>, vector<16xi32>,
    %eq3A_241 = arith.constant 9 : i32
    %eq3A_242 = vector.broadcast %eq3A_241 : i32 to vector<16xi32>
    %eq3A_243 = arith.cmpi eq, %iota3A, %eq3A_242 : vector<16xi32>
    %jit3A_244 = arith.constant 0 : i32
    %broadcast_in_dim3A_245 = vector.broadcast %jit3A_244 : i32 to vector<16xi32>
    %select_n3A_246 = arith.select %eq3A_243, %get3A_240, %broadcast_in_dim3A_245 : vector<16xi1>, vector<16xi32>
    %reduce_max3A_247 = arith.constant true
    %reduce_max3A_248 = vector.broadcast %reduce_max3A_247 : i1 to vector<16xi1>
    %reduce_max3A_249 = arith.constant -2147483648 : i32
    %reduce_max3A_250 = vector.broadcast %reduce_max3A_249 : i32 to vector<16xi32>
    %reduce_max3A_251 = arith.xori %select_n3A_246, %reduce_max3A_250 : vector<16xi32>
    %reduce_max3A_252 = tpu.scan <max>, %reduce_max3A_251 masked %reduce_max3A_248 : vector<16xi32>, vector<16xi1> -> vector<16xi32>
    %reduce_max3A_253 = arith.xori %reduce_max3A_252, %reduce_max3A_250 : vector<16xi32>
    %reduce_max3A_254 = vector.extract %reduce_max3A_253[15] : i32 from vector<16xi32>
    %shift_right_arithmetic3A_255 = arith.constant 7 : i32
    %shift_right_arithmetic3A_256 = arith.shrsi %reduce_max3A_254, %shift_right_arithmetic3A_255 : i32
    %mul3A_257 = arith.constant 128 : i32
    %mul3A_258 = arith.muli %shift_right_arithmetic3A_256, %mul3A_257 : i32
    %multiple_of3A_259 = tpu.assume_multiple %mul3A_258, 128 : i32
    %dma_start3A_260 = arith.constant 0 : i32
    %dma_start3A_261 = tpu.memref_slice %arg3[%dma_start3A_260, %multiple_of3A_259] : memref<32x1000000xf32, #tpu.memory_space<hbm>> -> memref<32x128xf32, #tpu.memory_space<hbm>>
    %dma_start3A_262 = arith.constant 0 : i32
    %dma_start3A_263 = tpu.memref_slice %arg3[%dma_start3A_262, %multiple_of3A_259] : memref<32x1000000xf32, #tpu.memory_space<hbm>> -> memref<32x128xf32, #tpu.memory_space<hbm>>
    tpu.enqueue_dma source(%dma_start3A_263 : memref<32x128xf32, #tpu.memory_space<hbm>>) target(%arg15 : memref<32x128xf32, #tpu.memory_space<vmem>>) target_semaphore(%arg24 : memref<!tpu.dma_semaphore, #tpu.memory_space<semaphore_mem>>)
    %multiple_of3A_264 = arith.constant 0 : i32
    %multiple_of3A_265 = tpu.assume_multiple %multiple_of3A_264, 16 : i32
    %get3A_266 = arith.index_cast %multiple_of3A_265 : i32 to index
    %get3A_267 = tpu.vector_load %arg5[%get3A_266] {strides = array<i32>} : memref<512xi32, #tpu.memory_space<vmem>>, vector<16xi32>,
    %eq3A_268 = arith.constant 10 : i32
    %eq3A_269 = vector.broadcast %eq3A_268 : i32 to vector<16xi32>
    %eq3A_270 = arith.cmpi eq, %iota3A, %eq3A_269 : vector<16xi32>
    %jit3A_271 = arith.constant 0 : i32
    %broadcast_in_dim3A_272 = vector.broadcast %jit3A_271 : i32 to vector<16xi32>
    %select_n3A_273 = arith.select %eq3A_270, %get3A_267, %broadcast_in_dim3A_272 : vector<16xi1>, vector<16xi32>
    %reduce_max3A_274 = arith.constant true
    %reduce_max3A_275 = vector.broadcast %reduce_max3A_274 : i1 to vector<16xi1>
    %reduce_max3A_276 = arith.constant -2147483648 : i32
    %reduce_max3A_277 = vector.broadcast %reduce_max3A_276 : i32 to vector<16xi32>
    %reduce_max3A_278 = arith.xori %select_n3A_273, %reduce_max3A_277 : vector<16xi32>
    %reduce_max3A_279 = tpu.scan <max>, %reduce_max3A_278 masked %reduce_max3A_275 : vector<16xi32>, vector<16xi1> -> vector<16xi32>
    %reduce_max3A_280 = arith.xori %reduce_max3A_279, %reduce_max3A_277 : vector<16xi32>
    %reduce_max3A_281 = vector.extract %reduce_max3A_280[15] : i32 from vector<16xi32>
    %shift_right_arithmetic3A_282 = arith.constant 7 : i32
    %shift_right_arithmetic3A_283 = arith.shrsi %reduce_max3A_281, %shift_right_arithmetic3A_282 : i32
    %mul3A_284 = arith.constant 128 : i32
    %mul3A_285 = arith.muli %shift_right_arithmetic3A_283, %mul3A_284 : i32
    %multiple_of3A_286 = tpu.assume_multiple %mul3A_285, 128 : i32
    %dma_start3A_287 = arith.constant 0 : i32
    %dma_start3A_288 = tpu.memref_slice %arg3[%dma_start3A_287, %multiple_of3A_286] : memref<32x1000000xf32, #tpu.memory_space<hbm>> -> memref<32x128xf32, #tpu.memory_space<hbm>>
    %dma_start3A_289 = arith.constant 0 : i32
    %dma_start3A_290 = tpu.memref_slice %arg3[%dma_start3A_289, %multiple_of3A_286] : memref<32x1000000xf32, #tpu.memory_space<hbm>> -> memref<32x128xf32, #tpu.memory_space<hbm>>
    tpu.enqueue_dma source(%dma_start3A_290 : memref<32x128xf32, #tpu.memory_space<hbm>>) target(%arg16 : memref<32x128xf32, #tpu.memory_space<vmem>>) target_semaphore(%arg25 : memref<!tpu.dma_semaphore, #tpu.memory_space<semaphore_mem>>)
    %multiple_of3A_291 = arith.constant 0 : i32
    %multiple_of3A_292 = tpu.assume_multiple %multiple_of3A_291, 16 : i32
    %get3A_293 = arith.index_cast %multiple_of3A_292 : i32 to index
    %get3A_294 = tpu.vector_load %arg5[%get3A_293] {strides = array<i32>} : memref<512xi32, #tpu.memory_space<vmem>>, vector<16xi32>,
    %eq3A_295 = arith.constant 11 : i32
    %eq3A_296 = vector.broadcast %eq3A_295 : i32 to vector<16xi32>
    %eq3A_297 = arith.cmpi eq, %iota3A, %eq3A_296 : vector<16xi32>
    %jit3A_298 = arith.constant 0 : i32
    %broadcast_in_dim3A_299 = vector.broadcast %jit3A_298 : i32 to vector<16xi32>
    %select_n3A_300 = arith.select %eq3A_297, %get3A_294, %broadcast_in_dim3A_299 : vector<16xi1>, vector<16xi32>
    %reduce_max3A_301 = arith.constant true
    %reduce_max3A_302 = vector.broadcast %reduce_max3A_301 : i1 to vector<16xi1>
    %reduce_max3A_303 = arith.constant -2147483648 : i32
    %reduce_max3A_304 = vector.broadcast %reduce_max3A_303 : i32 to vector<16xi32>
    %reduce_max3A_305 = arith.xori %select_n3A_300, %reduce_max3A_304 : vector<16xi32>
    %reduce_max3A_306 = tpu.scan <max>, %reduce_max3A_305 masked %reduce_max3A_302 : vector<16xi32>, vector<16xi1> -> vector<16xi32>
    %reduce_max3A_307 = arith.xori %reduce_max3A_306, %reduce_max3A_304 : vector<16xi32>
    %reduce_max3A_308 = vector.extract %reduce_max3A_307[15] : i32 from vector<16xi32>
    %shift_right_arithmetic3A_309 = arith.constant 7 : i32
    %shift_right_arithmetic3A_310 = arith.shrsi %reduce_max3A_308, %shift_right_arithmetic3A_309 : i32
    %mul3A_311 = arith.constant 128 : i32
    %mul3A_312 = arith.muli %shift_right_arithmetic3A_310, %mul3A_311 : i32
    %multiple_of3A_313 = tpu.assume_multiple %mul3A_312, 128 : i32
    %dma_start3A_314 = arith.constant 0 : i32
    %dma_start3A_315 = tpu.memref_slice %arg3[%dma_start3A_314, %multiple_of3A_313] : memref<32x1000000xf32, #tpu.memory_space<hbm>> -> memref<32x128xf32, #tpu.memory_space<hbm>>
    %dma_start3A_316 = arith.constant 0 : i32
    %dma_start3A_317 = tpu.memref_slice %arg3[%dma_start3A_316, %multiple_of3A_313] : memref<32x1000000xf32, #tpu.memory_space<hbm>> -> memref<32x128xf32, #tpu.memory_space<hbm>>
    tpu.enqueue_dma source(%dma_start3A_317 : memref<32x128xf32, #tpu.memory_space<hbm>>) target(%arg17 : memref<32x128xf32, #tpu.memory_space<vmem>>) target_semaphore(%arg26 : memref<!tpu.dma_semaphore, #tpu.memory_space<semaphore_mem>>)
    %multiple_of3A_318 = arith.constant 0 : i32
    %multiple_of3A_319 = tpu.assume_multiple %multiple_of3A_318, 16 : i32
    %get3A_320 = arith.index_cast %multiple_of3A_319 : i32 to index
    %get3A_321 = tpu.vector_load %arg5[%get3A_320] {strides = array<i32>} : memref<512xi32, #tpu.memory_space<vmem>>, vector<16xi32>,
    %eq3A_322 = arith.constant 12 : i32
    %eq3A_323 = vector.broadcast %eq3A_322 : i32 to vector<16xi32>
    %eq3A_324 = arith.cmpi eq, %iota3A, %eq3A_323 : vector<16xi32>
    %jit3A_325 = arith.constant 0 : i32
    %broadcast_in_dim3A_326 = vector.broadcast %jit3A_325 : i32 to vector<16xi32>
    %select_n3A_327 = arith.select %eq3A_324, %get3A_321, %broadcast_in_dim3A_326 : vector<16xi1>, vector<16xi32>
    %reduce_max3A_328 = arith.constant true
    %reduce_max3A_329 = vector.broadcast %reduce_max3A_328 : i1 to vector<16xi1>
    %reduce_max3A_330 = arith.constant -2147483648 : i32
    %reduce_max3A_331 = vector.broadcast %reduce_max3A_330 : i32 to vector<16xi32>
    %reduce_max3A_332 = arith.xori %select_n3A_327, %reduce_max3A_331 : vector<16xi32>
    %reduce_max3A_333 = tpu.scan <max>, %reduce_max3A_332 masked %reduce_max3A_329 : vector<16xi32>, vector<16xi1> -> vector<16xi32>
    %reduce_max3A_334 = arith.xori %reduce_max3A_333, %reduce_max3A_331 : vector<16xi32>
    %reduce_max3A_335 = vector.extract %reduce_max3A_334[15] : i32 from vector<16xi32>
    %shift_right_arithmetic3A_336 = arith.constant 7 : i32
    %shift_right_arithmetic3A_337 = arith.shrsi %reduce_max3A_335, %shift_right_arithmetic3A_336 : i32
    %mul3A_338 = arith.constant 128 : i32
    %mul3A_339 = arith.muli %shift_right_arithmetic3A_337, %mul3A_338 : i32
    %multiple_of3A_340 = tpu.assume_multiple %mul3A_339, 128 : i32
    %dma_start3A_341 = arith.constant 0 : i32
    %dma_start3A_342 = tpu.memref_slice %arg3[%dma_start3A_341, %multiple_of3A_340] : memref<32x1000000xf32, #tpu.memory_space<hbm>> -> memref<32x128xf32, #tpu.memory_space<hbm>>
    %dma_start3A_343 = arith.constant 0 : i32
    %dma_start3A_344 = tpu.memref_slice %arg3[%dma_start3A_343, %multiple_of3A_340] : memref<32x1000000xf32, #tpu.memory_space<hbm>> -> memref<32x128xf32, #tpu.memory_space<hbm>>
    tpu.enqueue_dma source(%dma_start3A_344 : memref<32x128xf32, #tpu.memory_space<hbm>>) target(%arg18 : memref<32x128xf32, #tpu.memory_space<vmem>>) target_semaphore(%arg23 : memref<!tpu.dma_semaphore, #tpu.memory_space<semaphore_mem>>)
    %multiple_of3A_345 = arith.constant 0 : i32
    %multiple_of3A_346 = tpu.assume_multiple %multiple_of3A_345, 16 : i32
    %get3A_347 = arith.index_cast %multiple_of3A_346 : i32 to index
    %get3A_348 = tpu.vector_load %arg5[%get3A_347] {strides = array<i32>} : memref<512xi32, #tpu.memory_space<vmem>>, vector<16xi32>,
    %eq3A_349 = arith.constant 13 : i32
    %eq3A_350 = vector.broadcast %eq3A_349 : i32 to vector<16xi32>
    %eq3A_351 = arith.cmpi eq, %iota3A, %eq3A_350 : vector<16xi32>
    %jit3A_352 = arith.constant 0 : i32
    %broadcast_in_dim3A_353 = vector.broadcast %jit3A_352 : i32 to vector<16xi32>
    %select_n3A_354 = arith.select %eq3A_351, %get3A_348, %broadcast_in_dim3A_353 : vector<16xi1>, vector<16xi32>
    %reduce_max3A_355 = arith.constant true
    %reduce_max3A_356 = vector.broadcast %reduce_max3A_355 : i1 to vector<16xi1>
    %reduce_max3A_357 = arith.constant -2147483648 : i32
    %reduce_max3A_358 = vector.broadcast %reduce_max3A_357 : i32 to vector<16xi32>
    %reduce_max3A_359 = arith.xori %select_n3A_354, %reduce_max3A_358 : vector<16xi32>
    %reduce_max3A_360 = tpu.scan <max>, %reduce_max3A_359 masked %reduce_max3A_356 : vector<16xi32>, vector<16xi1> -> vector<16xi32>
    %reduce_max3A_361 = arith.xori %reduce_max3A_360, %reduce_max3A_358 : vector<16xi32>
    %reduce_max3A_362 = vector.extract %reduce_max3A_361[15] : i32 from vector<16xi32>
    %shift_right_arithmetic3A_363 = arith.constant 7 : i32
    %shift_right_arithmetic3A_364 = arith.shrsi %reduce_max3A_362, %shift_right_arithmetic3A_363 : i32
    %mul3A_365 = arith.constant 128 : i32
    %mul3A_366 = arith.muli %shift_right_arithmetic3A_364, %mul3A_365 : i32
    %multiple_of3A_367 = tpu.assume_multiple %mul3A_366, 128 : i32
    %dma_start3A_368 = arith.constant 0 : i32
    %dma_start3A_369 = tpu.memref_slice %arg3[%dma_start3A_368, %multiple_of3A_367] : memref<32x1000000xf32, #tpu.memory_space<hbm>> -> memref<32x128xf32, #tpu.memory_space<hbm>>
    %dma_start3A_370 = arith.constant 0 : i32
    %dma_start3A_371 = tpu.memref_slice %arg3[%dma_start3A_370, %multiple_of3A_367] : memref<32x1000000xf32, #tpu.memory_space<hbm>> -> memref<32x128xf32, #tpu.memory_space<hbm>>
    tpu.enqueue_dma source(%dma_start3A_371 : memref<32x128xf32, #tpu.memory_space<hbm>>) target(%arg19 : memref<32x128xf32, #tpu.memory_space<vmem>>) target_semaphore(%arg24 : memref<!tpu.dma_semaphore, #tpu.memory_space<semaphore_mem>>)
    %multiple_of3A_372 = arith.constant 0 : i32
    %multiple_of3A_373 = tpu.assume_multiple %multiple_of3A_372, 16 : i32
    %get3A_374 = arith.index_cast %multiple_of3A_373 : i32 to index
    %get3A_375 = tpu.vector_load %arg5[%get3A_374] {strides = array<i32>} : memref<512xi32, #tpu.memory_space<vmem>>, vector<16xi32>,
    %eq3A_376 = arith.constant 14 : i32
    %eq3A_377 = vector.broadcast %eq3A_376 : i32 to vector<16xi32>
    %eq3A_378 = arith.cmpi eq, %iota3A, %eq3A_377 : vector<16xi32>
    %jit3A_379 = arith.constant 0 : i32
    %broadcast_in_dim3A_380 = vector.broadcast %jit3A_379 : i32 to vector<16xi32>
    %select_n3A_381 = arith.select %eq3A_378, %get3A_375, %broadcast_in_dim3A_380 : vector<16xi1>, vector<16xi32>
    %reduce_max3A_382 = arith.constant true
    %reduce_max3A_383 = vector.broadcast %reduce_max3A_382 : i1 to vector<16xi1>
    %reduce_max3A_384 = arith.constant -2147483648 : i32
    %reduce_max3A_385 = vector.broadcast %reduce_max3A_384 : i32 to vector<16xi32>
    %reduce_max3A_386 = arith.xori %select_n3A_381, %reduce_max3A_385 : vector<16xi32>
    %reduce_max3A_387 = tpu.scan <max>, %reduce_max3A_386 masked %reduce_max3A_383 : vector<16xi32>, vector<16xi1> -> vector<16xi32>
    %reduce_max3A_388 = arith.xori %reduce_max3A_387, %reduce_max3A_385 : vector<16xi32>
    %reduce_max3A_389 = vector.extract %reduce_max3A_388[15] : i32 from vector<16xi32>
    %shift_right_arithmetic3A_390 = arith.constant 7 : i32
    %shift_right_arithmetic3A_391 = arith.shrsi %reduce_max3A_389, %shift_right_arithmetic3A_390 : i32
    %mul3A_392 = arith.constant 128 : i32
    %mul3A_393 = arith.muli %shift_right_arithmetic3A_391, %mul3A_392 : i32
    %multiple_of3A_394 = tpu.assume_multiple %mul3A_393, 128 : i32
    %dma_start3A_395 = arith.constant 0 : i32
    %dma_start3A_396 = tpu.memref_slice %arg3[%dma_start3A_395, %multiple_of3A_394] : memref<32x1000000xf32, #tpu.memory_space<hbm>> -> memref<32x128xf32, #tpu.memory_space<hbm>>
    %dma_start3A_397 = arith.constant 0 : i32
    %dma_start3A_398 = tpu.memref_slice %arg3[%dma_start3A_397, %multiple_of3A_394] : memref<32x1000000xf32, #tpu.memory_space<hbm>> -> memref<32x128xf32, #tpu.memory_space<hbm>>
    tpu.enqueue_dma source(%dma_start3A_398 : memref<32x128xf32, #tpu.memory_space<hbm>>) target(%arg20 : memref<32x128xf32, #tpu.memory_space<vmem>>) target_semaphore(%arg25 : memref<!tpu.dma_semaphore, #tpu.memory_space<semaphore_mem>>)
    %multiple_of3A_399 = arith.constant 0 : i32
    %multiple_of3A_400 = tpu.assume_multiple %multiple_of3A_399, 16 : i32
    %get3A_401 = arith.index_cast %multiple_of3A_400 : i32 to index
    %get3A_402 = tpu.vector_load %arg5[%get3A_401] {strides = array<i32>} : memref<512xi32, #tpu.memory_space<vmem>>, vector<16xi32>,
    %eq3A_403 = arith.constant 15 : i32
    %eq3A_404 = vector.broadcast %eq3A_403 : i32 to vector<16xi32>
    %eq3A_405 = arith.cmpi eq, %iota3A, %eq3A_404 : vector<16xi32>
    %jit3A_406 = arith.constant 0 : i32
    %broadcast_in_dim3A_407 = vector.broadcast %jit3A_406 : i32 to vector<16xi32>
    %select_n3A_408 = arith.select %eq3A_405, %get3A_402, %broadcast_in_dim3A_407 : vector<16xi1>, vector<16xi32>
    %reduce_max3A_409 = arith.constant true
    %reduce_max3A_410 = vector.broadcast %reduce_max3A_409 : i1 to vector<16xi1>
    %reduce_max3A_411 = arith.constant -2147483648 : i32
    %reduce_max3A_412 = vector.broadcast %reduce_max3A_411 : i32 to vector<16xi32>
    %reduce_max3A_413 = arith.xori %select_n3A_408, %reduce_max3A_412 : vector<16xi32>
    %reduce_max3A_414 = tpu.scan <max>, %reduce_max3A_413 masked %reduce_max3A_410 : vector<16xi32>, vector<16xi1> -> vector<16xi32>
    %reduce_max3A_415 = arith.xori %reduce_max3A_414, %reduce_max3A_412 : vector<16xi32>
    %reduce_max3A_416 = vector.extract %reduce_max3A_415[15] : i32 from vector<16xi32>
    %shift_right_arithmetic3A_417 = arith.constant 7 : i32
    %shift_right_arithmetic3A_418 = arith.shrsi %reduce_max3A_416, %shift_right_arithmetic3A_417 : i32
    %mul3A_419 = arith.constant 128 : i32
    %mul3A_420 = arith.muli %shift_right_arithmetic3A_418, %mul3A_419 : i32
    %multiple_of3A_421 = tpu.assume_multiple %mul3A_420, 128 : i32
    %dma_start3A_422 = arith.constant 0 : i32
    %dma_start3A_423 = tpu.memref_slice %arg3[%dma_start3A_422, %multiple_of3A_421] : memref<32x1000000xf32, #tpu.memory_space<hbm>> -> memref<32x128xf32, #tpu.memory_space<hbm>>
    %dma_start3A_424 = arith.constant 0 : i32
    %dma_start3A_425 = tpu.memref_slice %arg3[%dma_start3A_424, %multiple_of3A_421] : memref<32x1000000xf32, #tpu.memory_space<hbm>> -> memref<32x128xf32, #tpu.memory_space<hbm>>
    tpu.enqueue_dma source(%dma_start3A_425 : memref<32x128xf32, #tpu.memory_space<hbm>>) target(%arg21 : memref<32x128xf32, #tpu.memory_space<vmem>>) target_semaphore(%arg26 : memref<!tpu.dma_semaphore, #tpu.memory_space<semaphore_mem>>)
    %scan3A = arith.constant 0 : i32
    %scan3A_426 = arith.constant 0 : i32
    %scan3A_427 = arith.constant 32 : i32
    %scan3A_428 = arith.addi %scan3A_426, %scan3A_427 : i32
    %scan3A_429 = arith.constant 1 : i32
    %scan3A_430 = scf.for %scan3A_432 = %scan3A_426 to %scan3A_428 step %scan3A_429 iter_args(%scan3A_433 = %scan3A) -> (i32)  : i32 {
      %mul3A_434 = arith.constant 16 : i32
      %mul3A_435 = arith.muli %scan3A_432, %mul3A_434 : i32
      %add3A_436 = arith.constant 0 : i32
      %add3A_437 = arith.addi %mul3A_435, %add3A_436 : i32
      %shift_right_arithmetic3A_438 = arith.constant 4 : i32
      %shift_right_arithmetic3A_439 = arith.shrsi %add3A_437, %shift_right_arithmetic3A_438 : i32
      %mul3A_440 = arith.constant 16 : i32
      %mul3A_441 = arith.muli %shift_right_arithmetic3A_439, %mul3A_440 : i32
      %multiple_of3A_442 = tpu.assume_multiple %mul3A_441, 16 : i32
      %get3A_443 = arith.index_cast %multiple_of3A_442 : i32 to index
      %get3A_444 = tpu.vector_load %arg5[%get3A_443] {strides = array<i32>} : memref<512xi32, #tpu.memory_space<vmem>>, vector<16xi32>,
      %and3A = arith.constant 15 : i32
      %and3A_445 = arith.andi %add3A_437, %and3A : i32
      %eq3A_446 = vector.broadcast %and3A_445 : i32 to vector<16xi32>
      %eq3A_447 = arith.cmpi eq, %iota3A, %eq3A_446 : vector<16xi32>
      %jit3A_448 = arith.constant 0 : i32
      %broadcast_in_dim3A_449 = vector.broadcast %jit3A_448 : i32 to vector<16xi32>
      %select_n3A_450 = arith.select %eq3A_447, %get3A_444, %broadcast_in_dim3A_449 : vector<16xi1>, vector<16xi32>
      %reduce_max3A_451 = arith.constant true
      %reduce_max3A_452 = vector.broadcast %reduce_max3A_451 : i1 to vector<16xi1>
      %reduce_max3A_453 = arith.constant -2147483648 : i32
      %reduce_max3A_454 = vector.broadcast %reduce_max3A_453 : i32 to vector<16xi32>
      %reduce_max3A_455 = arith.xori %select_n3A_450, %reduce_max3A_454 : vector<16xi32>
      %reduce_max3A_456 = tpu.scan <max>, %reduce_max3A_455 masked %reduce_max3A_452 : vector<16xi32>, vector<16xi1> -> vector<16xi32>
      %reduce_max3A_457 = arith.xori %reduce_max3A_456, %reduce_max3A_454 : vector<16xi32>
      %reduce_max3A_458 = vector.extract %reduce_max3A_457[15] : i32 from vector<16xi32>
      %shift_right_arithmetic3A_459 = arith.constant 7 : i32
      %shift_right_arithmetic3A_460 = arith.shrsi %reduce_max3A_458, %shift_right_arithmetic3A_459 : i32
      %mul3A_461 = arith.constant 128 : i32
      %mul3A_462 = arith.muli %shift_right_arithmetic3A_460, %mul3A_461 : i32
      %multiple_of3A_463 = tpu.assume_multiple %mul3A_462, 128 : i32
      %dma_wait3A = arith.constant 0 : i32
      %dma_wait3A_464 = tpu.memref_slice %arg3[%dma_wait3A, %multiple_of3A_463] : memref<32x1000000xf32, #tpu.memory_space<hbm>> -> memref<32x128xf32, #tpu.memory_space<hbm>>
      %dma_wait3A_465 = arith.constant 0 : i32
      %dma_wait3A_466 = tpu.memref_slice %arg3[%dma_wait3A_465, %multiple_of3A_463] : memref<32x1000000xf32, #tpu.memory_space<hbm>> -> memref<32x128xf32, #tpu.memory_space<hbm>>
      tpu.wait_dma2 semaphore(%arg23 : memref<!tpu.dma_semaphore, #tpu.memory_space<semaphore_mem>>) src(%dma_wait3A_466 : memref<32x128xf32, #tpu.memory_space<hbm>>) dst(%arg6 : memref<32x128xf32, #tpu.memory_space<vmem>>)
      %shift_right_arithmetic3A_467 = arith.constant 4 : i32
      %shift_right_arithmetic3A_468 = arith.shrsi %add3A_437, %shift_right_arithmetic3A_467 : i32
      %mul3A_469 = arith.constant 16 : i32
      %mul3A_470 = arith.muli %shift_right_arithmetic3A_468, %mul3A_469 : i32
      %multiple_of3A_471 = tpu.assume_multiple %mul3A_470, 16 : i32
      %get3A_472 = arith.index_cast %multiple_of3A_471 : i32 to index
      %get3A_473 = tpu.vector_load %arg5[%get3A_472] {strides = array<i32>} : memref<512xi32, #tpu.memory_space<vmem>>, vector<16xi32>,
      %and3A_474 = arith.constant 15 : i32
      %and3A_475 = arith.andi %add3A_437, %and3A_474 : i32
      %eq3A_476 = vector.broadcast %and3A_475 : i32 to vector<16xi32>
      %eq3A_477 = arith.cmpi eq, %iota3A, %eq3A_476 : vector<16xi32>
      %jit3A_478 = arith.constant 0 : i32
      %broadcast_in_dim3A_479 = vector.broadcast %jit3A_478 : i32 to vector<16xi32>
      %select_n3A_480 = arith.select %eq3A_477, %get3A_473, %broadcast_in_dim3A_479 : vector<16xi1>, vector<16xi32>
      %reduce_max3A_481 = arith.constant true
      %reduce_max3A_482 = vector.broadcast %reduce_max3A_481 : i1 to vector<16xi1>
      %reduce_max3A_483 = arith.constant -2147483648 : i32
      %reduce_max3A_484 = vector.broadcast %reduce_max3A_483 : i32 to vector<16xi32>
      %reduce_max3A_485 = arith.xori %select_n3A_480, %reduce_max3A_484 : vector<16xi32>
      %reduce_max3A_486 = tpu.scan <max>, %reduce_max3A_485 masked %reduce_max3A_482 : vector<16xi32>, vector<16xi1> -> vector<16xi32>
      %reduce_max3A_487 = arith.xori %reduce_max3A_486, %reduce_max3A_484 : vector<16xi32>
      %reduce_max3A_488 = vector.extract %reduce_max3A_487[15] : i32 from vector<16xi32>
      %and3A_489 = arith.constant 127 : i32
      %and3A_490 = arith.andi %reduce_max3A_488, %and3A_489 : i32
      %broadcast_in_dim3A_491 = vector.broadcast %and3A_490 : i32 to vector<16xi32>
      %broadcast_in_dim3A_492 = vector.broadcast %add3A_437 : i32 to vector<16xi32>
      %add3A_493 = arith.constant 0 : i32
      %add3A_494 = vector.broadcast %add3A_493 : i32 to vector<16xi32>
      %add3A_495 = arith.addi %add3A_494, %iota3A : vector<16xi32>
      %gather3A = tpu.vector_load_idx %arg6[%add3A_495, %broadcast_in_dim3A_491] : memref<32x128xf32, #tpu.memory_space<vmem>>[vector<16xi32>, vector<16xi32>], vector<16xf32>,
      %add3A_496 = arith.constant 0 : i32
      %add3A_497 = vector.broadcast %add3A_496 : i32 to vector<16xi32>
      %add3A_498 = arith.addi %add3A_497, %iota3A : vector<16xi32>
      tpu.vector_store_idx %arg22[%add3A_498, %broadcast_in_dim3A_492], %gather3A : memref<32x512xf32, #tpu.memory_space<vmem>>[vector<16xi32>, vector<16xi32>], vector<16xf32>,
      %add3A_499 = arith.constant 16 : i32
      %add3A_500 = vector.broadcast %add3A_499 : i32 to vector<16xi32>
      %add3A_501 = arith.addi %add3A_500, %iota3A : vector<16xi32>
      %gather3A_502 = tpu.vector_load_idx %arg6[%add3A_501, %broadcast_in_dim3A_491] : memref<32x128xf32, #tpu.memory_space<vmem>>[vector<16xi32>, vector<16xi32>], vector<16xf32>,
      %add3A_503 = arith.constant 16 : i32
      %add3A_504 = vector.broadcast %add3A_503 : i32 to vector<16xi32>
      %add3A_505 = arith.addi %add3A_504, %iota3A : vector<16xi32>
      tpu.vector_store_idx %arg22[%add3A_505, %broadcast_in_dim3A_492], %gather3A_502 : memref<32x512xf32, #tpu.memory_space<vmem>>[vector<16xi32>, vector<16xi32>], vector<16xf32>,
      %add3A_506 = arith.constant 16 : i32
      %add3A_507 = arith.addi %add3A_437, %add3A_506 : i32
      %lt3A = arith.constant 512 : i32
      %lt3A_508 = arith.cmpi slt, %add3A_507, %lt3A : i32
      %convert_element_type3A = arith.extui %lt3A_508 : i1 to i32
      %cond3A = arith.constant 0 : i32
      %cond3A_509 = arith.cmpi ne, %convert_element_type3A, %cond3A : i32
      scf.if %cond3A_509 {
        %add3A_1741 = arith.constant 16 : i32
        %add3A_1742 = arith.addi %add3A_437, %add3A_1741 : i32
        %shift_right_arithmetic3A_1743 = arith.constant 4 : i32
        %shift_right_arithmetic3A_1744 = arith.shrsi %add3A_1742, %shift_right_arithmetic3A_1743 : i32
        %mul3A_1745 = arith.constant 16 : i32
        %mul3A_1746 = arith.muli %shift_right_arithmetic3A_1744, %mul3A_1745 : i32
        %multiple_of3A_1747 = tpu.assume_multiple %mul3A_1746, 16 : i32
        %get3A_1748 = arith.index_cast %multiple_of3A_1747 : i32 to index
        %get3A_1749 = tpu.vector_load %arg5[%get3A_1748] {strides = array<i32>} : memref<512xi32, #tpu.memory_space<vmem>>, vector<16xi32>,
        %and3A_1750 = arith.constant 15 : i32
        %and3A_1751 = arith.andi %add3A_1742, %and3A_1750 : i32
        %eq3A_1752 = vector.broadcast %and3A_1751 : i32 to vector<16xi32>
        %eq3A_1753 = arith.cmpi eq, %iota3A, %eq3A_1752 : vector<16xi32>
        %jit3A_1754 = arith.constant 0 : i32
        %broadcast_in_dim3A_1755 = vector.broadcast %jit3A_1754 : i32 to vector<16xi32>
        %select_n3A_1756 = arith.select %eq3A_1753, %get3A_1749, %broadcast_in_dim3A_1755 : vector<16xi1>, vector<16xi32>
        %reduce_max3A_1757 = arith.constant true
        %reduce_max3A_1758 = vector.broadcast %reduce_max3A_1757 : i1 to vector<16xi1>
        %reduce_max3A_1759 = arith.constant -2147483648 : i32
        %reduce_max3A_1760 = vector.broadcast %reduce_max3A_1759 : i32 to vector<16xi32>
        %reduce_max3A_1761 = arith.xori %select_n3A_1756, %reduce_max3A_1760 : vector<16xi32>
        %reduce_max3A_1762 = tpu.scan <max>, %reduce_max3A_1761 masked %reduce_max3A_1758 : vector<16xi32>, vector<16xi1> -> vector<16xi32>
        %reduce_max3A_1763 = arith.xori %reduce_max3A_1762, %reduce_max3A_1760 : vector<16xi32>
        %reduce_max3A_1764 = vector.extract %reduce_max3A_1763[15] : i32 from vector<16xi32>
        %shift_right_arithmetic3A_1765 = arith.constant 7 : i32
        %shift_right_arithmetic3A_1766 = arith.shrsi %reduce_max3A_1764, %shift_right_arithmetic3A_1765 : i32
        %mul3A_1767 = arith.constant 128 : i32
        %mul3A_1768 = arith.muli %shift_right_arithmetic3A_1766, %mul3A_1767 : i32
        %multiple_of3A_1769 = tpu.assume_multiple %mul3A_1768, 128 : i32
        %dma_start3A_1770 = arith.constant 0 : i32
        %dma_start3A_1771 = tpu.memref_slice %arg3[%dma_start3A_1770, %multiple_of3A_1769] : memref<32x1000000xf32, #tpu.memory_space<hbm>> -> memref<32x128xf32, #tpu.memory_space<hbm>>
        %dma_start3A_1772 = arith.constant 0 : i32
        %dma_start3A_1773 = tpu.memref_slice %arg3[%dma_start3A_1772, %multiple_of3A_1769] : memref<32x1000000xf32, #tpu.memory_space<hbm>> -> memref<32x128xf32, #tpu.memory_space<hbm>>
        tpu.enqueue_dma source(%dma_start3A_1773 : memref<32x128xf32, #tpu.memory_space<hbm>>) target(%arg6 : memref<32x128xf32, #tpu.memory_space<vmem>>) target_semaphore(%arg23 : memref<!tpu.dma_semaphore, #tpu.memory_space<semaphore_mem>>)
      } else {
      }
      %mul3A_510 = arith.constant 16 : i32
      %mul3A_511 = arith.muli %scan3A_432, %mul3A_510 : i32
      %add3A_512 = arith.constant 1 : i32
      %add3A_513 = arith.addi %mul3A_511, %add3A_512 : i32
      %shift_right_arithmetic3A_514 = arith.constant 4 : i32
      %shift_right_arithmetic3A_515 = arith.shrsi %add3A_513, %shift_right_arithmetic3A_514 : i32
      %mul3A_516 = arith.constant 16 : i32
      %mul3A_517 = arith.muli %shift_right_arithmetic3A_515, %mul3A_516 : i32
      %multiple_of3A_518 = tpu.assume_multiple %mul3A_517, 16 : i32
      %get3A_519 = arith.index_cast %multiple_of3A_518 : i32 to index
      %get3A_520 = tpu.vector_load %arg5[%get3A_519] {strides = array<i32>} : memref<512xi32, #tpu.memory_space<vmem>>, vector<16xi32>,
      %and3A_521 = arith.constant 15 : i32
      %and3A_522 = arith.andi %add3A_513, %and3A_521 : i32
      %eq3A_523 = vector.broadcast %and3A_522 : i32 to vector<16xi32>
      %eq3A_524 = arith.cmpi eq, %iota3A, %eq3A_523 : vector<16xi32>
      %jit3A_525 = arith.constant 0 : i32
      %broadcast_in_dim3A_526 = vector.broadcast %jit3A_525 : i32 to vector<16xi32>
      %select_n3A_527 = arith.select %eq3A_524, %get3A_520, %broadcast_in_dim3A_526 : vector<16xi1>, vector<16xi32>
      %reduce_max3A_528 = arith.constant true
      %reduce_max3A_529 = vector.broadcast %reduce_max3A_528 : i1 to vector<16xi1>
      %reduce_max3A_530 = arith.constant -2147483648 : i32
      %reduce_max3A_531 = vector.broadcast %reduce_max3A_530 : i32 to vector<16xi32>
      %reduce_max3A_532 = arith.xori %select_n3A_527, %reduce_max3A_531 : vector<16xi32>
      %reduce_max3A_533 = tpu.scan <max>, %reduce_max3A_532 masked %reduce_max3A_529 : vector<16xi32>, vector<16xi1> -> vector<16xi32>
      %reduce_max3A_534 = arith.xori %reduce_max3A_533, %reduce_max3A_531 : vector<16xi32>
      %reduce_max3A_535 = vector.extract %reduce_max3A_534[15] : i32 from vector<16xi32>
      %shift_right_arithmetic3A_536 = arith.constant 7 : i32
      %shift_right_arithmetic3A_537 = arith.shrsi %reduce_max3A_535, %shift_right_arithmetic3A_536 : i32
      %mul3A_538 = arith.constant 128 : i32
      %mul3A_539 = arith.muli %shift_right_arithmetic3A_537, %mul3A_538 : i32
      %multiple_of3A_540 = tpu.assume_multiple %mul3A_539, 128 : i32
      %dma_wait3A_541 = arith.constant 0 : i32
      %dma_wait3A_542 = tpu.memref_slice %arg3[%dma_wait3A_541, %multiple_of3A_540] : memref<32x1000000xf32, #tpu.memory_space<hbm>> -> memref<32x128xf32, #tpu.memory_space<hbm>>
      %dma_wait3A_543 = arith.constant 0 : i32
      %dma_wait3A_544 = tpu.memref_slice %arg3[%dma_wait3A_543, %multiple_of3A_540] : memref<32x1000000xf32, #tpu.memory_space<hbm>> -> memref<32x128xf32, #tpu.memory_space<hbm>>
      tpu.wait_dma2 semaphore(%arg24 : memref<!tpu.dma_semaphore, #tpu.memory_space<semaphore_mem>>) src(%dma_wait3A_544 : memref<32x128xf32, #tpu.memory_space<hbm>>) dst(%arg7 : memref<32x128xf32, #tpu.memory_space<vmem>>)
      %shift_right_arithmetic3A_545 = arith.constant 4 : i32
      %shift_right_arithmetic3A_546 = arith.shrsi %add3A_513, %shift_right_arithmetic3A_545 : i32
      %mul3A_547 = arith.constant 16 : i32
      %mul3A_548 = arith.muli %shift_right_arithmetic3A_546, %mul3A_547 : i32
      %multiple_of3A_549 = tpu.assume_multiple %mul3A_548, 16 : i32
      %get3A_550 = arith.index_cast %multiple_of3A_549 : i32 to index
      %get3A_551 = tpu.vector_load %arg5[%get3A_550] {strides = array<i32>} : memref<512xi32, #tpu.memory_space<vmem>>, vector<16xi32>,
      %and3A_552 = arith.constant 15 : i32
      %and3A_553 = arith.andi %add3A_513, %and3A_552 : i32
      %eq3A_554 = vector.broadcast %and3A_553 : i32 to vector<16xi32>
      %eq3A_555 = arith.cmpi eq, %iota3A, %eq3A_554 : vector<16xi32>
      %jit3A_556 = arith.constant 0 : i32
      %broadcast_in_dim3A_557 = vector.broadcast %jit3A_556 : i32 to vector<16xi32>
      %select_n3A_558 = arith.select %eq3A_555, %get3A_551, %broadcast_in_dim3A_557 : vector<16xi1>, vector<16xi32>
      %reduce_max3A_559 = arith.constant true
      %reduce_max3A_560 = vector.broadcast %reduce_max3A_559 : i1 to vector<16xi1>
      %reduce_max3A_561 = arith.constant -2147483648 : i32
      %reduce_max3A_562 = vector.broadcast %reduce_max3A_561 : i32 to vector<16xi32>
      %reduce_max3A_563 = arith.xori %select_n3A_558, %reduce_max3A_562 : vector<16xi32>
      %reduce_max3A_564 = tpu.scan <max>, %reduce_max3A_563 masked %reduce_max3A_560 : vector<16xi32>, vector<16xi1> -> vector<16xi32>
      %reduce_max3A_565 = arith.xori %reduce_max3A_564, %reduce_max3A_562 : vector<16xi32>
      %reduce_max3A_566 = vector.extract %reduce_max3A_565[15] : i32 from vector<16xi32>
      %and3A_567 = arith.constant 127 : i32
      %and3A_568 = arith.andi %reduce_max3A_566, %and3A_567 : i32
      %broadcast_in_dim3A_569 = vector.broadcast %and3A_568 : i32 to vector<16xi32>
      %broadcast_in_dim3A_570 = vector.broadcast %add3A_513 : i32 to vector<16xi32>
      %add3A_571 = arith.constant 0 : i32
      %add3A_572 = vector.broadcast %add3A_571 : i32 to vector<16xi32>
      %add3A_573 = arith.addi %add3A_572, %iota3A : vector<16xi32>
      %gather3A_574 = tpu.vector_load_idx %arg7[%add3A_573, %broadcast_in_dim3A_569] : memref<32x128xf32, #tpu.memory_space<vmem>>[vector<16xi32>, vector<16xi32>], vector<16xf32>,
      %add3A_575 = arith.constant 0 : i32
      %add3A_576 = vector.broadcast %add3A_575 : i32 to vector<16xi32>
      %add3A_577 = arith.addi %add3A_576, %iota3A : vector<16xi32>
      tpu.vector_store_idx %arg22[%add3A_577, %broadcast_in_dim3A_570], %gather3A_574 : memref<32x512xf32, #tpu.memory_space<vmem>>[vector<16xi32>, vector<16xi32>], vector<16xf32>,
      %add3A_578 = arith.constant 16 : i32
      %add3A_579 = vector.broadcast %add3A_578 : i32 to vector<16xi32>
      %add3A_580 = arith.addi %add3A_579, %iota3A : vector<16xi32>
      %gather3A_581 = tpu.vector_load_idx %arg7[%add3A_580, %broadcast_in_dim3A_569] : memref<32x128xf32, #tpu.memory_space<vmem>>[vector<16xi32>, vector<16xi32>], vector<16xf32>,
      %add3A_582 = arith.constant 16 : i32
      %add3A_583 = vector.broadcast %add3A_582 : i32 to vector<16xi32>
      %add3A_584 = arith.addi %add3A_583, %iota3A : vector<16xi32>
      tpu.vector_store_idx %arg22[%add3A_584, %broadcast_in_dim3A_570], %gather3A_581 : memref<32x512xf32, #tpu.memory_space<vmem>>[vector<16xi32>, vector<16xi32>], vector<16xf32>,
      %add3A_585 = arith.constant 16 : i32
      %add3A_586 = arith.addi %add3A_513, %add3A_585 : i32
      %lt3A_587 = arith.constant 512 : i32
      %lt3A_588 = arith.cmpi slt, %add3A_586, %lt3A_587 : i32
      %convert_element_type3A_589 = arith.extui %lt3A_588 : i1 to i32
      %cond3A_590 = arith.constant 0 : i32
      %cond3A_591 = arith.cmpi ne, %convert_element_type3A_589, %cond3A_590 : i32
      scf.if %cond3A_591 {
        %add3A_1741 = arith.constant 16 : i32
        %add3A_1742 = arith.addi %add3A_513, %add3A_1741 : i32
        %shift_right_arithmetic3A_1743 = arith.constant 4 : i32
        %shift_right_arithmetic3A_1744 = arith.shrsi %add3A_1742, %shift_right_arithmetic3A_1743 : i32
        %mul3A_1745 = arith.constant 16 : i32
        %mul3A_1746 = arith.muli %shift_right_arithmetic3A_1744, %mul3A_1745 : i32
        %multiple_of3A_1747 = tpu.assume_multiple %mul3A_1746, 16 : i32
        %get3A_1748 = arith.index_cast %multiple_of3A_1747 : i32 to index
        %get3A_1749 = tpu.vector_load %arg5[%get3A_1748] {strides = array<i32>} : memref<512xi32, #tpu.memory_space<vmem>>, vector<16xi32>,
        %and3A_1750 = arith.constant 15 : i32
        %and3A_1751 = arith.andi %add3A_1742, %and3A_1750 : i32
        %eq3A_1752 = vector.broadcast %and3A_1751 : i32 to vector<16xi32>
        %eq3A_1753 = arith.cmpi eq, %iota3A, %eq3A_1752 : vector<16xi32>
        %jit3A_1754 = arith.constant 0 : i32
        %broadcast_in_dim3A_1755 = vector.broadcast %jit3A_1754 : i32 to vector<16xi32>
        %select_n3A_1756 = arith.select %eq3A_1753, %get3A_1749, %broadcast_in_dim3A_1755 : vector<16xi1>, vector<16xi32>
        %reduce_max3A_1757 = arith.constant true
        %reduce_max3A_1758 = vector.broadcast %reduce_max3A_1757 : i1 to vector<16xi1>
        %reduce_max3A_1759 = arith.constant -2147483648 : i32
        %reduce_max3A_1760 = vector.broadcast %reduce_max3A_1759 : i32 to vector<16xi32>
        %reduce_max3A_1761 = arith.xori %select_n3A_1756, %reduce_max3A_1760 : vector<16xi32>
        %reduce_max3A_1762 = tpu.scan <max>, %reduce_max3A_1761 masked %reduce_max3A_1758 : vector<16xi32>, vector<16xi1> -> vector<16xi32>
        %reduce_max3A_1763 = arith.xori %reduce_max3A_1762, %reduce_max3A_1760 : vector<16xi32>
        %reduce_max3A_1764 = vector.extract %reduce_max3A_1763[15] : i32 from vector<16xi32>
        %shift_right_arithmetic3A_1765 = arith.constant 7 : i32
        %shift_right_arithmetic3A_1766 = arith.shrsi %reduce_max3A_1764, %shift_right_arithmetic3A_1765 : i32
        %mul3A_1767 = arith.constant 128 : i32
        %mul3A_1768 = arith.muli %shift_right_arithmetic3A_1766, %mul3A_1767 : i32
        %multiple_of3A_1769 = tpu.assume_multiple %mul3A_1768, 128 : i32
        %dma_start3A_1770 = arith.constant 0 : i32
        %dma_start3A_1771 = tpu.memref_slice %arg3[%dma_start3A_1770, %multiple_of3A_1769] : memref<32x1000000xf32, #tpu.memory_space<hbm>> -> memref<32x128xf32, #tpu.memory_space<hbm>>
        %dma_start3A_1772 = arith.constant 0 : i32
        %dma_start3A_1773 = tpu.memref_slice %arg3[%dma_start3A_1772, %multiple_of3A_1769] : memref<32x1000000xf32, #tpu.memory_space<hbm>> -> memref<32x128xf32, #tpu.memory_space<hbm>>
        tpu.enqueue_dma source(%dma_start3A_1773 : memref<32x128xf32, #tpu.memory_space<hbm>>) target(%arg7 : memref<32x128xf32, #tpu.memory_space<vmem>>) target_semaphore(%arg24 : memref<!tpu.dma_semaphore, #tpu.memory_space<semaphore_mem>>)
      } else {
      }
      %mul3A_592 = arith.constant 16 : i32
      %mul3A_593 = arith.muli %scan3A_432, %mul3A_592 : i32
      %add3A_594 = arith.constant 2 : i32
      %add3A_595 = arith.addi %mul3A_593, %add3A_594 : i32
      %shift_right_arithmetic3A_596 = arith.constant 4 : i32
      %shift_right_arithmetic3A_597 = arith.shrsi %add3A_595, %shift_right_arithmetic3A_596 : i32
      %mul3A_598 = arith.constant 16 : i32
      %mul3A_599 = arith.muli %shift_right_arithmetic3A_597, %mul3A_598 : i32
      %multiple_of3A_600 = tpu.assume_multiple %mul3A_599, 16 : i32
      %get3A_601 = arith.index_cast %multiple_of3A_600 : i32 to index
      %get3A_602 = tpu.vector_load %arg5[%get3A_601] {strides = array<i32>} : memref<512xi32, #tpu.memory_space<vmem>>, vector<16xi32>,
      %and3A_603 = arith.constant 15 : i32
      %and3A_604 = arith.andi %add3A_595, %and3A_603 : i32
      %eq3A_605 = vector.broadcast %and3A_604 : i32 to vector<16xi32>
      %eq3A_606 = arith.cmpi eq, %iota3A, %eq3A_605 : vector<16xi32>
      %jit3A_607 = arith.constant 0 : i32
      %broadcast_in_dim3A_608 = vector.broadcast %jit3A_607 : i32 to vector<16xi32>
      %select_n3A_609 = arith.select %eq3A_606, %get3A_602, %broadcast_in_dim3A_608 : vector<16xi1>, vector<16xi32>
      %reduce_max3A_610 = arith.constant true
      %reduce_max3A_611 = vector.broadcast %reduce_max3A_610 : i1 to vector<16xi1>
      %reduce_max3A_612 = arith.constant -2147483648 : i32
      %reduce_max3A_613 = vector.broadcast %reduce_max3A_612 : i32 to vector<16xi32>
      %reduce_max3A_614 = arith.xori %select_n3A_609, %reduce_max3A_613 : vector<16xi32>
      %reduce_max3A_615 = tpu.scan <max>, %reduce_max3A_614 masked %reduce_max3A_611 : vector<16xi32>, vector<16xi1> -> vector<16xi32>
      %reduce_max3A_616 = arith.xori %reduce_max3A_615, %reduce_max3A_613 : vector<16xi32>
      %reduce_max3A_617 = vector.extract %reduce_max3A_616[15] : i32 from vector<16xi32>
      %shift_right_arithmetic3A_618 = arith.constant 7 : i32
      %shift_right_arithmetic3A_619 = arith.shrsi %reduce_max3A_617, %shift_right_arithmetic3A_618 : i32
      %mul3A_620 = arith.constant 128 : i32
      %mul3A_621 = arith.muli %shift_right_arithmetic3A_619, %mul3A_620 : i32
      %multiple_of3A_622 = tpu.assume_multiple %mul3A_621, 128 : i32
      %dma_wait3A_623 = arith.constant 0 : i32
      %dma_wait3A_624 = tpu.memref_slice %arg3[%dma_wait3A_623, %multiple_of3A_622] : memref<32x1000000xf32, #tpu.memory_space<hbm>> -> memref<32x128xf32, #tpu.memory_space<hbm>>
      %dma_wait3A_625 = arith.constant 0 : i32
      %dma_wait3A_626 = tpu.memref_slice %arg3[%dma_wait3A_625, %multiple_of3A_622] : memref<32x1000000xf32, #tpu.memory_space<hbm>> -> memref<32x128xf32, #tpu.memory_space<hbm>>
      tpu.wait_dma2 semaphore(%arg25 : memref<!tpu.dma_semaphore, #tpu.memory_space<semaphore_mem>>) src(%dma_wait3A_626 : memref<32x128xf32, #tpu.memory_space<hbm>>) dst(%arg8 : memref<32x128xf32, #tpu.memory_space<vmem>>)
      %shift_right_arithmetic3A_627 = arith.constant 4 : i32
      %shift_right_arithmetic3A_628 = arith.shrsi %add3A_595, %shift_right_arithmetic3A_627 : i32
      %mul3A_629 = arith.constant 16 : i32
      %mul3A_630 = arith.muli %shift_right_arithmetic3A_628, %mul3A_629 : i32
      %multiple_of3A_631 = tpu.assume_multiple %mul3A_630, 16 : i32
      %get3A_632 = arith.index_cast %multiple_of3A_631 : i32 to index
      %get3A_633 = tpu.vector_load %arg5[%get3A_632] {strides = array<i32>} : memref<512xi32, #tpu.memory_space<vmem>>, vector<16xi32>,
      %and3A_634 = arith.constant 15 : i32
      %and3A_635 = arith.andi %add3A_595, %and3A_634 : i32
      %eq3A_636 = vector.broadcast %and3A_635 : i32 to vector<16xi32>
      %eq3A_637 = arith.cmpi eq, %iota3A, %eq3A_636 : vector<16xi32>
      %jit3A_638 = arith.constant 0 : i32
      %broadcast_in_dim3A_639 = vector.broadcast %jit3A_638 : i32 to vector<16xi32>
      %select_n3A_640 = arith.select %eq3A_637, %get3A_633, %broadcast_in_dim3A_639 : vector<16xi1>, vector<16xi32>
      %reduce_max3A_641 = arith.constant true
      %reduce_max3A_642 = vector.broadcast %reduce_max3A_641 : i1 to vector<16xi1>
      %reduce_max3A_643 = arith.constant -2147483648 : i32
      %reduce_max3A_644 = vector.broadcast %reduce_max3A_643 : i32 to vector<16xi32>
      %reduce_max3A_645 = arith.xori %select_n3A_640, %reduce_max3A_644 : vector<16xi32>
      %reduce_max3A_646 = tpu.scan <max>, %reduce_max3A_645 masked %reduce_max3A_642 : vector<16xi32>, vector<16xi1> -> vector<16xi32>
      %reduce_max3A_647 = arith.xori %reduce_max3A_646, %reduce_max3A_644 : vector<16xi32>
      %reduce_max3A_648 = vector.extract %reduce_max3A_647[15] : i32 from vector<16xi32>
      %and3A_649 = arith.constant 127 : i32
      %and3A_650 = arith.andi %reduce_max3A_648, %and3A_649 : i32
      %broadcast_in_dim3A_651 = vector.broadcast %and3A_650 : i32 to vector<16xi32>
      %broadcast_in_dim3A_652 = vector.broadcast %add3A_595 : i32 to vector<16xi32>
      %add3A_653 = arith.constant 0 : i32
      %add3A_654 = vector.broadcast %add3A_653 : i32 to vector<16xi32>
      %add3A_655 = arith.addi %add3A_654, %iota3A : vector<16xi32>
      %gather3A_656 = tpu.vector_load_idx %arg8[%add3A_655, %broadcast_in_dim3A_651] : memref<32x128xf32, #tpu.memory_space<vmem>>[vector<16xi32>, vector<16xi32>], vector<16xf32>,
      %add3A_657 = arith.constant 0 : i32
      %add3A_658 = vector.broadcast %add3A_657 : i32 to vector<16xi32>
      %add3A_659 = arith.addi %add3A_658, %iota3A : vector<16xi32>
      tpu.vector_store_idx %arg22[%add3A_659, %broadcast_in_dim3A_652], %gather3A_656 : memref<32x512xf32, #tpu.memory_space<vmem>>[vector<16xi32>, vector<16xi32>], vector<16xf32>,
      %add3A_660 = arith.constant 16 : i32
      %add3A_661 = vector.broadcast %add3A_660 : i32 to vector<16xi32>
      %add3A_662 = arith.addi %add3A_661, %iota3A : vector<16xi32>
      %gather3A_663 = tpu.vector_load_idx %arg8[%add3A_662, %broadcast_in_dim3A_651] : memref<32x128xf32, #tpu.memory_space<vmem>>[vector<16xi32>, vector<16xi32>], vector<16xf32>,
      %add3A_664 = arith.constant 16 : i32
      %add3A_665 = vector.broadcast %add3A_664 : i32 to vector<16xi32>
      %add3A_666 = arith.addi %add3A_665, %iota3A : vector<16xi32>
      tpu.vector_store_idx %arg22[%add3A_666, %broadcast_in_dim3A_652], %gather3A_663 : memref<32x512xf32, #tpu.memory_space<vmem>>[vector<16xi32>, vector<16xi32>], vector<16xf32>,
      %add3A_667 = arith.constant 16 : i32
      %add3A_668 = arith.addi %add3A_595, %add3A_667 : i32
      %lt3A_669 = arith.constant 512 : i32
      %lt3A_670 = arith.cmpi slt, %add3A_668, %lt3A_669 : i32
      %convert_element_type3A_671 = arith.extui %lt3A_670 : i1 to i32
      %cond3A_672 = arith.constant 0 : i32
      %cond3A_673 = arith.cmpi ne, %convert_element_type3A_671, %cond3A_672 : i32
      scf.if %cond3A_673 {
        %add3A_1741 = arith.constant 16 : i32
        %add3A_1742 = arith.addi %add3A_595, %add3A_1741 : i32
        %shift_right_arithmetic3A_1743 = arith.constant 4 : i32
        %shift_right_arithmetic3A_1744 = arith.shrsi %add3A_1742, %shift_right_arithmetic3A_1743 : i32
        %mul3A_1745 = arith.constant 16 : i32
        %mul3A_1746 = arith.muli %shift_right_arithmetic3A_1744, %mul3A_1745 : i32
        %multiple_of3A_1747 = tpu.assume_multiple %mul3A_1746, 16 : i32
        %get3A_1748 = arith.index_cast %multiple_of3A_1747 : i32 to index
        %get3A_1749 = tpu.vector_load %arg5[%get3A_1748] {strides = array<i32>} : memref<512xi32, #tpu.memory_space<vmem>>, vector<16xi32>,
        %and3A_1750 = arith.constant 15 : i32
        %and3A_1751 = arith.andi %add3A_1742, %and3A_1750 : i32
        %eq3A_1752 = vector.broadcast %and3A_1751 : i32 to vector<16xi32>
        %eq3A_1753 = arith.cmpi eq, %iota3A, %eq3A_1752 : vector<16xi32>
        %jit3A_1754 = arith.constant 0 : i32
        %broadcast_in_dim3A_1755 = vector.broadcast %jit3A_1754 : i32 to vector<16xi32>
        %select_n3A_1756 = arith.select %eq3A_1753, %get3A_1749, %broadcast_in_dim3A_1755 : vector<16xi1>, vector<16xi32>
        %reduce_max3A_1757 = arith.constant true
        %reduce_max3A_1758 = vector.broadcast %reduce_max3A_1757 : i1 to vector<16xi1>
        %reduce_max3A_1759 = arith.constant -2147483648 : i32
        %reduce_max3A_1760 = vector.broadcast %reduce_max3A_1759 : i32 to vector<16xi32>
        %reduce_max3A_1761 = arith.xori %select_n3A_1756, %reduce_max3A_1760 : vector<16xi32>
        %reduce_max3A_1762 = tpu.scan <max>, %reduce_max3A_1761 masked %reduce_max3A_1758 : vector<16xi32>, vector<16xi1> -> vector<16xi32>
        %reduce_max3A_1763 = arith.xori %reduce_max3A_1762, %reduce_max3A_1760 : vector<16xi32>
        %reduce_max3A_1764 = vector.extract %reduce_max3A_1763[15] : i32 from vector<16xi32>
        %shift_right_arithmetic3A_1765 = arith.constant 7 : i32
        %shift_right_arithmetic3A_1766 = arith.shrsi %reduce_max3A_1764, %shift_right_arithmetic3A_1765 : i32
        %mul3A_1767 = arith.constant 128 : i32
        %mul3A_1768 = arith.muli %shift_right_arithmetic3A_1766, %mul3A_1767 : i32
        %multiple_of3A_1769 = tpu.assume_multiple %mul3A_1768, 128 : i32
        %dma_start3A_1770 = arith.constant 0 : i32
        %dma_start3A_1771 = tpu.memref_slice %arg3[%dma_start3A_1770, %multiple_of3A_1769] : memref<32x1000000xf32, #tpu.memory_space<hbm>> -> memref<32x128xf32, #tpu.memory_space<hbm>>
        %dma_start3A_1772 = arith.constant 0 : i32
        %dma_start3A_1773 = tpu.memref_slice %arg3[%dma_start3A_1772, %multiple_of3A_1769] : memref<32x1000000xf32, #tpu.memory_space<hbm>> -> memref<32x128xf32, #tpu.memory_space<hbm>>
        tpu.enqueue_dma source(%dma_start3A_1773 : memref<32x128xf32, #tpu.memory_space<hbm>>) target(%arg8 : memref<32x128xf32, #tpu.memory_space<vmem>>) target_semaphore(%arg25 : memref<!tpu.dma_semaphore, #tpu.memory_space<semaphore_mem>>)
      } else {
      }
      %mul3A_674 = arith.constant 16 : i32
      %mul3A_675 = arith.muli %scan3A_432, %mul3A_674 : i32
      %add3A_676 = arith.constant 3 : i32
      %add3A_677 = arith.addi %mul3A_675, %add3A_676 : i32
      %shift_right_arithmetic3A_678 = arith.constant 4 : i32
      %shift_right_arithmetic3A_679 = arith.shrsi %add3A_677, %shift_right_arithmetic3A_678 : i32
      %mul3A_680 = arith.constant 16 : i32
      %mul3A_681 = arith.muli %shift_right_arithmetic3A_679, %mul3A_680 : i32
      %multiple_of3A_682 = tpu.assume_multiple %mul3A_681, 16 : i32
      %get3A_683 = arith.index_cast %multiple_of3A_682 : i32 to index
      %get3A_684 = tpu.vector_load %arg5[%get3A_683] {strides = array<i32>} : memref<512xi32, #tpu.memory_space<vmem>>, vector<16xi32>,
      %and3A_685 = arith.constant 15 : i32
      %and3A_686 = arith.andi %add3A_677, %and3A_685 : i32
      %eq3A_687 = vector.broadcast %and3A_686 : i32 to vector<16xi32>
      %eq3A_688 = arith.cmpi eq, %iota3A, %eq3A_687 : vector<16xi32>
      %jit3A_689 = arith.constant 0 : i32
      %broadcast_in_dim3A_690 = vector.broadcast %jit3A_689 : i32 to vector<16xi32>
      %select_n3A_691 = arith.select %eq3A_688, %get3A_684, %broadcast_in_dim3A_690 : vector<16xi1>, vector<16xi32>
      %reduce_max3A_692 = arith.constant true
      %reduce_max3A_693 = vector.broadcast %reduce_max3A_692 : i1 to vector<16xi1>
      %reduce_max3A_694 = arith.constant -2147483648 : i32
      %reduce_max3A_695 = vector.broadcast %reduce_max3A_694 : i32 to vector<16xi32>
      %reduce_max3A_696 = arith.xori %select_n3A_691, %reduce_max3A_695 : vector<16xi32>
      %reduce_max3A_697 = tpu.scan <max>, %reduce_max3A_696 masked %reduce_max3A_693 : vector<16xi32>, vector<16xi1> -> vector<16xi32>
      %reduce_max3A_698 = arith.xori %reduce_max3A_697, %reduce_max3A_695 : vector<16xi32>
      %reduce_max3A_699 = vector.extract %reduce_max3A_698[15] : i32 from vector<16xi32>
      %shift_right_arithmetic3A_700 = arith.constant 7 : i32
      %shift_right_arithmetic3A_701 = arith.shrsi %reduce_max3A_699, %shift_right_arithmetic3A_700 : i32
      %mul3A_702 = arith.constant 128 : i32
      %mul3A_703 = arith.muli %shift_right_arithmetic3A_701, %mul3A_702 : i32
      %multiple_of3A_704 = tpu.assume_multiple %mul3A_703, 128 : i32
      %dma_wait3A_705 = arith.constant 0 : i32
      %dma_wait3A_706 = tpu.memref_slice %arg3[%dma_wait3A_705, %multiple_of3A_704] : memref<32x1000000xf32, #tpu.memory_space<hbm>> -> memref<32x128xf32, #tpu.memory_space<hbm>>
      %dma_wait3A_707 = arith.constant 0 : i32
      %dma_wait3A_708 = tpu.memref_slice %arg3[%dma_wait3A_707, %multiple_of3A_704] : memref<32x1000000xf32, #tpu.memory_space<hbm>> -> memref<32x128xf32, #tpu.memory_space<hbm>>
      tpu.wait_dma2 semaphore(%arg26 : memref<!tpu.dma_semaphore, #tpu.memory_space<semaphore_mem>>) src(%dma_wait3A_708 : memref<32x128xf32, #tpu.memory_space<hbm>>) dst(%arg9 : memref<32x128xf32, #tpu.memory_space<vmem>>)
      %shift_right_arithmetic3A_709 = arith.constant 4 : i32
      %shift_right_arithmetic3A_710 = arith.shrsi %add3A_677, %shift_right_arithmetic3A_709 : i32
      %mul3A_711 = arith.constant 16 : i32
      %mul3A_712 = arith.muli %shift_right_arithmetic3A_710, %mul3A_711 : i32
      %multiple_of3A_713 = tpu.assume_multiple %mul3A_712, 16 : i32
      %get3A_714 = arith.index_cast %multiple_of3A_713 : i32 to index
      %get3A_715 = tpu.vector_load %arg5[%get3A_714] {strides = array<i32>} : memref<512xi32, #tpu.memory_space<vmem>>, vector<16xi32>,
      %and3A_716 = arith.constant 15 : i32
      %and3A_717 = arith.andi %add3A_677, %and3A_716 : i32
      %eq3A_718 = vector.broadcast %and3A_717 : i32 to vector<16xi32>
      %eq3A_719 = arith.cmpi eq, %iota3A, %eq3A_718 : vector<16xi32>
      %jit3A_720 = arith.constant 0 : i32
      %broadcast_in_dim3A_721 = vector.broadcast %jit3A_720 : i32 to vector<16xi32>
      %select_n3A_722 = arith.select %eq3A_719, %get3A_715, %broadcast_in_dim3A_721 : vector<16xi1>, vector<16xi32>
      %reduce_max3A_723 = arith.constant true
      %reduce_max3A_724 = vector.broadcast %reduce_max3A_723 : i1 to vector<16xi1>
      %reduce_max3A_725 = arith.constant -2147483648 : i32
      %reduce_max3A_726 = vector.broadcast %reduce_max3A_725 : i32 to vector<16xi32>
      %reduce_max3A_727 = arith.xori %select_n3A_722, %reduce_max3A_726 : vector<16xi32>
      %reduce_max3A_728 = tpu.scan <max>, %reduce_max3A_727 masked %reduce_max3A_724 : vector<16xi32>, vector<16xi1> -> vector<16xi32>
      %reduce_max3A_729 = arith.xori %reduce_max3A_728, %reduce_max3A_726 : vector<16xi32>
      %reduce_max3A_730 = vector.extract %reduce_max3A_729[15] : i32 from vector<16xi32>
      %and3A_731 = arith.constant 127 : i32
      %and3A_732 = arith.andi %reduce_max3A_730, %and3A_731 : i32
      %broadcast_in_dim3A_733 = vector.broadcast %and3A_732 : i32 to vector<16xi32>
      %broadcast_in_dim3A_734 = vector.broadcast %add3A_677 : i32 to vector<16xi32>
      %add3A_735 = arith.constant 0 : i32
      %add3A_736 = vector.broadcast %add3A_735 : i32 to vector<16xi32>
      %add3A_737 = arith.addi %add3A_736, %iota3A : vector<16xi32>
      %gather3A_738 = tpu.vector_load_idx %arg9[%add3A_737, %broadcast_in_dim3A_733] : memref<32x128xf32, #tpu.memory_space<vmem>>[vector<16xi32>, vector<16xi32>], vector<16xf32>,
      %add3A_739 = arith.constant 0 : i32
      %add3A_740 = vector.broadcast %add3A_739 : i32 to vector<16xi32>
      %add3A_741 = arith.addi %add3A_740, %iota3A : vector<16xi32>
      tpu.vector_store_idx %arg22[%add3A_741, %broadcast_in_dim3A_734], %gather3A_738 : memref<32x512xf32, #tpu.memory_space<vmem>>[vector<16xi32>, vector<16xi32>], vector<16xf32>,
      %add3A_742 = arith.constant 16 : i32
      %add3A_743 = vector.broadcast %add3A_742 : i32 to vector<16xi32>
      %add3A_744 = arith.addi %add3A_743, %iota3A : vector<16xi32>
      %gather3A_745 = tpu.vector_load_idx %arg9[%add3A_744, %broadcast_in_dim3A_733] : memref<32x128xf32, #tpu.memory_space<vmem>>[vector<16xi32>, vector<16xi32>], vector<16xf32>,
      %add3A_746 = arith.constant 16 : i32
      %add3A_747 = vector.broadcast %add3A_746 : i32 to vector<16xi32>
      %add3A_748 = arith.addi %add3A_747, %iota3A : vector<16xi32>
      tpu.vector_store_idx %arg22[%add3A_748, %broadcast_in_dim3A_734], %gather3A_745 : memref<32x512xf32, #tpu.memory_space<vmem>>[vector<16xi32>, vector<16xi32>], vector<16xf32>,
      %add3A_749 = arith.constant 16 : i32
      %add3A_750 = arith.addi %add3A_677, %add3A_749 : i32
      %lt3A_751 = arith.constant 512 : i32
      %lt3A_752 = arith.cmpi slt, %add3A_750, %lt3A_751 : i32
      %convert_element_type3A_753 = arith.extui %lt3A_752 : i1 to i32
      %cond3A_754 = arith.constant 0 : i32
      %cond3A_755 = arith.cmpi ne, %convert_element_type3A_753, %cond3A_754 : i32
      scf.if %cond3A_755 {
        %add3A_1741 = arith.constant 16 : i32
        %add3A_1742 = arith.addi %add3A_677, %add3A_1741 : i32
        %shift_right_arithmetic3A_1743 = arith.constant 4 : i32
        %shift_right_arithmetic3A_1744 = arith.shrsi %add3A_1742, %shift_right_arithmetic3A_1743 : i32
        %mul3A_1745 = arith.constant 16 : i32
        %mul3A_1746 = arith.muli %shift_right_arithmetic3A_1744, %mul3A_1745 : i32
        %multiple_of3A_1747 = tpu.assume_multiple %mul3A_1746, 16 : i32
        %get3A_1748 = arith.index_cast %multiple_of3A_1747 : i32 to index
        %get3A_1749 = tpu.vector_load %arg5[%get3A_1748] {strides = array<i32>} : memref<512xi32, #tpu.memory_space<vmem>>, vector<16xi32>,
        %and3A_1750 = arith.constant 15 : i32
        %and3A_1751 = arith.andi %add3A_1742, %and3A_1750 : i32
        %eq3A_1752 = vector.broadcast %and3A_1751 : i32 to vector<16xi32>
        %eq3A_1753 = arith.cmpi eq, %iota3A, %eq3A_1752 : vector<16xi32>
        %jit3A_1754 = arith.constant 0 : i32
        %broadcast_in_dim3A_1755 = vector.broadcast %jit3A_1754 : i32 to vector<16xi32>
        %select_n3A_1756 = arith.select %eq3A_1753, %get3A_1749, %broadcast_in_dim3A_1755 : vector<16xi1>, vector<16xi32>
        %reduce_max3A_1757 = arith.constant true
        %reduce_max3A_1758 = vector.broadcast %reduce_max3A_1757 : i1 to vector<16xi1>
        %reduce_max3A_1759 = arith.constant -2147483648 : i32
        %reduce_max3A_1760 = vector.broadcast %reduce_max3A_1759 : i32 to vector<16xi32>
        %reduce_max3A_1761 = arith.xori %select_n3A_1756, %reduce_max3A_1760 : vector<16xi32>
        %reduce_max3A_1762 = tpu.scan <max>, %reduce_max3A_1761 masked %reduce_max3A_1758 : vector<16xi32>, vector<16xi1> -> vector<16xi32>
        %reduce_max3A_1763 = arith.xori %reduce_max3A_1762, %reduce_max3A_1760 : vector<16xi32>
        %reduce_max3A_1764 = vector.extract %reduce_max3A_1763[15] : i32 from vector<16xi32>
        %shift_right_arithmetic3A_1765 = arith.constant 7 : i32
        %shift_right_arithmetic3A_1766 = arith.shrsi %reduce_max3A_1764, %shift_right_arithmetic3A_1765 : i32
        %mul3A_1767 = arith.constant 128 : i32
        %mul3A_1768 = arith.muli %shift_right_arithmetic3A_1766, %mul3A_1767 : i32
        %multiple_of3A_1769 = tpu.assume_multiple %mul3A_1768, 128 : i32
        %dma_start3A_1770 = arith.constant 0 : i32
        %dma_start3A_1771 = tpu.memref_slice %arg3[%dma_start3A_1770, %multiple_of3A_1769] : memref<32x1000000xf32, #tpu.memory_space<hbm>> -> memref<32x128xf32, #tpu.memory_space<hbm>>
        %dma_start3A_1772 = arith.constant 0 : i32
        %dma_start3A_1773 = tpu.memref_slice %arg3[%dma_start3A_1772, %multiple_of3A_1769] : memref<32x1000000xf32, #tpu.memory_space<hbm>> -> memref<32x128xf32, #tpu.memory_space<hbm>>
        tpu.enqueue_dma source(%dma_start3A_1773 : memref<32x128xf32, #tpu.memory_space<hbm>>) target(%arg9 : memref<32x128xf32, #tpu.memory_space<vmem>>) target_semaphore(%arg26 : memref<!tpu.dma_semaphore, #tpu.memory_space<semaphore_mem>>)
      } else {
      }
      %mul3A_756 = arith.constant 16 : i32
      %mul3A_757 = arith.muli %scan3A_432, %mul3A_756 : i32
      %add3A_758 = arith.constant 4 : i32
      %add3A_759 = arith.addi %mul3A_757, %add3A_758 : i32
      %shift_right_arithmetic3A_760 = arith.constant 4 : i32
      %shift_right_arithmetic3A_761 = arith.shrsi %add3A_759, %shift_right_arithmetic3A_760 : i32
      %mul3A_762 = arith.constant 16 : i32
      %mul3A_763 = arith.muli %shift_right_arithmetic3A_761, %mul3A_762 : i32
      %multiple_of3A_764 = tpu.assume_multiple %mul3A_763, 16 : i32
      %get3A_765 = arith.index_cast %multiple_of3A_764 : i32 to index
      %get3A_766 = tpu.vector_load %arg5[%get3A_765] {strides = array<i32>} : memref<512xi32, #tpu.memory_space<vmem>>, vector<16xi32>,
      %and3A_767 = arith.constant 15 : i32
      %and3A_768 = arith.andi %add3A_759, %and3A_767 : i32
      %eq3A_769 = vector.broadcast %and3A_768 : i32 to vector<16xi32>
      %eq3A_770 = arith.cmpi eq, %iota3A, %eq3A_769 : vector<16xi32>
      %jit3A_771 = arith.constant 0 : i32
      %broadcast_in_dim3A_772 = vector.broadcast %jit3A_771 : i32 to vector<16xi32>
      %select_n3A_773 = arith.select %eq3A_770, %get3A_766, %broadcast_in_dim3A_772 : vector<16xi1>, vector<16xi32>
      %reduce_max3A_774 = arith.constant true
      %reduce_max3A_775 = vector.broadcast %reduce_max3A_774 : i1 to vector<16xi1>
      %reduce_max3A_776 = arith.constant -2147483648 : i32
      %reduce_max3A_777 = vector.broadcast %reduce_max3A_776 : i32 to vector<16xi32>
      %reduce_max3A_778 = arith.xori %select_n3A_773, %reduce_max3A_777 : vector<16xi32>
      %reduce_max3A_779 = tpu.scan <max>, %reduce_max3A_778 masked %reduce_max3A_775 : vector<16xi32>, vector<16xi1> -> vector<16xi32>
      %reduce_max3A_780 = arith.xori %reduce_max3A_779, %reduce_max3A_777 : vector<16xi32>
      %reduce_max3A_781 = vector.extract %reduce_max3A_780[15] : i32 from vector<16xi32>
      %shift_right_arithmetic3A_782 = arith.constant 7 : i32
      %shift_right_arithmetic3A_783 = arith.shrsi %reduce_max3A_781, %shift_right_arithmetic3A_782 : i32
      %mul3A_784 = arith.constant 128 : i32
      %mul3A_785 = arith.muli %shift_right_arithmetic3A_783, %mul3A_784 : i32
      %multiple_of3A_786 = tpu.assume_multiple %mul3A_785, 128 : i32
      %dma_wait3A_787 = arith.constant 0 : i32
      %dma_wait3A_788 = tpu.memref_slice %arg3[%dma_wait3A_787, %multiple_of3A_786] : memref<32x1000000xf32, #tpu.memory_space<hbm>> -> memref<32x128xf32, #tpu.memory_space<hbm>>
      %dma_wait3A_789 = arith.constant 0 : i32
      %dma_wait3A_790 = tpu.memref_slice %arg3[%dma_wait3A_789, %multiple_of3A_786] : memref<32x1000000xf32, #tpu.memory_space<hbm>> -> memref<32x128xf32, #tpu.memory_space<hbm>>
      tpu.wait_dma2 semaphore(%arg23 : memref<!tpu.dma_semaphore, #tpu.memory_space<semaphore_mem>>) src(%dma_wait3A_790 : memref<32x128xf32, #tpu.memory_space<hbm>>) dst(%arg10 : memref<32x128xf32, #tpu.memory_space<vmem>>)
      %shift_right_arithmetic3A_791 = arith.constant 4 : i32
      %shift_right_arithmetic3A_792 = arith.shrsi %add3A_759, %shift_right_arithmetic3A_791 : i32
      %mul3A_793 = arith.constant 16 : i32
      %mul3A_794 = arith.muli %shift_right_arithmetic3A_792, %mul3A_793 : i32
      %multiple_of3A_795 = tpu.assume_multiple %mul3A_794, 16 : i32
      %get3A_796 = arith.index_cast %multiple_of3A_795 : i32 to index
      %get3A_797 = tpu.vector_load %arg5[%get3A_796] {strides = array<i32>} : memref<512xi32, #tpu.memory_space<vmem>>, vector<16xi32>,
      %and3A_798 = arith.constant 15 : i32
      %and3A_799 = arith.andi %add3A_759, %and3A_798 : i32
      %eq3A_800 = vector.broadcast %and3A_799 : i32 to vector<16xi32>
      %eq3A_801 = arith.cmpi eq, %iota3A, %eq3A_800 : vector<16xi32>
      %jit3A_802 = arith.constant 0 : i32
      %broadcast_in_dim3A_803 = vector.broadcast %jit3A_802 : i32 to vector<16xi32>
      %select_n3A_804 = arith.select %eq3A_801, %get3A_797, %broadcast_in_dim3A_803 : vector<16xi1>, vector<16xi32>
      %reduce_max3A_805 = arith.constant true
      %reduce_max3A_806 = vector.broadcast %reduce_max3A_805 : i1 to vector<16xi1>
      %reduce_max3A_807 = arith.constant -2147483648 : i32
      %reduce_max3A_808 = vector.broadcast %reduce_max3A_807 : i32 to vector<16xi32>
      %reduce_max3A_809 = arith.xori %select_n3A_804, %reduce_max3A_808 : vector<16xi32>
      %reduce_max3A_810 = tpu.scan <max>, %reduce_max3A_809 masked %reduce_max3A_806 : vector<16xi32>, vector<16xi1> -> vector<16xi32>
      %reduce_max3A_811 = arith.xori %reduce_max3A_810, %reduce_max3A_808 : vector<16xi32>
      %reduce_max3A_812 = vector.extract %reduce_max3A_811[15] : i32 from vector<16xi32>
      %and3A_813 = arith.constant 127 : i32
      %and3A_814 = arith.andi %reduce_max3A_812, %and3A_813 : i32
      %broadcast_in_dim3A_815 = vector.broadcast %and3A_814 : i32 to vector<16xi32>
      %broadcast_in_dim3A_816 = vector.broadcast %add3A_759 : i32 to vector<16xi32>
      %add3A_817 = arith.constant 0 : i32
      %add3A_818 = vector.broadcast %add3A_817 : i32 to vector<16xi32>
      %add3A_819 = arith.addi %add3A_818, %iota3A : vector<16xi32>
      %gather3A_820 = tpu.vector_load_idx %arg10[%add3A_819, %broadcast_in_dim3A_815] : memref<32x128xf32, #tpu.memory_space<vmem>>[vector<16xi32>, vector<16xi32>], vector<16xf32>,
      %add3A_821 = arith.constant 0 : i32
      %add3A_822 = vector.broadcast %add3A_821 : i32 to vector<16xi32>
      %add3A_823 = arith.addi %add3A_822, %iota3A : vector<16xi32>
      tpu.vector_store_idx %arg22[%add3A_823, %broadcast_in_dim3A_816], %gather3A_820 : memref<32x512xf32, #tpu.memory_space<vmem>>[vector<16xi32>, vector<16xi32>], vector<16xf32>,
      %add3A_824 = arith.constant 16 : i32
      %add3A_825 = vector.broadcast %add3A_824 : i32 to vector<16xi32>
      %add3A_826 = arith.addi %add3A_825, %iota3A : vector<16xi32>
      %gather3A_827 = tpu.vector_load_idx %arg10[%add3A_826, %broadcast_in_dim3A_815] : memref<32x128xf32, #tpu.memory_space<vmem>>[vector<16xi32>, vector<16xi32>], vector<16xf32>,
      %add3A_828 = arith.constant 16 : i32
      %add3A_829 = vector.broadcast %add3A_828 : i32 to vector<16xi32>
      %add3A_830 = arith.addi %add3A_829, %iota3A : vector<16xi32>
      tpu.vector_store_idx %arg22[%add3A_830, %broadcast_in_dim3A_816], %gather3A_827 : memref<32x512xf32, #tpu.memory_space<vmem>>[vector<16xi32>, vector<16xi32>], vector<16xf32>,
      %add3A_831 = arith.constant 16 : i32
      %add3A_832 = arith.addi %add3A_759, %add3A_831 : i32
      %lt3A_833 = arith.constant 512 : i32
      %lt3A_834 = arith.cmpi slt, %add3A_832, %lt3A_833 : i32
      %convert_element_type3A_835 = arith.extui %lt3A_834 : i1 to i32
      %cond3A_836 = arith.constant 0 : i32
      %cond3A_837 = arith.cmpi ne, %convert_element_type3A_835, %cond3A_836 : i32
      scf.if %cond3A_837 {
        %add3A_1741 = arith.constant 16 : i32
        %add3A_1742 = arith.addi %add3A_759, %add3A_1741 : i32
        %shift_right_arithmetic3A_1743 = arith.constant 4 : i32
        %shift_right_arithmetic3A_1744 = arith.shrsi %add3A_1742, %shift_right_arithmetic3A_1743 : i32
        %mul3A_1745 = arith.constant 16 : i32
        %mul3A_1746 = arith.muli %shift_right_arithmetic3A_1744, %mul3A_1745 : i32
        %multiple_of3A_1747 = tpu.assume_multiple %mul3A_1746, 16 : i32
        %get3A_1748 = arith.index_cast %multiple_of3A_1747 : i32 to index
        %get3A_1749 = tpu.vector_load %arg5[%get3A_1748] {strides = array<i32>} : memref<512xi32, #tpu.memory_space<vmem>>, vector<16xi32>,
        %and3A_1750 = arith.constant 15 : i32
        %and3A_1751 = arith.andi %add3A_1742, %and3A_1750 : i32
        %eq3A_1752 = vector.broadcast %and3A_1751 : i32 to vector<16xi32>
        %eq3A_1753 = arith.cmpi eq, %iota3A, %eq3A_1752 : vector<16xi32>
        %jit3A_1754 = arith.constant 0 : i32
        %broadcast_in_dim3A_1755 = vector.broadcast %jit3A_1754 : i32 to vector<16xi32>
        %select_n3A_1756 = arith.select %eq3A_1753, %get3A_1749, %broadcast_in_dim3A_1755 : vector<16xi1>, vector<16xi32>
        %reduce_max3A_1757 = arith.constant true
        %reduce_max3A_1758 = vector.broadcast %reduce_max3A_1757 : i1 to vector<16xi1>
        %reduce_max3A_1759 = arith.constant -2147483648 : i32
        %reduce_max3A_1760 = vector.broadcast %reduce_max3A_1759 : i32 to vector<16xi32>
        %reduce_max3A_1761 = arith.xori %select_n3A_1756, %reduce_max3A_1760 : vector<16xi32>
        %reduce_max3A_1762 = tpu.scan <max>, %reduce_max3A_1761 masked %reduce_max3A_1758 : vector<16xi32>, vector<16xi1> -> vector<16xi32>
        %reduce_max3A_1763 = arith.xori %reduce_max3A_1762, %reduce_max3A_1760 : vector<16xi32>
        %reduce_max3A_1764 = vector.extract %reduce_max3A_1763[15] : i32 from vector<16xi32>
        %shift_right_arithmetic3A_1765 = arith.constant 7 : i32
        %shift_right_arithmetic3A_1766 = arith.shrsi %reduce_max3A_1764, %shift_right_arithmetic3A_1765 : i32
        %mul3A_1767 = arith.constant 128 : i32
        %mul3A_1768 = arith.muli %shift_right_arithmetic3A_1766, %mul3A_1767 : i32
        %multiple_of3A_1769 = tpu.assume_multiple %mul3A_1768, 128 : i32
        %dma_start3A_1770 = arith.constant 0 : i32
        %dma_start3A_1771 = tpu.memref_slice %arg3[%dma_start3A_1770, %multiple_of3A_1769] : memref<32x1000000xf32, #tpu.memory_space<hbm>> -> memref<32x128xf32, #tpu.memory_space<hbm>>
        %dma_start3A_1772 = arith.constant 0 : i32
        %dma_start3A_1773 = tpu.memref_slice %arg3[%dma_start3A_1772, %multiple_of3A_1769] : memref<32x1000000xf32, #tpu.memory_space<hbm>> -> memref<32x128xf32, #tpu.memory_space<hbm>>
        tpu.enqueue_dma source(%dma_start3A_1773 : memref<32x128xf32, #tpu.memory_space<hbm>>) target(%arg10 : memref<32x128xf32, #tpu.memory_space<vmem>>) target_semaphore(%arg23 : memref<!tpu.dma_semaphore, #tpu.memory_space<semaphore_mem>>)
      } else {
      }
      %mul3A_838 = arith.constant 16 : i32
      %mul3A_839 = arith.muli %scan3A_432, %mul3A_838 : i32
      %add3A_840 = arith.constant 5 : i32
      %add3A_841 = arith.addi %mul3A_839, %add3A_840 : i32
      %shift_right_arithmetic3A_842 = arith.constant 4 : i32
      %shift_right_arithmetic3A_843 = arith.shrsi %add3A_841, %shift_right_arithmetic3A_842 : i32
      %mul3A_844 = arith.constant 16 : i32
      %mul3A_845 = arith.muli %shift_right_arithmetic3A_843, %mul3A_844 : i32
      %multiple_of3A_846 = tpu.assume_multiple %mul3A_845, 16 : i32
      %get3A_847 = arith.index_cast %multiple_of3A_846 : i32 to index
      %get3A_848 = tpu.vector_load %arg5[%get3A_847] {strides = array<i32>} : memref<512xi32, #tpu.memory_space<vmem>>, vector<16xi32>,
      %and3A_849 = arith.constant 15 : i32
      %and3A_850 = arith.andi %add3A_841, %and3A_849 : i32
      %eq3A_851 = vector.broadcast %and3A_850 : i32 to vector<16xi32>
      %eq3A_852 = arith.cmpi eq, %iota3A, %eq3A_851 : vector<16xi32>
      %jit3A_853 = arith.constant 0 : i32
      %broadcast_in_dim3A_854 = vector.broadcast %jit3A_853 : i32 to vector<16xi32>
      %select_n3A_855 = arith.select %eq3A_852, %get3A_848, %broadcast_in_dim3A_854 : vector<16xi1>, vector<16xi32>
      %reduce_max3A_856 = arith.constant true
      %reduce_max3A_857 = vector.broadcast %reduce_max3A_856 : i1 to vector<16xi1>
      %reduce_max3A_858 = arith.constant -2147483648 : i32
      %reduce_max3A_859 = vector.broadcast %reduce_max3A_858 : i32 to vector<16xi32>
      %reduce_max3A_860 = arith.xori %select_n3A_855, %reduce_max3A_859 : vector<16xi32>
      %reduce_max3A_861 = tpu.scan <max>, %reduce_max3A_860 masked %reduce_max3A_857 : vector<16xi32>, vector<16xi1> -> vector<16xi32>
      %reduce_max3A_862 = arith.xori %reduce_max3A_861, %reduce_max3A_859 : vector<16xi32>
      %reduce_max3A_863 = vector.extract %reduce_max3A_862[15] : i32 from vector<16xi32>
      %shift_right_arithmetic3A_864 = arith.constant 7 : i32
      %shift_right_arithmetic3A_865 = arith.shrsi %reduce_max3A_863, %shift_right_arithmetic3A_864 : i32
      %mul3A_866 = arith.constant 128 : i32
      %mul3A_867 = arith.muli %shift_right_arithmetic3A_865, %mul3A_866 : i32
      %multiple_of3A_868 = tpu.assume_multiple %mul3A_867, 128 : i32
      %dma_wait3A_869 = arith.constant 0 : i32
      %dma_wait3A_870 = tpu.memref_slice %arg3[%dma_wait3A_869, %multiple_of3A_868] : memref<32x1000000xf32, #tpu.memory_space<hbm>> -> memref<32x128xf32, #tpu.memory_space<hbm>>
      %dma_wait3A_871 = arith.constant 0 : i32
      %dma_wait3A_872 = tpu.memref_slice %arg3[%dma_wait3A_871, %multiple_of3A_868] : memref<32x1000000xf32, #tpu.memory_space<hbm>> -> memref<32x128xf32, #tpu.memory_space<hbm>>
      tpu.wait_dma2 semaphore(%arg24 : memref<!tpu.dma_semaphore, #tpu.memory_space<semaphore_mem>>) src(%dma_wait3A_872 : memref<32x128xf32, #tpu.memory_space<hbm>>) dst(%arg11 : memref<32x128xf32, #tpu.memory_space<vmem>>)
      %shift_right_arithmetic3A_873 = arith.constant 4 : i32
      %shift_right_arithmetic3A_874 = arith.shrsi %add3A_841, %shift_right_arithmetic3A_873 : i32
      %mul3A_875 = arith.constant 16 : i32
      %mul3A_876 = arith.muli %shift_right_arithmetic3A_874, %mul3A_875 : i32
      %multiple_of3A_877 = tpu.assume_multiple %mul3A_876, 16 : i32
      %get3A_878 = arith.index_cast %multiple_of3A_877 : i32 to index
      %get3A_879 = tpu.vector_load %arg5[%get3A_878] {strides = array<i32>} : memref<512xi32, #tpu.memory_space<vmem>>, vector<16xi32>,
      %and3A_880 = arith.constant 15 : i32
      %and3A_881 = arith.andi %add3A_841, %and3A_880 : i32
      %eq3A_882 = vector.broadcast %and3A_881 : i32 to vector<16xi32>
      %eq3A_883 = arith.cmpi eq, %iota3A, %eq3A_882 : vector<16xi32>
      %jit3A_884 = arith.constant 0 : i32
      %broadcast_in_dim3A_885 = vector.broadcast %jit3A_884 : i32 to vector<16xi32>
      %select_n3A_886 = arith.select %eq3A_883, %get3A_879, %broadcast_in_dim3A_885 : vector<16xi1>, vector<16xi32>
      %reduce_max3A_887 = arith.constant true
      %reduce_max3A_888 = vector.broadcast %reduce_max3A_887 : i1 to vector<16xi1>
      %reduce_max3A_889 = arith.constant -2147483648 : i32
      %reduce_max3A_890 = vector.broadcast %reduce_max3A_889 : i32 to vector<16xi32>
      %reduce_max3A_891 = arith.xori %select_n3A_886, %reduce_max3A_890 : vector<16xi32>
      %reduce_max3A_892 = tpu.scan <max>, %reduce_max3A_891 masked %reduce_max3A_888 : vector<16xi32>, vector<16xi1> -> vector<16xi32>
      %reduce_max3A_893 = arith.xori %reduce_max3A_892, %reduce_max3A_890 : vector<16xi32>
      %reduce_max3A_894 = vector.extract %reduce_max3A_893[15] : i32 from vector<16xi32>
      %and3A_895 = arith.constant 127 : i32
      %and3A_896 = arith.andi %reduce_max3A_894, %and3A_895 : i32
      %broadcast_in_dim3A_897 = vector.broadcast %and3A_896 : i32 to vector<16xi32>
      %broadcast_in_dim3A_898 = vector.broadcast %add3A_841 : i32 to vector<16xi32>
      %add3A_899 = arith.constant 0 : i32
      %add3A_900 = vector.broadcast %add3A_899 : i32 to vector<16xi32>
      %add3A_901 = arith.addi %add3A_900, %iota3A : vector<16xi32>
      %gather3A_902 = tpu.vector_load_idx %arg11[%add3A_901, %broadcast_in_dim3A_897] : memref<32x128xf32, #tpu.memory_space<vmem>>[vector<16xi32>, vector<16xi32>], vector<16xf32>,
      %add3A_903 = arith.constant 0 : i32
      %add3A_904 = vector.broadcast %add3A_903 : i32 to vector<16xi32>
      %add3A_905 = arith.addi %add3A_904, %iota3A : vector<16xi32>
      tpu.vector_store_idx %arg22[%add3A_905, %broadcast_in_dim3A_898], %gather3A_902 : memref<32x512xf32, #tpu.memory_space<vmem>>[vector<16xi32>, vector<16xi32>], vector<16xf32>,
      %add3A_906 = arith.constant 16 : i32
      %add3A_907 = vector.broadcast %add3A_906 : i32 to vector<16xi32>
      %add3A_908 = arith.addi %add3A_907, %iota3A : vector<16xi32>
      %gather3A_909 = tpu.vector_load_idx %arg11[%add3A_908, %broadcast_in_dim3A_897] : memref<32x128xf32, #tpu.memory_space<vmem>>[vector<16xi32>, vector<16xi32>], vector<16xf32>,
      %add3A_910 = arith.constant 16 : i32
      %add3A_911 = vector.broadcast %add3A_910 : i32 to vector<16xi32>
      %add3A_912 = arith.addi %add3A_911, %iota3A : vector<16xi32>
      tpu.vector_store_idx %arg22[%add3A_912, %broadcast_in_dim3A_898], %gather3A_909 : memref<32x512xf32, #tpu.memory_space<vmem>>[vector<16xi32>, vector<16xi32>], vector<16xf32>,
      %add3A_913 = arith.constant 16 : i32
      %add3A_914 = arith.addi %add3A_841, %add3A_913 : i32
      %lt3A_915 = arith.constant 512 : i32
      %lt3A_916 = arith.cmpi slt, %add3A_914, %lt3A_915 : i32
      %convert_element_type3A_917 = arith.extui %lt3A_916 : i1 to i32
      %cond3A_918 = arith.constant 0 : i32
      %cond3A_919 = arith.cmpi ne, %convert_element_type3A_917, %cond3A_918 : i32
      scf.if %cond3A_919 {
        %add3A_1741 = arith.constant 16 : i32
        %add3A_1742 = arith.addi %add3A_841, %add3A_1741 : i32
        %shift_right_arithmetic3A_1743 = arith.constant 4 : i32
        %shift_right_arithmetic3A_1744 = arith.shrsi %add3A_1742, %shift_right_arithmetic3A_1743 : i32
        %mul3A_1745 = arith.constant 16 : i32
        %mul3A_1746 = arith.muli %shift_right_arithmetic3A_1744, %mul3A_1745 : i32
        %multiple_of3A_1747 = tpu.assume_multiple %mul3A_1746, 16 : i32
        %get3A_1748 = arith.index_cast %multiple_of3A_1747 : i32 to index
        %get3A_1749 = tpu.vector_load %arg5[%get3A_1748] {strides = array<i32>} : memref<512xi32, #tpu.memory_space<vmem>>, vector<16xi32>,
        %and3A_1750 = arith.constant 15 : i32
        %and3A_1751 = arith.andi %add3A_1742, %and3A_1750 : i32
        %eq3A_1752 = vector.broadcast %and3A_1751 : i32 to vector<16xi32>
        %eq3A_1753 = arith.cmpi eq, %iota3A, %eq3A_1752 : vector<16xi32>
        %jit3A_1754 = arith.constant 0 : i32
        %broadcast_in_dim3A_1755 = vector.broadcast %jit3A_1754 : i32 to vector<16xi32>
        %select_n3A_1756 = arith.select %eq3A_1753, %get3A_1749, %broadcast_in_dim3A_1755 : vector<16xi1>, vector<16xi32>
        %reduce_max3A_1757 = arith.constant true
        %reduce_max3A_1758 = vector.broadcast %reduce_max3A_1757 : i1 to vector<16xi1>
        %reduce_max3A_1759 = arith.constant -2147483648 : i32
        %reduce_max3A_1760 = vector.broadcast %reduce_max3A_1759 : i32 to vector<16xi32>
        %reduce_max3A_1761 = arith.xori %select_n3A_1756, %reduce_max3A_1760 : vector<16xi32>
        %reduce_max3A_1762 = tpu.scan <max>, %reduce_max3A_1761 masked %reduce_max3A_1758 : vector<16xi32>, vector<16xi1> -> vector<16xi32>
        %reduce_max3A_1763 = arith.xori %reduce_max3A_1762, %reduce_max3A_1760 : vector<16xi32>
        %reduce_max3A_1764 = vector.extract %reduce_max3A_1763[15] : i32 from vector<16xi32>
        %shift_right_arithmetic3A_1765 = arith.constant 7 : i32
        %shift_right_arithmetic3A_1766 = arith.shrsi %reduce_max3A_1764, %shift_right_arithmetic3A_1765 : i32
        %mul3A_1767 = arith.constant 128 : i32
        %mul3A_1768 = arith.muli %shift_right_arithmetic3A_1766, %mul3A_1767 : i32
        %multiple_of3A_1769 = tpu.assume_multiple %mul3A_1768, 128 : i32
        %dma_start3A_1770 = arith.constant 0 : i32
        %dma_start3A_1771 = tpu.memref_slice %arg3[%dma_start3A_1770, %multiple_of3A_1769] : memref<32x1000000xf32, #tpu.memory_space<hbm>> -> memref<32x128xf32, #tpu.memory_space<hbm>>
        %dma_start3A_1772 = arith.constant 0 : i32
        %dma_start3A_1773 = tpu.memref_slice %arg3[%dma_start3A_1772, %multiple_of3A_1769] : memref<32x1000000xf32, #tpu.memory_space<hbm>> -> memref<32x128xf32, #tpu.memory_space<hbm>>
        tpu.enqueue_dma source(%dma_start3A_1773 : memref<32x128xf32, #tpu.memory_space<hbm>>) target(%arg11 : memref<32x128xf32, #tpu.memory_space<vmem>>) target_semaphore(%arg24 : memref<!tpu.dma_semaphore, #tpu.memory_space<semaphore_mem>>)
      } else {
      }
      %mul3A_920 = arith.constant 16 : i32
      %mul3A_921 = arith.muli %scan3A_432, %mul3A_920 : i32
      %add3A_922 = arith.constant 6 : i32
      %add3A_923 = arith.addi %mul3A_921, %add3A_922 : i32
      %shift_right_arithmetic3A_924 = arith.constant 4 : i32
      %shift_right_arithmetic3A_925 = arith.shrsi %add3A_923, %shift_right_arithmetic3A_924 : i32
      %mul3A_926 = arith.constant 16 : i32
      %mul3A_927 = arith.muli %shift_right_arithmetic3A_925, %mul3A_926 : i32
      %multiple_of3A_928 = tpu.assume_multiple %mul3A_927, 16 : i32
      %get3A_929 = arith.index_cast %multiple_of3A_928 : i32 to index
      %get3A_930 = tpu.vector_load %arg5[%get3A_929] {strides = array<i32>} : memref<512xi32, #tpu.memory_space<vmem>>, vector<16xi32>,
      %and3A_931 = arith.constant 15 : i32
      %and3A_932 = arith.andi %add3A_923, %and3A_931 : i32
      %eq3A_933 = vector.broadcast %and3A_932 : i32 to vector<16xi32>
      %eq3A_934 = arith.cmpi eq, %iota3A, %eq3A_933 : vector<16xi32>
      %jit3A_935 = arith.constant 0 : i32
      %broadcast_in_dim3A_936 = vector.broadcast %jit3A_935 : i32 to vector<16xi32>
      %select_n3A_937 = arith.select %eq3A_934, %get3A_930, %broadcast_in_dim3A_936 : vector<16xi1>, vector<16xi32>
      %reduce_max3A_938 = arith.constant true
      %reduce_max3A_939 = vector.broadcast %reduce_max3A_938 : i1 to vector<16xi1>
      %reduce_max3A_940 = arith.constant -2147483648 : i32
      %reduce_max3A_941 = vector.broadcast %reduce_max3A_940 : i32 to vector<16xi32>
      %reduce_max3A_942 = arith.xori %select_n3A_937, %reduce_max3A_941 : vector<16xi32>
      %reduce_max3A_943 = tpu.scan <max>, %reduce_max3A_942 masked %reduce_max3A_939 : vector<16xi32>, vector<16xi1> -> vector<16xi32>
      %reduce_max3A_944 = arith.xori %reduce_max3A_943, %reduce_max3A_941 : vector<16xi32>
      %reduce_max3A_945 = vector.extract %reduce_max3A_944[15] : i32 from vector<16xi32>
      %shift_right_arithmetic3A_946 = arith.constant 7 : i32
      %shift_right_arithmetic3A_947 = arith.shrsi %reduce_max3A_945, %shift_right_arithmetic3A_946 : i32
      %mul3A_948 = arith.constant 128 : i32
      %mul3A_949 = arith.muli %shift_right_arithmetic3A_947, %mul3A_948 : i32
      %multiple_of3A_950 = tpu.assume_multiple %mul3A_949, 128 : i32
      %dma_wait3A_951 = arith.constant 0 : i32
      %dma_wait3A_952 = tpu.memref_slice %arg3[%dma_wait3A_951, %multiple_of3A_950] : memref<32x1000000xf32, #tpu.memory_space<hbm>> -> memref<32x128xf32, #tpu.memory_space<hbm>>
      %dma_wait3A_953 = arith.constant 0 : i32
      %dma_wait3A_954 = tpu.memref_slice %arg3[%dma_wait3A_953, %multiple_of3A_950] : memref<32x1000000xf32, #tpu.memory_space<hbm>> -> memref<32x128xf32, #tpu.memory_space<hbm>>
      tpu.wait_dma2 semaphore(%arg25 : memref<!tpu.dma_semaphore, #tpu.memory_space<semaphore_mem>>) src(%dma_wait3A_954 : memref<32x128xf32, #tpu.memory_space<hbm>>) dst(%arg12 : memref<32x128xf32, #tpu.memory_space<vmem>>)
      %shift_right_arithmetic3A_955 = arith.constant 4 : i32
      %shift_right_arithmetic3A_956 = arith.shrsi %add3A_923, %shift_right_arithmetic3A_955 : i32
      %mul3A_957 = arith.constant 16 : i32
      %mul3A_958 = arith.muli %shift_right_arithmetic3A_956, %mul3A_957 : i32
      %multiple_of3A_959 = tpu.assume_multiple %mul3A_958, 16 : i32
      %get3A_960 = arith.index_cast %multiple_of3A_959 : i32 to index
      %get3A_961 = tpu.vector_load %arg5[%get3A_960] {strides = array<i32>} : memref<512xi32, #tpu.memory_space<vmem>>, vector<16xi32>,
      %and3A_962 = arith.constant 15 : i32
      %and3A_963 = arith.andi %add3A_923, %and3A_962 : i32
      %eq3A_964 = vector.broadcast %and3A_963 : i32 to vector<16xi32>
      %eq3A_965 = arith.cmpi eq, %iota3A, %eq3A_964 : vector<16xi32>
      %jit3A_966 = arith.constant 0 : i32
      %broadcast_in_dim3A_967 = vector.broadcast %jit3A_966 : i32 to vector<16xi32>
      %select_n3A_968 = arith.select %eq3A_965, %get3A_961, %broadcast_in_dim3A_967 : vector<16xi1>, vector<16xi32>
      %reduce_max3A_969 = arith.constant true
      %reduce_max3A_970 = vector.broadcast %reduce_max3A_969 : i1 to vector<16xi1>
      %reduce_max3A_971 = arith.constant -2147483648 : i32
      %reduce_max3A_972 = vector.broadcast %reduce_max3A_971 : i32 to vector<16xi32>
      %reduce_max3A_973 = arith.xori %select_n3A_968, %reduce_max3A_972 : vector<16xi32>
      %reduce_max3A_974 = tpu.scan <max>, %reduce_max3A_973 masked %reduce_max3A_970 : vector<16xi32>, vector<16xi1> -> vector<16xi32>
      %reduce_max3A_975 = arith.xori %reduce_max3A_974, %reduce_max3A_972 : vector<16xi32>
      %reduce_max3A_976 = vector.extract %reduce_max3A_975[15] : i32 from vector<16xi32>
      %and3A_977 = arith.constant 127 : i32
      %and3A_978 = arith.andi %reduce_max3A_976, %and3A_977 : i32
      %broadcast_in_dim3A_979 = vector.broadcast %and3A_978 : i32 to vector<16xi32>
      %broadcast_in_dim3A_980 = vector.broadcast %add3A_923 : i32 to vector<16xi32>
      %add3A_981 = arith.constant 0 : i32
      %add3A_982 = vector.broadcast %add3A_981 : i32 to vector<16xi32>
      %add3A_983 = arith.addi %add3A_982, %iota3A : vector<16xi32>
      %gather3A_984 = tpu.vector_load_idx %arg12[%add3A_983, %broadcast_in_dim3A_979] : memref<32x128xf32, #tpu.memory_space<vmem>>[vector<16xi32>, vector<16xi32>], vector<16xf32>,
      %add3A_985 = arith.constant 0 : i32
      %add3A_986 = vector.broadcast %add3A_985 : i32 to vector<16xi32>
      %add3A_987 = arith.addi %add3A_986, %iota3A : vector<16xi32>
      tpu.vector_store_idx %arg22[%add3A_987, %broadcast_in_dim3A_980], %gather3A_984 : memref<32x512xf32, #tpu.memory_space<vmem>>[vector<16xi32>, vector<16xi32>], vector<16xf32>,
      %add3A_988 = arith.constant 16 : i32
      %add3A_989 = vector.broadcast %add3A_988 : i32 to vector<16xi32>
      %add3A_990 = arith.addi %add3A_989, %iota3A : vector<16xi32>
      %gather3A_991 = tpu.vector_load_idx %arg12[%add3A_990, %broadcast_in_dim3A_979] : memref<32x128xf32, #tpu.memory_space<vmem>>[vector<16xi32>, vector<16xi32>], vector<16xf32>,
      %add3A_992 = arith.constant 16 : i32
      %add3A_993 = vector.broadcast %add3A_992 : i32 to vector<16xi32>
      %add3A_994 = arith.addi %add3A_993, %iota3A : vector<16xi32>
      tpu.vector_store_idx %arg22[%add3A_994, %broadcast_in_dim3A_980], %gather3A_991 : memref<32x512xf32, #tpu.memory_space<vmem>>[vector<16xi32>, vector<16xi32>], vector<16xf32>,
      %add3A_995 = arith.constant 16 : i32
      %add3A_996 = arith.addi %add3A_923, %add3A_995 : i32
      %lt3A_997 = arith.constant 512 : i32
      %lt3A_998 = arith.cmpi slt, %add3A_996, %lt3A_997 : i32
      %convert_element_type3A_999 = arith.extui %lt3A_998 : i1 to i32
      %cond3A_1000 = arith.constant 0 : i32
      %cond3A_1001 = arith.cmpi ne, %convert_element_type3A_999, %cond3A_1000 : i32
      scf.if %cond3A_1001 {
        %add3A_1741 = arith.constant 16 : i32
        %add3A_1742 = arith.addi %add3A_923, %add3A_1741 : i32
        %shift_right_arithmetic3A_1743 = arith.constant 4 : i32
        %shift_right_arithmetic3A_1744 = arith.shrsi %add3A_1742, %shift_right_arithmetic3A_1743 : i32
        %mul3A_1745 = arith.constant 16 : i32
        %mul3A_1746 = arith.muli %shift_right_arithmetic3A_1744, %mul3A_1745 : i32
        %multiple_of3A_1747 = tpu.assume_multiple %mul3A_1746, 16 : i32
        %get3A_1748 = arith.index_cast %multiple_of3A_1747 : i32 to index
        %get3A_1749 = tpu.vector_load %arg5[%get3A_1748] {strides = array<i32>} : memref<512xi32, #tpu.memory_space<vmem>>, vector<16xi32>,
        %and3A_1750 = arith.constant 15 : i32
        %and3A_1751 = arith.andi %add3A_1742, %and3A_1750 : i32
        %eq3A_1752 = vector.broadcast %and3A_1751 : i32 to vector<16xi32>
        %eq3A_1753 = arith.cmpi eq, %iota3A, %eq3A_1752 : vector<16xi32>
        %jit3A_1754 = arith.constant 0 : i32
        %broadcast_in_dim3A_1755 = vector.broadcast %jit3A_1754 : i32 to vector<16xi32>
        %select_n3A_1756 = arith.select %eq3A_1753, %get3A_1749, %broadcast_in_dim3A_1755 : vector<16xi1>, vector<16xi32>
        %reduce_max3A_1757 = arith.constant true
        %reduce_max3A_1758 = vector.broadcast %reduce_max3A_1757 : i1 to vector<16xi1>
        %reduce_max3A_1759 = arith.constant -2147483648 : i32
        %reduce_max3A_1760 = vector.broadcast %reduce_max3A_1759 : i32 to vector<16xi32>
        %reduce_max3A_1761 = arith.xori %select_n3A_1756, %reduce_max3A_1760 : vector<16xi32>
        %reduce_max3A_1762 = tpu.scan <max>, %reduce_max3A_1761 masked %reduce_max3A_1758 : vector<16xi32>, vector<16xi1> -> vector<16xi32>
        %reduce_max3A_1763 = arith.xori %reduce_max3A_1762, %reduce_max3A_1760 : vector<16xi32>
        %reduce_max3A_1764 = vector.extract %reduce_max3A_1763[15] : i32 from vector<16xi32>
        %shift_right_arithmetic3A_1765 = arith.constant 7 : i32
        %shift_right_arithmetic3A_1766 = arith.shrsi %reduce_max3A_1764, %shift_right_arithmetic3A_1765 : i32
        %mul3A_1767 = arith.constant 128 : i32
        %mul3A_1768 = arith.muli %shift_right_arithmetic3A_1766, %mul3A_1767 : i32
        %multiple_of3A_1769 = tpu.assume_multiple %mul3A_1768, 128 : i32
        %dma_start3A_1770 = arith.constant 0 : i32
        %dma_start3A_1771 = tpu.memref_slice %arg3[%dma_start3A_1770, %multiple_of3A_1769] : memref<32x1000000xf32, #tpu.memory_space<hbm>> -> memref<32x128xf32, #tpu.memory_space<hbm>>
        %dma_start3A_1772 = arith.constant 0 : i32
        %dma_start3A_1773 = tpu.memref_slice %arg3[%dma_start3A_1772, %multiple_of3A_1769] : memref<32x1000000xf32, #tpu.memory_space<hbm>> -> memref<32x128xf32, #tpu.memory_space<hbm>>
        tpu.enqueue_dma source(%dma_start3A_1773 : memref<32x128xf32, #tpu.memory_space<hbm>>) target(%arg12 : memref<32x128xf32, #tpu.memory_space<vmem>>) target_semaphore(%arg25 : memref<!tpu.dma_semaphore, #tpu.memory_space<semaphore_mem>>)
      } else {
      }
      %mul3A_1002 = arith.constant 16 : i32
      %mul3A_1003 = arith.muli %scan3A_432, %mul3A_1002 : i32
      %add3A_1004 = arith.constant 7 : i32
      %add3A_1005 = arith.addi %mul3A_1003, %add3A_1004 : i32
      %shift_right_arithmetic3A_1006 = arith.constant 4 : i32
      %shift_right_arithmetic3A_1007 = arith.shrsi %add3A_1005, %shift_right_arithmetic3A_1006 : i32
      %mul3A_1008 = arith.constant 16 : i32
      %mul3A_1009 = arith.muli %shift_right_arithmetic3A_1007, %mul3A_1008 : i32
      %multiple_of3A_1010 = tpu.assume_multiple %mul3A_1009, 16 : i32
      %get3A_1011 = arith.index_cast %multiple_of3A_1010 : i32 to index
      %get3A_1012 = tpu.vector_load %arg5[%get3A_1011] {strides = array<i32>} : memref<512xi32, #tpu.memory_space<vmem>>, vector<16xi32>,
      %and3A_1013 = arith.constant 15 : i32
      %and3A_1014 = arith.andi %add3A_1005, %and3A_1013 : i32
      %eq3A_1015 = vector.broadcast %and3A_1014 : i32 to vector<16xi32>
      %eq3A_1016 = arith.cmpi eq, %iota3A, %eq3A_1015 : vector<16xi32>
      %jit3A_1017 = arith.constant 0 : i32
      %broadcast_in_dim3A_1018 = vector.broadcast %jit3A_1017 : i32 to vector<16xi32>
      %select_n3A_1019 = arith.select %eq3A_1016, %get3A_1012, %broadcast_in_dim3A_1018 : vector<16xi1>, vector<16xi32>
      %reduce_max3A_1020 = arith.constant true
      %reduce_max3A_1021 = vector.broadcast %reduce_max3A_1020 : i1 to vector<16xi1>
      %reduce_max3A_1022 = arith.constant -2147483648 : i32
      %reduce_max3A_1023 = vector.broadcast %reduce_max3A_1022 : i32 to vector<16xi32>
      %reduce_max3A_1024 = arith.xori %select_n3A_1019, %reduce_max3A_1023 : vector<16xi32>
      %reduce_max3A_1025 = tpu.scan <max>, %reduce_max3A_1024 masked %reduce_max3A_1021 : vector<16xi32>, vector<16xi1> -> vector<16xi32>
      %reduce_max3A_1026 = arith.xori %reduce_max3A_1025, %reduce_max3A_1023 : vector<16xi32>
      %reduce_max3A_1027 = vector.extract %reduce_max3A_1026[15] : i32 from vector<16xi32>
      %shift_right_arithmetic3A_1028 = arith.constant 7 : i32
      %shift_right_arithmetic3A_1029 = arith.shrsi %reduce_max3A_1027, %shift_right_arithmetic3A_1028 : i32
      %mul3A_1030 = arith.constant 128 : i32
      %mul3A_1031 = arith.muli %shift_right_arithmetic3A_1029, %mul3A_1030 : i32
      %multiple_of3A_1032 = tpu.assume_multiple %mul3A_1031, 128 : i32
      %dma_wait3A_1033 = arith.constant 0 : i32
      %dma_wait3A_1034 = tpu.memref_slice %arg3[%dma_wait3A_1033, %multiple_of3A_1032] : memref<32x1000000xf32, #tpu.memory_space<hbm>> -> memref<32x128xf32, #tpu.memory_space<hbm>>
      %dma_wait3A_1035 = arith.constant 0 : i32
      %dma_wait3A_1036 = tpu.memref_slice %arg3[%dma_wait3A_1035, %multiple_of3A_1032] : memref<32x1000000xf32, #tpu.memory_space<hbm>> -> memref<32x128xf32, #tpu.memory_space<hbm>>
      tpu.wait_dma2 semaphore(%arg26 : memref<!tpu.dma_semaphore, #tpu.memory_space<semaphore_mem>>) src(%dma_wait3A_1036 : memref<32x128xf32, #tpu.memory_space<hbm>>) dst(%arg13 : memref<32x128xf32, #tpu.memory_space<vmem>>)
      %shift_right_arithmetic3A_1037 = arith.constant 4 : i32
      %shift_right_arithmetic3A_1038 = arith.shrsi %add3A_1005, %shift_right_arithmetic3A_1037 : i32
      %mul3A_1039 = arith.constant 16 : i32
      %mul3A_1040 = arith.muli %shift_right_arithmetic3A_1038, %mul3A_1039 : i32
      %multiple_of3A_1041 = tpu.assume_multiple %mul3A_1040, 16 : i32
      %get3A_1042 = arith.index_cast %multiple_of3A_1041 : i32 to index
      %get3A_1043 = tpu.vector_load %arg5[%get3A_1042] {strides = array<i32>} : memref<512xi32, #tpu.memory_space<vmem>>, vector<16xi32>,
      %and3A_1044 = arith.constant 15 : i32
      %and3A_1045 = arith.andi %add3A_1005, %and3A_1044 : i32
      %eq3A_1046 = vector.broadcast %and3A_1045 : i32 to vector<16xi32>
      %eq3A_1047 = arith.cmpi eq, %iota3A, %eq3A_1046 : vector<16xi32>
      %jit3A_1048 = arith.constant 0 : i32
      %broadcast_in_dim3A_1049 = vector.broadcast %jit3A_1048 : i32 to vector<16xi32>
      %select_n3A_1050 = arith.select %eq3A_1047, %get3A_1043, %broadcast_in_dim3A_1049 : vector<16xi1>, vector<16xi32>
      %reduce_max3A_1051 = arith.constant true
      %reduce_max3A_1052 = vector.broadcast %reduce_max3A_1051 : i1 to vector<16xi1>
      %reduce_max3A_1053 = arith.constant -2147483648 : i32
      %reduce_max3A_1054 = vector.broadcast %reduce_max3A_1053 : i32 to vector<16xi32>
      %reduce_max3A_1055 = arith.xori %select_n3A_1050, %reduce_max3A_1054 : vector<16xi32>
      %reduce_max3A_1056 = tpu.scan <max>, %reduce_max3A_1055 masked %reduce_max3A_1052 : vector<16xi32>, vector<16xi1> -> vector<16xi32>
      %reduce_max3A_1057 = arith.xori %reduce_max3A_1056, %reduce_max3A_1054 : vector<16xi32>
      %reduce_max3A_1058 = vector.extract %reduce_max3A_1057[15] : i32 from vector<16xi32>
      %and3A_1059 = arith.constant 127 : i32
      %and3A_1060 = arith.andi %reduce_max3A_1058, %and3A_1059 : i32
      %broadcast_in_dim3A_1061 = vector.broadcast %and3A_1060 : i32 to vector<16xi32>
      %broadcast_in_dim3A_1062 = vector.broadcast %add3A_1005 : i32 to vector<16xi32>
      %add3A_1063 = arith.constant 0 : i32
      %add3A_1064 = vector.broadcast %add3A_1063 : i32 to vector<16xi32>
      %add3A_1065 = arith.addi %add3A_1064, %iota3A : vector<16xi32>
      %gather3A_1066 = tpu.vector_load_idx %arg13[%add3A_1065, %broadcast_in_dim3A_1061] : memref<32x128xf32, #tpu.memory_space<vmem>>[vector<16xi32>, vector<16xi32>], vector<16xf32>,
      %add3A_1067 = arith.constant 0 : i32
      %add3A_1068 = vector.broadcast %add3A_1067 : i32 to vector<16xi32>
      %add3A_1069 = arith.addi %add3A_1068, %iota3A : vector<16xi32>
      tpu.vector_store_idx %arg22[%add3A_1069, %broadcast_in_dim3A_1062], %gather3A_1066 : memref<32x512xf32, #tpu.memory_space<vmem>>[vector<16xi32>, vector<16xi32>], vector<16xf32>,
      %add3A_1070 = arith.constant 16 : i32
      %add3A_1071 = vector.broadcast %add3A_1070 : i32 to vector<16xi32>
      %add3A_1072 = arith.addi %add3A_1071, %iota3A : vector<16xi32>
      %gather3A_1073 = tpu.vector_load_idx %arg13[%add3A_1072, %broadcast_in_dim3A_1061] : memref<32x128xf32, #tpu.memory_space<vmem>>[vector<16xi32>, vector<16xi32>], vector<16xf32>,
      %add3A_1074 = arith.constant 16 : i32
      %add3A_1075 = vector.broadcast %add3A_1074 : i32 to vector<16xi32>
      %add3A_1076 = arith.addi %add3A_1075, %iota3A : vector<16xi32>
      tpu.vector_store_idx %arg22[%add3A_1076, %broadcast_in_dim3A_1062], %gather3A_1073 : memref<32x512xf32, #tpu.memory_space<vmem>>[vector<16xi32>, vector<16xi32>], vector<16xf32>,
      %add3A_1077 = arith.constant 16 : i32
      %add3A_1078 = arith.addi %add3A_1005, %add3A_1077 : i32
      %lt3A_1079 = arith.constant 512 : i32
      %lt3A_1080 = arith.cmpi slt, %add3A_1078, %lt3A_1079 : i32
      %convert_element_type3A_1081 = arith.extui %lt3A_1080 : i1 to i32
      %cond3A_1082 = arith.constant 0 : i32
      %cond3A_1083 = arith.cmpi ne, %convert_element_type3A_1081, %cond3A_1082 : i32
      scf.if %cond3A_1083 {
        %add3A_1741 = arith.constant 16 : i32
        %add3A_1742 = arith.addi %add3A_1005, %add3A_1741 : i32
        %shift_right_arithmetic3A_1743 = arith.constant 4 : i32
        %shift_right_arithmetic3A_1744 = arith.shrsi %add3A_1742, %shift_right_arithmetic3A_1743 : i32
        %mul3A_1745 = arith.constant 16 : i32
        %mul3A_1746 = arith.muli %shift_right_arithmetic3A_1744, %mul3A_1745 : i32
        %multiple_of3A_1747 = tpu.assume_multiple %mul3A_1746, 16 : i32
        %get3A_1748 = arith.index_cast %multiple_of3A_1747 : i32 to index
        %get3A_1749 = tpu.vector_load %arg5[%get3A_1748] {strides = array<i32>} : memref<512xi32, #tpu.memory_space<vmem>>, vector<16xi32>,
        %and3A_1750 = arith.constant 15 : i32
        %and3A_1751 = arith.andi %add3A_1742, %and3A_1750 : i32
        %eq3A_1752 = vector.broadcast %and3A_1751 : i32 to vector<16xi32>
        %eq3A_1753 = arith.cmpi eq, %iota3A, %eq3A_1752 : vector<16xi32>
        %jit3A_1754 = arith.constant 0 : i32
        %broadcast_in_dim3A_1755 = vector.broadcast %jit3A_1754 : i32 to vector<16xi32>
        %select_n3A_1756 = arith.select %eq3A_1753, %get3A_1749, %broadcast_in_dim3A_1755 : vector<16xi1>, vector<16xi32>
        %reduce_max3A_1757 = arith.constant true
        %reduce_max3A_1758 = vector.broadcast %reduce_max3A_1757 : i1 to vector<16xi1>
        %reduce_max3A_1759 = arith.constant -2147483648 : i32
        %reduce_max3A_1760 = vector.broadcast %reduce_max3A_1759 : i32 to vector<16xi32>
        %reduce_max3A_1761 = arith.xori %select_n3A_1756, %reduce_max3A_1760 : vector<16xi32>
        %reduce_max3A_1762 = tpu.scan <max>, %reduce_max3A_1761 masked %reduce_max3A_1758 : vector<16xi32>, vector<16xi1> -> vector<16xi32>
        %reduce_max3A_1763 = arith.xori %reduce_max3A_1762, %reduce_max3A_1760 : vector<16xi32>
        %reduce_max3A_1764 = vector.extract %reduce_max3A_1763[15] : i32 from vector<16xi32>
        %shift_right_arithmetic3A_1765 = arith.constant 7 : i32
        %shift_right_arithmetic3A_1766 = arith.shrsi %reduce_max3A_1764, %shift_right_arithmetic3A_1765 : i32
        %mul3A_1767 = arith.constant 128 : i32
        %mul3A_1768 = arith.muli %shift_right_arithmetic3A_1766, %mul3A_1767 : i32
        %multiple_of3A_1769 = tpu.assume_multiple %mul3A_1768, 128 : i32
        %dma_start3A_1770 = arith.constant 0 : i32
        %dma_start3A_1771 = tpu.memref_slice %arg3[%dma_start3A_1770, %multiple_of3A_1769] : memref<32x1000000xf32, #tpu.memory_space<hbm>> -> memref<32x128xf32, #tpu.memory_space<hbm>>
        %dma_start3A_1772 = arith.constant 0 : i32
        %dma_start3A_1773 = tpu.memref_slice %arg3[%dma_start3A_1772, %multiple_of3A_1769] : memref<32x1000000xf32, #tpu.memory_space<hbm>> -> memref<32x128xf32, #tpu.memory_space<hbm>>
        tpu.enqueue_dma source(%dma_start3A_1773 : memref<32x128xf32, #tpu.memory_space<hbm>>) target(%arg13 : memref<32x128xf32, #tpu.memory_space<vmem>>) target_semaphore(%arg26 : memref<!tpu.dma_semaphore, #tpu.memory_space<semaphore_mem>>)
      } else {
      }
      %mul3A_1084 = arith.constant 16 : i32
      %mul3A_1085 = arith.muli %scan3A_432, %mul3A_1084 : i32
      %add3A_1086 = arith.constant 8 : i32
      %add3A_1087 = arith.addi %mul3A_1085, %add3A_1086 : i32
      %shift_right_arithmetic3A_1088 = arith.constant 4 : i32
      %shift_right_arithmetic3A_1089 = arith.shrsi %add3A_1087, %shift_right_arithmetic3A_1088 : i32
      %mul3A_1090 = arith.constant 16 : i32
      %mul3A_1091 = arith.muli %shift_right_arithmetic3A_1089, %mul3A_1090 : i32
      %multiple_of3A_1092 = tpu.assume_multiple %mul3A_1091, 16 : i32
      %get3A_1093 = arith.index_cast %multiple_of3A_1092 : i32 to index
      %get3A_1094 = tpu.vector_load %arg5[%get3A_1093] {strides = array<i32>} : memref<512xi32, #tpu.memory_space<vmem>>, vector<16xi32>,
      %and3A_1095 = arith.constant 15 : i32
      %and3A_1096 = arith.andi %add3A_1087, %and3A_1095 : i32
      %eq3A_1097 = vector.broadcast %and3A_1096 : i32 to vector<16xi32>
      %eq3A_1098 = arith.cmpi eq, %iota3A, %eq3A_1097 : vector<16xi32>
      %jit3A_1099 = arith.constant 0 : i32
      %broadcast_in_dim3A_1100 = vector.broadcast %jit3A_1099 : i32 to vector<16xi32>
      %select_n3A_1101 = arith.select %eq3A_1098, %get3A_1094, %broadcast_in_dim3A_1100 : vector<16xi1>, vector<16xi32>
      %reduce_max3A_1102 = arith.constant true
      %reduce_max3A_1103 = vector.broadcast %reduce_max3A_1102 : i1 to vector<16xi1>
      %reduce_max3A_1104 = arith.constant -2147483648 : i32
      %reduce_max3A_1105 = vector.broadcast %reduce_max3A_1104 : i32 to vector<16xi32>
      %reduce_max3A_1106 = arith.xori %select_n3A_1101, %reduce_max3A_1105 : vector<16xi32>
      %reduce_max3A_1107 = tpu.scan <max>, %reduce_max3A_1106 masked %reduce_max3A_1103 : vector<16xi32>, vector<16xi1> -> vector<16xi32>
      %reduce_max3A_1108 = arith.xori %reduce_max3A_1107, %reduce_max3A_1105 : vector<16xi32>
      %reduce_max3A_1109 = vector.extract %reduce_max3A_1108[15] : i32 from vector<16xi32>
      %shift_right_arithmetic3A_1110 = arith.constant 7 : i32
      %shift_right_arithmetic3A_1111 = arith.shrsi %reduce_max3A_1109, %shift_right_arithmetic3A_1110 : i32
      %mul3A_1112 = arith.constant 128 : i32
      %mul3A_1113 = arith.muli %shift_right_arithmetic3A_1111, %mul3A_1112 : i32
      %multiple_of3A_1114 = tpu.assume_multiple %mul3A_1113, 128 : i32
      %dma_wait3A_1115 = arith.constant 0 : i32
      %dma_wait3A_1116 = tpu.memref_slice %arg3[%dma_wait3A_1115, %multiple_of3A_1114] : memref<32x1000000xf32, #tpu.memory_space<hbm>> -> memref<32x128xf32, #tpu.memory_space<hbm>>
      %dma_wait3A_1117 = arith.constant 0 : i32
      %dma_wait3A_1118 = tpu.memref_slice %arg3[%dma_wait3A_1117, %multiple_of3A_1114] : memref<32x1000000xf32, #tpu.memory_space<hbm>> -> memref<32x128xf32, #tpu.memory_space<hbm>>
      tpu.wait_dma2 semaphore(%arg23 : memref<!tpu.dma_semaphore, #tpu.memory_space<semaphore_mem>>) src(%dma_wait3A_1118 : memref<32x128xf32, #tpu.memory_space<hbm>>) dst(%arg14 : memref<32x128xf32, #tpu.memory_space<vmem>>)
      %shift_right_arithmetic3A_1119 = arith.constant 4 : i32
      %shift_right_arithmetic3A_1120 = arith.shrsi %add3A_1087, %shift_right_arithmetic3A_1119 : i32
      %mul3A_1121 = arith.constant 16 : i32
      %mul3A_1122 = arith.muli %shift_right_arithmetic3A_1120, %mul3A_1121 : i32
      %multiple_of3A_1123 = tpu.assume_multiple %mul3A_1122, 16 : i32
      %get3A_1124 = arith.index_cast %multiple_of3A_1123 : i32 to index
      %get3A_1125 = tpu.vector_load %arg5[%get3A_1124] {strides = array<i32>} : memref<512xi32, #tpu.memory_space<vmem>>, vector<16xi32>,
      %and3A_1126 = arith.constant 15 : i32
      %and3A_1127 = arith.andi %add3A_1087, %and3A_1126 : i32
      %eq3A_1128 = vector.broadcast %and3A_1127 : i32 to vector<16xi32>
      %eq3A_1129 = arith.cmpi eq, %iota3A, %eq3A_1128 : vector<16xi32>
      %jit3A_1130 = arith.constant 0 : i32
      %broadcast_in_dim3A_1131 = vector.broadcast %jit3A_1130 : i32 to vector<16xi32>
      %select_n3A_1132 = arith.select %eq3A_1129, %get3A_1125, %broadcast_in_dim3A_1131 : vector<16xi1>, vector<16xi32>
      %reduce_max3A_1133 = arith.constant true
      %reduce_max3A_1134 = vector.broadcast %reduce_max3A_1133 : i1 to vector<16xi1>
      %reduce_max3A_1135 = arith.constant -2147483648 : i32
      %reduce_max3A_1136 = vector.broadcast %reduce_max3A_1135 : i32 to vector<16xi32>
      %reduce_max3A_1137 = arith.xori %select_n3A_1132, %reduce_max3A_1136 : vector<16xi32>
      %reduce_max3A_1138 = tpu.scan <max>, %reduce_max3A_1137 masked %reduce_max3A_1134 : vector<16xi32>, vector<16xi1> -> vector<16xi32>
      %reduce_max3A_1139 = arith.xori %reduce_max3A_1138, %reduce_max3A_1136 : vector<16xi32>
      %reduce_max3A_1140 = vector.extract %reduce_max3A_1139[15] : i32 from vector<16xi32>
      %and3A_1141 = arith.constant 127 : i32
      %and3A_1142 = arith.andi %reduce_max3A_1140, %and3A_1141 : i32
      %broadcast_in_dim3A_1143 = vector.broadcast %and3A_1142 : i32 to vector<16xi32>
      %broadcast_in_dim3A_1144 = vector.broadcast %add3A_1087 : i32 to vector<16xi32>
      %add3A_1145 = arith.constant 0 : i32
      %add3A_1146 = vector.broadcast %add3A_1145 : i32 to vector<16xi32>
      %add3A_1147 = arith.addi %add3A_1146, %iota3A : vector<16xi32>
      %gather3A_1148 = tpu.vector_load_idx %arg14[%add3A_1147, %broadcast_in_dim3A_1143] : memref<32x128xf32, #tpu.memory_space<vmem>>[vector<16xi32>, vector<16xi32>], vector<16xf32>,
      %add3A_1149 = arith.constant 0 : i32
      %add3A_1150 = vector.broadcast %add3A_1149 : i32 to vector<16xi32>
      %add3A_1151 = arith.addi %add3A_1150, %iota3A : vector<16xi32>
      tpu.vector_store_idx %arg22[%add3A_1151, %broadcast_in_dim3A_1144], %gather3A_1148 : memref<32x512xf32, #tpu.memory_space<vmem>>[vector<16xi32>, vector<16xi32>], vector<16xf32>,
      %add3A_1152 = arith.constant 16 : i32
      %add3A_1153 = vector.broadcast %add3A_1152 : i32 to vector<16xi32>
      %add3A_1154 = arith.addi %add3A_1153, %iota3A : vector<16xi32>
      %gather3A_1155 = tpu.vector_load_idx %arg14[%add3A_1154, %broadcast_in_dim3A_1143] : memref<32x128xf32, #tpu.memory_space<vmem>>[vector<16xi32>, vector<16xi32>], vector<16xf32>,
      %add3A_1156 = arith.constant 16 : i32
      %add3A_1157 = vector.broadcast %add3A_1156 : i32 to vector<16xi32>
      %add3A_1158 = arith.addi %add3A_1157, %iota3A : vector<16xi32>
      tpu.vector_store_idx %arg22[%add3A_1158, %broadcast_in_dim3A_1144], %gather3A_1155 : memref<32x512xf32, #tpu.memory_space<vmem>>[vector<16xi32>, vector<16xi32>], vector<16xf32>,
      %add3A_1159 = arith.constant 16 : i32
      %add3A_1160 = arith.addi %add3A_1087, %add3A_1159 : i32
      %lt3A_1161 = arith.constant 512 : i32
      %lt3A_1162 = arith.cmpi slt, %add3A_1160, %lt3A_1161 : i32
      %convert_element_type3A_1163 = arith.extui %lt3A_1162 : i1 to i32
      %cond3A_1164 = arith.constant 0 : i32
      %cond3A_1165 = arith.cmpi ne, %convert_element_type3A_1163, %cond3A_1164 : i32
      scf.if %cond3A_1165 {
        %add3A_1741 = arith.constant 16 : i32
        %add3A_1742 = arith.addi %add3A_1087, %add3A_1741 : i32
        %shift_right_arithmetic3A_1743 = arith.constant 4 : i32
        %shift_right_arithmetic3A_1744 = arith.shrsi %add3A_1742, %shift_right_arithmetic3A_1743 : i32
        %mul3A_1745 = arith.constant 16 : i32
        %mul3A_1746 = arith.muli %shift_right_arithmetic3A_1744, %mul3A_1745 : i32
        %multiple_of3A_1747 = tpu.assume_multiple %mul3A_1746, 16 : i32
        %get3A_1748 = arith.index_cast %multiple_of3A_1747 : i32 to index
        %get3A_1749 = tpu.vector_load %arg5[%get3A_1748] {strides = array<i32>} : memref<512xi32, #tpu.memory_space<vmem>>, vector<16xi32>,
        %and3A_1750 = arith.constant 15 : i32
        %and3A_1751 = arith.andi %add3A_1742, %and3A_1750 : i32
        %eq3A_1752 = vector.broadcast %and3A_1751 : i32 to vector<16xi32>
        %eq3A_1753 = arith.cmpi eq, %iota3A, %eq3A_1752 : vector<16xi32>
        %jit3A_1754 = arith.constant 0 : i32
        %broadcast_in_dim3A_1755 = vector.broadcast %jit3A_1754 : i32 to vector<16xi32>
        %select_n3A_1756 = arith.select %eq3A_1753, %get3A_1749, %broadcast_in_dim3A_1755 : vector<16xi1>, vector<16xi32>
        %reduce_max3A_1757 = arith.constant true
        %reduce_max3A_1758 = vector.broadcast %reduce_max3A_1757 : i1 to vector<16xi1>
        %reduce_max3A_1759 = arith.constant -2147483648 : i32
        %reduce_max3A_1760 = vector.broadcast %reduce_max3A_1759 : i32 to vector<16xi32>
        %reduce_max3A_1761 = arith.xori %select_n3A_1756, %reduce_max3A_1760 : vector<16xi32>
        %reduce_max3A_1762 = tpu.scan <max>, %reduce_max3A_1761 masked %reduce_max3A_1758 : vector<16xi32>, vector<16xi1> -> vector<16xi32>
        %reduce_max3A_1763 = arith.xori %reduce_max3A_1762, %reduce_max3A_1760 : vector<16xi32>
        %reduce_max3A_1764 = vector.extract %reduce_max3A_1763[15] : i32 from vector<16xi32>
        %shift_right_arithmetic3A_1765 = arith.constant 7 : i32
        %shift_right_arithmetic3A_1766 = arith.shrsi %reduce_max3A_1764, %shift_right_arithmetic3A_1765 : i32
        %mul3A_1767 = arith.constant 128 : i32
        %mul3A_1768 = arith.muli %shift_right_arithmetic3A_1766, %mul3A_1767 : i32
        %multiple_of3A_1769 = tpu.assume_multiple %mul3A_1768, 128 : i32
        %dma_start3A_1770 = arith.constant 0 : i32
        %dma_start3A_1771 = tpu.memref_slice %arg3[%dma_start3A_1770, %multiple_of3A_1769] : memref<32x1000000xf32, #tpu.memory_space<hbm>> -> memref<32x128xf32, #tpu.memory_space<hbm>>
        %dma_start3A_1772 = arith.constant 0 : i32
        %dma_start3A_1773 = tpu.memref_slice %arg3[%dma_start3A_1772, %multiple_of3A_1769] : memref<32x1000000xf32, #tpu.memory_space<hbm>> -> memref<32x128xf32, #tpu.memory_space<hbm>>
        tpu.enqueue_dma source(%dma_start3A_1773 : memref<32x128xf32, #tpu.memory_space<hbm>>) target(%arg14 : memref<32x128xf32, #tpu.memory_space<vmem>>) target_semaphore(%arg23 : memref<!tpu.dma_semaphore, #tpu.memory_space<semaphore_mem>>)
      } else {
      }
      %mul3A_1166 = arith.constant 16 : i32
      %mul3A_1167 = arith.muli %scan3A_432, %mul3A_1166 : i32
      %add3A_1168 = arith.constant 9 : i32
      %add3A_1169 = arith.addi %mul3A_1167, %add3A_1168 : i32
      %shift_right_arithmetic3A_1170 = arith.constant 4 : i32
      %shift_right_arithmetic3A_1171 = arith.shrsi %add3A_1169, %shift_right_arithmetic3A_1170 : i32
      %mul3A_1172 = arith.constant 16 : i32
      %mul3A_1173 = arith.muli %shift_right_arithmetic3A_1171, %mul3A_1172 : i32
      %multiple_of3A_1174 = tpu.assume_multiple %mul3A_1173, 16 : i32
      %get3A_1175 = arith.index_cast %multiple_of3A_1174 : i32 to index
      %get3A_1176 = tpu.vector_load %arg5[%get3A_1175] {strides = array<i32>} : memref<512xi32, #tpu.memory_space<vmem>>, vector<16xi32>,
      %and3A_1177 = arith.constant 15 : i32
      %and3A_1178 = arith.andi %add3A_1169, %and3A_1177 : i32
      %eq3A_1179 = vector.broadcast %and3A_1178 : i32 to vector<16xi32>
      %eq3A_1180 = arith.cmpi eq, %iota3A, %eq3A_1179 : vector<16xi32>
      %jit3A_1181 = arith.constant 0 : i32
      %broadcast_in_dim3A_1182 = vector.broadcast %jit3A_1181 : i32 to vector<16xi32>
      %select_n3A_1183 = arith.select %eq3A_1180, %get3A_1176, %broadcast_in_dim3A_1182 : vector<16xi1>, vector<16xi32>
      %reduce_max3A_1184 = arith.constant true
      %reduce_max3A_1185 = vector.broadcast %reduce_max3A_1184 : i1 to vector<16xi1>
      %reduce_max3A_1186 = arith.constant -2147483648 : i32
      %reduce_max3A_1187 = vector.broadcast %reduce_max3A_1186 : i32 to vector<16xi32>
      %reduce_max3A_1188 = arith.xori %select_n3A_1183, %reduce_max3A_1187 : vector<16xi32>
      %reduce_max3A_1189 = tpu.scan <max>, %reduce_max3A_1188 masked %reduce_max3A_1185 : vector<16xi32>, vector<16xi1> -> vector<16xi32>
      %reduce_max3A_1190 = arith.xori %reduce_max3A_1189, %reduce_max3A_1187 : vector<16xi32>
      %reduce_max3A_1191 = vector.extract %reduce_max3A_1190[15] : i32 from vector<16xi32>
      %shift_right_arithmetic3A_1192 = arith.constant 7 : i32
      %shift_right_arithmetic3A_1193 = arith.shrsi %reduce_max3A_1191, %shift_right_arithmetic3A_1192 : i32
      %mul3A_1194 = arith.constant 128 : i32
      %mul3A_1195 = arith.muli %shift_right_arithmetic3A_1193, %mul3A_1194 : i32
      %multiple_of3A_1196 = tpu.assume_multiple %mul3A_1195, 128 : i32
      %dma_wait3A_1197 = arith.constant 0 : i32
      %dma_wait3A_1198 = tpu.memref_slice %arg3[%dma_wait3A_1197, %multiple_of3A_1196] : memref<32x1000000xf32, #tpu.memory_space<hbm>> -> memref<32x128xf32, #tpu.memory_space<hbm>>
      %dma_wait3A_1199 = arith.constant 0 : i32
      %dma_wait3A_1200 = tpu.memref_slice %arg3[%dma_wait3A_1199, %multiple_of3A_1196] : memref<32x1000000xf32, #tpu.memory_space<hbm>> -> memref<32x128xf32, #tpu.memory_space<hbm>>
      tpu.wait_dma2 semaphore(%arg24 : memref<!tpu.dma_semaphore, #tpu.memory_space<semaphore_mem>>) src(%dma_wait3A_1200 : memref<32x128xf32, #tpu.memory_space<hbm>>) dst(%arg15 : memref<32x128xf32, #tpu.memory_space<vmem>>)
      %shift_right_arithmetic3A_1201 = arith.constant 4 : i32
      %shift_right_arithmetic3A_1202 = arith.shrsi %add3A_1169, %shift_right_arithmetic3A_1201 : i32
      %mul3A_1203 = arith.constant 16 : i32
      %mul3A_1204 = arith.muli %shift_right_arithmetic3A_1202, %mul3A_1203 : i32
      %multiple_of3A_1205 = tpu.assume_multiple %mul3A_1204, 16 : i32
      %get3A_1206 = arith.index_cast %multiple_of3A_1205 : i32 to index
      %get3A_1207 = tpu.vector_load %arg5[%get3A_1206] {strides = array<i32>} : memref<512xi32, #tpu.memory_space<vmem>>, vector<16xi32>,
      %and3A_1208 = arith.constant 15 : i32
      %and3A_1209 = arith.andi %add3A_1169, %and3A_1208 : i32
      %eq3A_1210 = vector.broadcast %and3A_1209 : i32 to vector<16xi32>
      %eq3A_1211 = arith.cmpi eq, %iota3A, %eq3A_1210 : vector<16xi32>
      %jit3A_1212 = arith.constant 0 : i32
      %broadcast_in_dim3A_1213 = vector.broadcast %jit3A_1212 : i32 to vector<16xi32>
      %select_n3A_1214 = arith.select %eq3A_1211, %get3A_1207, %broadcast_in_dim3A_1213 : vector<16xi1>, vector<16xi32>
      %reduce_max3A_1215 = arith.constant true
      %reduce_max3A_1216 = vector.broadcast %reduce_max3A_1215 : i1 to vector<16xi1>
      %reduce_max3A_1217 = arith.constant -2147483648 : i32
      %reduce_max3A_1218 = vector.broadcast %reduce_max3A_1217 : i32 to vector<16xi32>
      %reduce_max3A_1219 = arith.xori %select_n3A_1214, %reduce_max3A_1218 : vector<16xi32>
      %reduce_max3A_1220 = tpu.scan <max>, %reduce_max3A_1219 masked %reduce_max3A_1216 : vector<16xi32>, vector<16xi1> -> vector<16xi32>
      %reduce_max3A_1221 = arith.xori %reduce_max3A_1220, %reduce_max3A_1218 : vector<16xi32>
      %reduce_max3A_1222 = vector.extract %reduce_max3A_1221[15] : i32 from vector<16xi32>
      %and3A_1223 = arith.constant 127 : i32
      %and3A_1224 = arith.andi %reduce_max3A_1222, %and3A_1223 : i32
      %broadcast_in_dim3A_1225 = vector.broadcast %and3A_1224 : i32 to vector<16xi32>
      %broadcast_in_dim3A_1226 = vector.broadcast %add3A_1169 : i32 to vector<16xi32>
      %add3A_1227 = arith.constant 0 : i32
      %add3A_1228 = vector.broadcast %add3A_1227 : i32 to vector<16xi32>
      %add3A_1229 = arith.addi %add3A_1228, %iota3A : vector<16xi32>
      %gather3A_1230 = tpu.vector_load_idx %arg15[%add3A_1229, %broadcast_in_dim3A_1225] : memref<32x128xf32, #tpu.memory_space<vmem>>[vector<16xi32>, vector<16xi32>], vector<16xf32>,
      %add3A_1231 = arith.constant 0 : i32
      %add3A_1232 = vector.broadcast %add3A_1231 : i32 to vector<16xi32>
      %add3A_1233 = arith.addi %add3A_1232, %iota3A : vector<16xi32>
      tpu.vector_store_idx %arg22[%add3A_1233, %broadcast_in_dim3A_1226], %gather3A_1230 : memref<32x512xf32, #tpu.memory_space<vmem>>[vector<16xi32>, vector<16xi32>], vector<16xf32>,
      %add3A_1234 = arith.constant 16 : i32
      %add3A_1235 = vector.broadcast %add3A_1234 : i32 to vector<16xi32>
      %add3A_1236 = arith.addi %add3A_1235, %iota3A : vector<16xi32>
      %gather3A_1237 = tpu.vector_load_idx %arg15[%add3A_1236, %broadcast_in_dim3A_1225] : memref<32x128xf32, #tpu.memory_space<vmem>>[vector<16xi32>, vector<16xi32>], vector<16xf32>,
      %add3A_1238 = arith.constant 16 : i32
      %add3A_1239 = vector.broadcast %add3A_1238 : i32 to vector<16xi32>
      %add3A_1240 = arith.addi %add3A_1239, %iota3A : vector<16xi32>
      tpu.vector_store_idx %arg22[%add3A_1240, %broadcast_in_dim3A_1226], %gather3A_1237 : memref<32x512xf32, #tpu.memory_space<vmem>>[vector<16xi32>, vector<16xi32>], vector<16xf32>,
      %add3A_1241 = arith.constant 16 : i32
      %add3A_1242 = arith.addi %add3A_1169, %add3A_1241 : i32
      %lt3A_1243 = arith.constant 512 : i32
      %lt3A_1244 = arith.cmpi slt, %add3A_1242, %lt3A_1243 : i32
      %convert_element_type3A_1245 = arith.extui %lt3A_1244 : i1 to i32
      %cond3A_1246 = arith.constant 0 : i32
      %cond3A_1247 = arith.cmpi ne, %convert_element_type3A_1245, %cond3A_1246 : i32
      scf.if %cond3A_1247 {
        %add3A_1741 = arith.constant 16 : i32
        %add3A_1742 = arith.addi %add3A_1169, %add3A_1741 : i32
        %shift_right_arithmetic3A_1743 = arith.constant 4 : i32
        %shift_right_arithmetic3A_1744 = arith.shrsi %add3A_1742, %shift_right_arithmetic3A_1743 : i32
        %mul3A_1745 = arith.constant 16 : i32
        %mul3A_1746 = arith.muli %shift_right_arithmetic3A_1744, %mul3A_1745 : i32
        %multiple_of3A_1747 = tpu.assume_multiple %mul3A_1746, 16 : i32
        %get3A_1748 = arith.index_cast %multiple_of3A_1747 : i32 to index
        %get3A_1749 = tpu.vector_load %arg5[%get3A_1748] {strides = array<i32>} : memref<512xi32, #tpu.memory_space<vmem>>, vector<16xi32>,
        %and3A_1750 = arith.constant 15 : i32
        %and3A_1751 = arith.andi %add3A_1742, %and3A_1750 : i32
        %eq3A_1752 = vector.broadcast %and3A_1751 : i32 to vector<16xi32>
        %eq3A_1753 = arith.cmpi eq, %iota3A, %eq3A_1752 : vector<16xi32>
        %jit3A_1754 = arith.constant 0 : i32
        %broadcast_in_dim3A_1755 = vector.broadcast %jit3A_1754 : i32 to vector<16xi32>
        %select_n3A_1756 = arith.select %eq3A_1753, %get3A_1749, %broadcast_in_dim3A_1755 : vector<16xi1>, vector<16xi32>
        %reduce_max3A_1757 = arith.constant true
        %reduce_max3A_1758 = vector.broadcast %reduce_max3A_1757 : i1 to vector<16xi1>
        %reduce_max3A_1759 = arith.constant -2147483648 : i32
        %reduce_max3A_1760 = vector.broadcast %reduce_max3A_1759 : i32 to vector<16xi32>
        %reduce_max3A_1761 = arith.xori %select_n3A_1756, %reduce_max3A_1760 : vector<16xi32>
        %reduce_max3A_1762 = tpu.scan <max>, %reduce_max3A_1761 masked %reduce_max3A_1758 : vector<16xi32>, vector<16xi1> -> vector<16xi32>
        %reduce_max3A_1763 = arith.xori %reduce_max3A_1762, %reduce_max3A_1760 : vector<16xi32>
        %reduce_max3A_1764 = vector.extract %reduce_max3A_1763[15] : i32 from vector<16xi32>
        %shift_right_arithmetic3A_1765 = arith.constant 7 : i32
        %shift_right_arithmetic3A_1766 = arith.shrsi %reduce_max3A_1764, %shift_right_arithmetic3A_1765 : i32
        %mul3A_1767 = arith.constant 128 : i32
        %mul3A_1768 = arith.muli %shift_right_arithmetic3A_1766, %mul3A_1767 : i32
        %multiple_of3A_1769 = tpu.assume_multiple %mul3A_1768, 128 : i32
        %dma_start3A_1770 = arith.constant 0 : i32
        %dma_start3A_1771 = tpu.memref_slice %arg3[%dma_start3A_1770, %multiple_of3A_1769] : memref<32x1000000xf32, #tpu.memory_space<hbm>> -> memref<32x128xf32, #tpu.memory_space<hbm>>
        %dma_start3A_1772 = arith.constant 0 : i32
        %dma_start3A_1773 = tpu.memref_slice %arg3[%dma_start3A_1772, %multiple_of3A_1769] : memref<32x1000000xf32, #tpu.memory_space<hbm>> -> memref<32x128xf32, #tpu.memory_space<hbm>>
        tpu.enqueue_dma source(%dma_start3A_1773 : memref<32x128xf32, #tpu.memory_space<hbm>>) target(%arg15 : memref<32x128xf32, #tpu.memory_space<vmem>>) target_semaphore(%arg24 : memref<!tpu.dma_semaphore, #tpu.memory_space<semaphore_mem>>)
      } else {
      }
      %mul3A_1248 = arith.constant 16 : i32
      %mul3A_1249 = arith.muli %scan3A_432, %mul3A_1248 : i32
      %add3A_1250 = arith.constant 10 : i32
      %add3A_1251 = arith.addi %mul3A_1249, %add3A_1250 : i32
      %shift_right_arithmetic3A_1252 = arith.constant 4 : i32
      %shift_right_arithmetic3A_1253 = arith.shrsi %add3A_1251, %shift_right_arithmetic3A_1252 : i32
      %mul3A_1254 = arith.constant 16 : i32
      %mul3A_1255 = arith.muli %shift_right_arithmetic3A_1253, %mul3A_1254 : i32
      %multiple_of3A_1256 = tpu.assume_multiple %mul3A_1255, 16 : i32
      %get3A_1257 = arith.index_cast %multiple_of3A_1256 : i32 to index
      %get3A_1258 = tpu.vector_load %arg5[%get3A_1257] {strides = array<i32>} : memref<512xi32, #tpu.memory_space<vmem>>, vector<16xi32>,
      %and3A_1259 = arith.constant 15 : i32
      %and3A_1260 = arith.andi %add3A_1251, %and3A_1259 : i32
      %eq3A_1261 = vector.broadcast %and3A_1260 : i32 to vector<16xi32>
      %eq3A_1262 = arith.cmpi eq, %iota3A, %eq3A_1261 : vector<16xi32>
      %jit3A_1263 = arith.constant 0 : i32
      %broadcast_in_dim3A_1264 = vector.broadcast %jit3A_1263 : i32 to vector<16xi32>
      %select_n3A_1265 = arith.select %eq3A_1262, %get3A_1258, %broadcast_in_dim3A_1264 : vector<16xi1>, vector<16xi32>
      %reduce_max3A_1266 = arith.constant true
      %reduce_max3A_1267 = vector.broadcast %reduce_max3A_1266 : i1 to vector<16xi1>
      %reduce_max3A_1268 = arith.constant -2147483648 : i32
      %reduce_max3A_1269 = vector.broadcast %reduce_max3A_1268 : i32 to vector<16xi32>
      %reduce_max3A_1270 = arith.xori %select_n3A_1265, %reduce_max3A_1269 : vector<16xi32>
      %reduce_max3A_1271 = tpu.scan <max>, %reduce_max3A_1270 masked %reduce_max3A_1267 : vector<16xi32>, vector<16xi1> -> vector<16xi32>
      %reduce_max3A_1272 = arith.xori %reduce_max3A_1271, %reduce_max3A_1269 : vector<16xi32>
      %reduce_max3A_1273 = vector.extract %reduce_max3A_1272[15] : i32 from vector<16xi32>
      %shift_right_arithmetic3A_1274 = arith.constant 7 : i32
      %shift_right_arithmetic3A_1275 = arith.shrsi %reduce_max3A_1273, %shift_right_arithmetic3A_1274 : i32
      %mul3A_1276 = arith.constant 128 : i32
      %mul3A_1277 = arith.muli %shift_right_arithmetic3A_1275, %mul3A_1276 : i32
      %multiple_of3A_1278 = tpu.assume_multiple %mul3A_1277, 128 : i32
      %dma_wait3A_1279 = arith.constant 0 : i32
      %dma_wait3A_1280 = tpu.memref_slice %arg3[%dma_wait3A_1279, %multiple_of3A_1278] : memref<32x1000000xf32, #tpu.memory_space<hbm>> -> memref<32x128xf32, #tpu.memory_space<hbm>>
      %dma_wait3A_1281 = arith.constant 0 : i32
      %dma_wait3A_1282 = tpu.memref_slice %arg3[%dma_wait3A_1281, %multiple_of3A_1278] : memref<32x1000000xf32, #tpu.memory_space<hbm>> -> memref<32x128xf32, #tpu.memory_space<hbm>>
      tpu.wait_dma2 semaphore(%arg25 : memref<!tpu.dma_semaphore, #tpu.memory_space<semaphore_mem>>) src(%dma_wait3A_1282 : memref<32x128xf32, #tpu.memory_space<hbm>>) dst(%arg16 : memref<32x128xf32, #tpu.memory_space<vmem>>)
      %shift_right_arithmetic3A_1283 = arith.constant 4 : i32
      %shift_right_arithmetic3A_1284 = arith.shrsi %add3A_1251, %shift_right_arithmetic3A_1283 : i32
      %mul3A_1285 = arith.constant 16 : i32
      %mul3A_1286 = arith.muli %shift_right_arithmetic3A_1284, %mul3A_1285 : i32
      %multiple_of3A_1287 = tpu.assume_multiple %mul3A_1286, 16 : i32
      %get3A_1288 = arith.index_cast %multiple_of3A_1287 : i32 to index
      %get3A_1289 = tpu.vector_load %arg5[%get3A_1288] {strides = array<i32>} : memref<512xi32, #tpu.memory_space<vmem>>, vector<16xi32>,
      %and3A_1290 = arith.constant 15 : i32
      %and3A_1291 = arith.andi %add3A_1251, %and3A_1290 : i32
      %eq3A_1292 = vector.broadcast %and3A_1291 : i32 to vector<16xi32>
      %eq3A_1293 = arith.cmpi eq, %iota3A, %eq3A_1292 : vector<16xi32>
      %jit3A_1294 = arith.constant 0 : i32
      %broadcast_in_dim3A_1295 = vector.broadcast %jit3A_1294 : i32 to vector<16xi32>
      %select_n3A_1296 = arith.select %eq3A_1293, %get3A_1289, %broadcast_in_dim3A_1295 : vector<16xi1>, vector<16xi32>
      %reduce_max3A_1297 = arith.constant true
      %reduce_max3A_1298 = vector.broadcast %reduce_max3A_1297 : i1 to vector<16xi1>
      %reduce_max3A_1299 = arith.constant -2147483648 : i32
      %reduce_max3A_1300 = vector.broadcast %reduce_max3A_1299 : i32 to vector<16xi32>
      %reduce_max3A_1301 = arith.xori %select_n3A_1296, %reduce_max3A_1300 : vector<16xi32>
      %reduce_max3A_1302 = tpu.scan <max>, %reduce_max3A_1301 masked %reduce_max3A_1298 : vector<16xi32>, vector<16xi1> -> vector<16xi32>
      %reduce_max3A_1303 = arith.xori %reduce_max3A_1302, %reduce_max3A_1300 : vector<16xi32>
      %reduce_max3A_1304 = vector.extract %reduce_max3A_1303[15] : i32 from vector<16xi32>
      %and3A_1305 = arith.constant 127 : i32
      %and3A_1306 = arith.andi %reduce_max3A_1304, %and3A_1305 : i32
      %broadcast_in_dim3A_1307 = vector.broadcast %and3A_1306 : i32 to vector<16xi32>
      %broadcast_in_dim3A_1308 = vector.broadcast %add3A_1251 : i32 to vector<16xi32>
      %add3A_1309 = arith.constant 0 : i32
      %add3A_1310 = vector.broadcast %add3A_1309 : i32 to vector<16xi32>
      %add3A_1311 = arith.addi %add3A_1310, %iota3A : vector<16xi32>
      %gather3A_1312 = tpu.vector_load_idx %arg16[%add3A_1311, %broadcast_in_dim3A_1307] : memref<32x128xf32, #tpu.memory_space<vmem>>[vector<16xi32>, vector<16xi32>], vector<16xf32>,
      %add3A_1313 = arith.constant 0 : i32
      %add3A_1314 = vector.broadcast %add3A_1313 : i32 to vector<16xi32>
      %add3A_1315 = arith.addi %add3A_1314, %iota3A : vector<16xi32>
      tpu.vector_store_idx %arg22[%add3A_1315, %broadcast_in_dim3A_1308], %gather3A_1312 : memref<32x512xf32, #tpu.memory_space<vmem>>[vector<16xi32>, vector<16xi32>], vector<16xf32>,
      %add3A_1316 = arith.constant 16 : i32
      %add3A_1317 = vector.broadcast %add3A_1316 : i32 to vector<16xi32>
      %add3A_1318 = arith.addi %add3A_1317, %iota3A : vector<16xi32>
      %gather3A_1319 = tpu.vector_load_idx %arg16[%add3A_1318, %broadcast_in_dim3A_1307] : memref<32x128xf32, #tpu.memory_space<vmem>>[vector<16xi32>, vector<16xi32>], vector<16xf32>,
      %add3A_1320 = arith.constant 16 : i32
      %add3A_1321 = vector.broadcast %add3A_1320 : i32 to vector<16xi32>
      %add3A_1322 = arith.addi %add3A_1321, %iota3A : vector<16xi32>
      tpu.vector_store_idx %arg22[%add3A_1322, %broadcast_in_dim3A_1308], %gather3A_1319 : memref<32x512xf32, #tpu.memory_space<vmem>>[vector<16xi32>, vector<16xi32>], vector<16xf32>,
      %add3A_1323 = arith.constant 16 : i32
      %add3A_1324 = arith.addi %add3A_1251, %add3A_1323 : i32
      %lt3A_1325 = arith.constant 512 : i32
      %lt3A_1326 = arith.cmpi slt, %add3A_1324, %lt3A_1325 : i32
      %convert_element_type3A_1327 = arith.extui %lt3A_1326 : i1 to i32
      %cond3A_1328 = arith.constant 0 : i32
      %cond3A_1329 = arith.cmpi ne, %convert_element_type3A_1327, %cond3A_1328 : i32
      scf.if %cond3A_1329 {
        %add3A_1741 = arith.constant 16 : i32
        %add3A_1742 = arith.addi %add3A_1251, %add3A_1741 : i32
        %shift_right_arithmetic3A_1743 = arith.constant 4 : i32
        %shift_right_arithmetic3A_1744 = arith.shrsi %add3A_1742, %shift_right_arithmetic3A_1743 : i32
        %mul3A_1745 = arith.constant 16 : i32
        %mul3A_1746 = arith.muli %shift_right_arithmetic3A_1744, %mul3A_1745 : i32
        %multiple_of3A_1747 = tpu.assume_multiple %mul3A_1746, 16 : i32
        %get3A_1748 = arith.index_cast %multiple_of3A_1747 : i32 to index
        %get3A_1749 = tpu.vector_load %arg5[%get3A_1748] {strides = array<i32>} : memref<512xi32, #tpu.memory_space<vmem>>, vector<16xi32>,
        %and3A_1750 = arith.constant 15 : i32
        %and3A_1751 = arith.andi %add3A_1742, %and3A_1750 : i32
        %eq3A_1752 = vector.broadcast %and3A_1751 : i32 to vector<16xi32>
        %eq3A_1753 = arith.cmpi eq, %iota3A, %eq3A_1752 : vector<16xi32>
        %jit3A_1754 = arith.constant 0 : i32
        %broadcast_in_dim3A_1755 = vector.broadcast %jit3A_1754 : i32 to vector<16xi32>
        %select_n3A_1756 = arith.select %eq3A_1753, %get3A_1749, %broadcast_in_dim3A_1755 : vector<16xi1>, vector<16xi32>
        %reduce_max3A_1757 = arith.constant true
        %reduce_max3A_1758 = vector.broadcast %reduce_max3A_1757 : i1 to vector<16xi1>
        %reduce_max3A_1759 = arith.constant -2147483648 : i32
        %reduce_max3A_1760 = vector.broadcast %reduce_max3A_1759 : i32 to vector<16xi32>
        %reduce_max3A_1761 = arith.xori %select_n3A_1756, %reduce_max3A_1760 : vector<16xi32>
        %reduce_max3A_1762 = tpu.scan <max>, %reduce_max3A_1761 masked %reduce_max3A_1758 : vector<16xi32>, vector<16xi1> -> vector<16xi32>
        %reduce_max3A_1763 = arith.xori %reduce_max3A_1762, %reduce_max3A_1760 : vector<16xi32>
        %reduce_max3A_1764 = vector.extract %reduce_max3A_1763[15] : i32 from vector<16xi32>
        %shift_right_arithmetic3A_1765 = arith.constant 7 : i32
        %shift_right_arithmetic3A_1766 = arith.shrsi %reduce_max3A_1764, %shift_right_arithmetic3A_1765 : i32
        %mul3A_1767 = arith.constant 128 : i32
        %mul3A_1768 = arith.muli %shift_right_arithmetic3A_1766, %mul3A_1767 : i32
        %multiple_of3A_1769 = tpu.assume_multiple %mul3A_1768, 128 : i32
        %dma_start3A_1770 = arith.constant 0 : i32
        %dma_start3A_1771 = tpu.memref_slice %arg3[%dma_start3A_1770, %multiple_of3A_1769] : memref<32x1000000xf32, #tpu.memory_space<hbm>> -> memref<32x128xf32, #tpu.memory_space<hbm>>
        %dma_start3A_1772 = arith.constant 0 : i32
        %dma_start3A_1773 = tpu.memref_slice %arg3[%dma_start3A_1772, %multiple_of3A_1769] : memref<32x1000000xf32, #tpu.memory_space<hbm>> -> memref<32x128xf32, #tpu.memory_space<hbm>>
        tpu.enqueue_dma source(%dma_start3A_1773 : memref<32x128xf32, #tpu.memory_space<hbm>>) target(%arg16 : memref<32x128xf32, #tpu.memory_space<vmem>>) target_semaphore(%arg25 : memref<!tpu.dma_semaphore, #tpu.memory_space<semaphore_mem>>)
      } else {
      }
      %mul3A_1330 = arith.constant 16 : i32
      %mul3A_1331 = arith.muli %scan3A_432, %mul3A_1330 : i32
      %add3A_1332 = arith.constant 11 : i32
      %add3A_1333 = arith.addi %mul3A_1331, %add3A_1332 : i32
      %shift_right_arithmetic3A_1334 = arith.constant 4 : i32
      %shift_right_arithmetic3A_1335 = arith.shrsi %add3A_1333, %shift_right_arithmetic3A_1334 : i32
      %mul3A_1336 = arith.constant 16 : i32
      %mul3A_1337 = arith.muli %shift_right_arithmetic3A_1335, %mul3A_1336 : i32
      %multiple_of3A_1338 = tpu.assume_multiple %mul3A_1337, 16 : i32
      %get3A_1339 = arith.index_cast %multiple_of3A_1338 : i32 to index
      %get3A_1340 = tpu.vector_load %arg5[%get3A_1339] {strides = array<i32>} : memref<512xi32, #tpu.memory_space<vmem>>, vector<16xi32>,
      %and3A_1341 = arith.constant 15 : i32
      %and3A_1342 = arith.andi %add3A_1333, %and3A_1341 : i32
      %eq3A_1343 = vector.broadcast %and3A_1342 : i32 to vector<16xi32>
      %eq3A_1344 = arith.cmpi eq, %iota3A, %eq3A_1343 : vector<16xi32>
      %jit3A_1345 = arith.constant 0 : i32
      %broadcast_in_dim3A_1346 = vector.broadcast %jit3A_1345 : i32 to vector<16xi32>
      %select_n3A_1347 = arith.select %eq3A_1344, %get3A_1340, %broadcast_in_dim3A_1346 : vector<16xi1>, vector<16xi32>
      %reduce_max3A_1348 = arith.constant true
      %reduce_max3A_1349 = vector.broadcast %reduce_max3A_1348 : i1 to vector<16xi1>
      %reduce_max3A_1350 = arith.constant -2147483648 : i32
      %reduce_max3A_1351 = vector.broadcast %reduce_max3A_1350 : i32 to vector<16xi32>
      %reduce_max3A_1352 = arith.xori %select_n3A_1347, %reduce_max3A_1351 : vector<16xi32>
      %reduce_max3A_1353 = tpu.scan <max>, %reduce_max3A_1352 masked %reduce_max3A_1349 : vector<16xi32>, vector<16xi1> -> vector<16xi32>
      %reduce_max3A_1354 = arith.xori %reduce_max3A_1353, %reduce_max3A_1351 : vector<16xi32>
      %reduce_max3A_1355 = vector.extract %reduce_max3A_1354[15] : i32 from vector<16xi32>
      %shift_right_arithmetic3A_1356 = arith.constant 7 : i32
      %shift_right_arithmetic3A_1357 = arith.shrsi %reduce_max3A_1355, %shift_right_arithmetic3A_1356 : i32
      %mul3A_1358 = arith.constant 128 : i32
      %mul3A_1359 = arith.muli %shift_right_arithmetic3A_1357, %mul3A_1358 : i32
      %multiple_of3A_1360 = tpu.assume_multiple %mul3A_1359, 128 : i32
      %dma_wait3A_1361 = arith.constant 0 : i32
      %dma_wait3A_1362 = tpu.memref_slice %arg3[%dma_wait3A_1361, %multiple_of3A_1360] : memref<32x1000000xf32, #tpu.memory_space<hbm>> -> memref<32x128xf32, #tpu.memory_space<hbm>>
      %dma_wait3A_1363 = arith.constant 0 : i32
      %dma_wait3A_1364 = tpu.memref_slice %arg3[%dma_wait3A_1363, %multiple_of3A_1360] : memref<32x1000000xf32, #tpu.memory_space<hbm>> -> memref<32x128xf32, #tpu.memory_space<hbm>>
      tpu.wait_dma2 semaphore(%arg26 : memref<!tpu.dma_semaphore, #tpu.memory_space<semaphore_mem>>) src(%dma_wait3A_1364 : memref<32x128xf32, #tpu.memory_space<hbm>>) dst(%arg17 : memref<32x128xf32, #tpu.memory_space<vmem>>)
      %shift_right_arithmetic3A_1365 = arith.constant 4 : i32
      %shift_right_arithmetic3A_1366 = arith.shrsi %add3A_1333, %shift_right_arithmetic3A_1365 : i32
      %mul3A_1367 = arith.constant 16 : i32
      %mul3A_1368 = arith.muli %shift_right_arithmetic3A_1366, %mul3A_1367 : i32
      %multiple_of3A_1369 = tpu.assume_multiple %mul3A_1368, 16 : i32
      %get3A_1370 = arith.index_cast %multiple_of3A_1369 : i32 to index
      %get3A_1371 = tpu.vector_load %arg5[%get3A_1370] {strides = array<i32>} : memref<512xi32, #tpu.memory_space<vmem>>, vector<16xi32>,
      %and3A_1372 = arith.constant 15 : i32
      %and3A_1373 = arith.andi %add3A_1333, %and3A_1372 : i32
      %eq3A_1374 = vector.broadcast %and3A_1373 : i32 to vector<16xi32>
      %eq3A_1375 = arith.cmpi eq, %iota3A, %eq3A_1374 : vector<16xi32>
      %jit3A_1376 = arith.constant 0 : i32
      %broadcast_in_dim3A_1377 = vector.broadcast %jit3A_1376 : i32 to vector<16xi32>
      %select_n3A_1378 = arith.select %eq3A_1375, %get3A_1371, %broadcast_in_dim3A_1377 : vector<16xi1>, vector<16xi32>
      %reduce_max3A_1379 = arith.constant true
      %reduce_max3A_1380 = vector.broadcast %reduce_max3A_1379 : i1 to vector<16xi1>
      %reduce_max3A_1381 = arith.constant -2147483648 : i32
      %reduce_max3A_1382 = vector.broadcast %reduce_max3A_1381 : i32 to vector<16xi32>
      %reduce_max3A_1383 = arith.xori %select_n3A_1378, %reduce_max3A_1382 : vector<16xi32>
      %reduce_max3A_1384 = tpu.scan <max>, %reduce_max3A_1383 masked %reduce_max3A_1380 : vector<16xi32>, vector<16xi1> -> vector<16xi32>
      %reduce_max3A_1385 = arith.xori %reduce_max3A_1384, %reduce_max3A_1382 : vector<16xi32>
      %reduce_max3A_1386 = vector.extract %reduce_max3A_1385[15] : i32 from vector<16xi32>
      %and3A_1387 = arith.constant 127 : i32
      %and3A_1388 = arith.andi %reduce_max3A_1386, %and3A_1387 : i32
      %broadcast_in_dim3A_1389 = vector.broadcast %and3A_1388 : i32 to vector<16xi32>
      %broadcast_in_dim3A_1390 = vector.broadcast %add3A_1333 : i32 to vector<16xi32>
      %add3A_1391 = arith.constant 0 : i32
      %add3A_1392 = vector.broadcast %add3A_1391 : i32 to vector<16xi32>
      %add3A_1393 = arith.addi %add3A_1392, %iota3A : vector<16xi32>
      %gather3A_1394 = tpu.vector_load_idx %arg17[%add3A_1393, %broadcast_in_dim3A_1389] : memref<32x128xf32, #tpu.memory_space<vmem>>[vector<16xi32>, vector<16xi32>], vector<16xf32>,
      %add3A_1395 = arith.constant 0 : i32
      %add3A_1396 = vector.broadcast %add3A_1395 : i32 to vector<16xi32>
      %add3A_1397 = arith.addi %add3A_1396, %iota3A : vector<16xi32>
      tpu.vector_store_idx %arg22[%add3A_1397, %broadcast_in_dim3A_1390], %gather3A_1394 : memref<32x512xf32, #tpu.memory_space<vmem>>[vector<16xi32>, vector<16xi32>], vector<16xf32>,
      %add3A_1398 = arith.constant 16 : i32
      %add3A_1399 = vector.broadcast %add3A_1398 : i32 to vector<16xi32>
      %add3A_1400 = arith.addi %add3A_1399, %iota3A : vector<16xi32>
      %gather3A_1401 = tpu.vector_load_idx %arg17[%add3A_1400, %broadcast_in_dim3A_1389] : memref<32x128xf32, #tpu.memory_space<vmem>>[vector<16xi32>, vector<16xi32>], vector<16xf32>,
      %add3A_1402 = arith.constant 16 : i32
      %add3A_1403 = vector.broadcast %add3A_1402 : i32 to vector<16xi32>
      %add3A_1404 = arith.addi %add3A_1403, %iota3A : vector<16xi32>
      tpu.vector_store_idx %arg22[%add3A_1404, %broadcast_in_dim3A_1390], %gather3A_1401 : memref<32x512xf32, #tpu.memory_space<vmem>>[vector<16xi32>, vector<16xi32>], vector<16xf32>,
      %add3A_1405 = arith.constant 16 : i32
      %add3A_1406 = arith.addi %add3A_1333, %add3A_1405 : i32
      %lt3A_1407 = arith.constant 512 : i32
      %lt3A_1408 = arith.cmpi slt, %add3A_1406, %lt3A_1407 : i32
      %convert_element_type3A_1409 = arith.extui %lt3A_1408 : i1 to i32
      %cond3A_1410 = arith.constant 0 : i32
      %cond3A_1411 = arith.cmpi ne, %convert_element_type3A_1409, %cond3A_1410 : i32
      scf.if %cond3A_1411 {
        %add3A_1741 = arith.constant 16 : i32
        %add3A_1742 = arith.addi %add3A_1333, %add3A_1741 : i32
        %shift_right_arithmetic3A_1743 = arith.constant 4 : i32
        %shift_right_arithmetic3A_1744 = arith.shrsi %add3A_1742, %shift_right_arithmetic3A_1743 : i32
        %mul3A_1745 = arith.constant 16 : i32
        %mul3A_1746 = arith.muli %shift_right_arithmetic3A_1744, %mul3A_1745 : i32
        %multiple_of3A_1747 = tpu.assume_multiple %mul3A_1746, 16 : i32
        %get3A_1748 = arith.index_cast %multiple_of3A_1747 : i32 to index
        %get3A_1749 = tpu.vector_load %arg5[%get3A_1748] {strides = array<i32>} : memref<512xi32, #tpu.memory_space<vmem>>, vector<16xi32>,
        %and3A_1750 = arith.constant 15 : i32
        %and3A_1751 = arith.andi %add3A_1742, %and3A_1750 : i32
        %eq3A_1752 = vector.broadcast %and3A_1751 : i32 to vector<16xi32>
        %eq3A_1753 = arith.cmpi eq, %iota3A, %eq3A_1752 : vector<16xi32>
        %jit3A_1754 = arith.constant 0 : i32
        %broadcast_in_dim3A_1755 = vector.broadcast %jit3A_1754 : i32 to vector<16xi32>
        %select_n3A_1756 = arith.select %eq3A_1753, %get3A_1749, %broadcast_in_dim3A_1755 : vector<16xi1>, vector<16xi32>
        %reduce_max3A_1757 = arith.constant true
        %reduce_max3A_1758 = vector.broadcast %reduce_max3A_1757 : i1 to vector<16xi1>
        %reduce_max3A_1759 = arith.constant -2147483648 : i32
        %reduce_max3A_1760 = vector.broadcast %reduce_max3A_1759 : i32 to vector<16xi32>
        %reduce_max3A_1761 = arith.xori %select_n3A_1756, %reduce_max3A_1760 : vector<16xi32>
        %reduce_max3A_1762 = tpu.scan <max>, %reduce_max3A_1761 masked %reduce_max3A_1758 : vector<16xi32>, vector<16xi1> -> vector<16xi32>
        %reduce_max3A_1763 = arith.xori %reduce_max3A_1762, %reduce_max3A_1760 : vector<16xi32>
        %reduce_max3A_1764 = vector.extract %reduce_max3A_1763[15] : i32 from vector<16xi32>
        %shift_right_arithmetic3A_1765 = arith.constant 7 : i32
        %shift_right_arithmetic3A_1766 = arith.shrsi %reduce_max3A_1764, %shift_right_arithmetic3A_1765 : i32
        %mul3A_1767 = arith.constant 128 : i32
        %mul3A_1768 = arith.muli %shift_right_arithmetic3A_1766, %mul3A_1767 : i32
        %multiple_of3A_1769 = tpu.assume_multiple %mul3A_1768, 128 : i32
        %dma_start3A_1770 = arith.constant 0 : i32
        %dma_start3A_1771 = tpu.memref_slice %arg3[%dma_start3A_1770, %multiple_of3A_1769] : memref<32x1000000xf32, #tpu.memory_space<hbm>> -> memref<32x128xf32, #tpu.memory_space<hbm>>
        %dma_start3A_1772 = arith.constant 0 : i32
        %dma_start3A_1773 = tpu.memref_slice %arg3[%dma_start3A_1772, %multiple_of3A_1769] : memref<32x1000000xf32, #tpu.memory_space<hbm>> -> memref<32x128xf32, #tpu.memory_space<hbm>>
        tpu.enqueue_dma source(%dma_start3A_1773 : memref<32x128xf32, #tpu.memory_space<hbm>>) target(%arg17 : memref<32x128xf32, #tpu.memory_space<vmem>>) target_semaphore(%arg26 : memref<!tpu.dma_semaphore, #tpu.memory_space<semaphore_mem>>)
      } else {
      }
      %mul3A_1412 = arith.constant 16 : i32
      %mul3A_1413 = arith.muli %scan3A_432, %mul3A_1412 : i32
      %add3A_1414 = arith.constant 12 : i32
      %add3A_1415 = arith.addi %mul3A_1413, %add3A_1414 : i32
      %shift_right_arithmetic3A_1416 = arith.constant 4 : i32
      %shift_right_arithmetic3A_1417 = arith.shrsi %add3A_1415, %shift_right_arithmetic3A_1416 : i32
      %mul3A_1418 = arith.constant 16 : i32
      %mul3A_1419 = arith.muli %shift_right_arithmetic3A_1417, %mul3A_1418 : i32
      %multiple_of3A_1420 = tpu.assume_multiple %mul3A_1419, 16 : i32
      %get3A_1421 = arith.index_cast %multiple_of3A_1420 : i32 to index
      %get3A_1422 = tpu.vector_load %arg5[%get3A_1421] {strides = array<i32>} : memref<512xi32, #tpu.memory_space<vmem>>, vector<16xi32>,
      %and3A_1423 = arith.constant 15 : i32
      %and3A_1424 = arith.andi %add3A_1415, %and3A_1423 : i32
      %eq3A_1425 = vector.broadcast %and3A_1424 : i32 to vector<16xi32>
      %eq3A_1426 = arith.cmpi eq, %iota3A, %eq3A_1425 : vector<16xi32>
      %jit3A_1427 = arith.constant 0 : i32
      %broadcast_in_dim3A_1428 = vector.broadcast %jit3A_1427 : i32 to vector<16xi32>
      %select_n3A_1429 = arith.select %eq3A_1426, %get3A_1422, %broadcast_in_dim3A_1428 : vector<16xi1>, vector<16xi32>
      %reduce_max3A_1430 = arith.constant true
      %reduce_max3A_1431 = vector.broadcast %reduce_max3A_1430 : i1 to vector<16xi1>
      %reduce_max3A_1432 = arith.constant -2147483648 : i32
      %reduce_max3A_1433 = vector.broadcast %reduce_max3A_1432 : i32 to vector<16xi32>
      %reduce_max3A_1434 = arith.xori %select_n3A_1429, %reduce_max3A_1433 : vector<16xi32>
      %reduce_max3A_1435 = tpu.scan <max>, %reduce_max3A_1434 masked %reduce_max3A_1431 : vector<16xi32>, vector<16xi1> -> vector<16xi32>
      %reduce_max3A_1436 = arith.xori %reduce_max3A_1435, %reduce_max3A_1433 : vector<16xi32>
      %reduce_max3A_1437 = vector.extract %reduce_max3A_1436[15] : i32 from vector<16xi32>
      %shift_right_arithmetic3A_1438 = arith.constant 7 : i32
      %shift_right_arithmetic3A_1439 = arith.shrsi %reduce_max3A_1437, %shift_right_arithmetic3A_1438 : i32
      %mul3A_1440 = arith.constant 128 : i32
      %mul3A_1441 = arith.muli %shift_right_arithmetic3A_1439, %mul3A_1440 : i32
      %multiple_of3A_1442 = tpu.assume_multiple %mul3A_1441, 128 : i32
      %dma_wait3A_1443 = arith.constant 0 : i32
      %dma_wait3A_1444 = tpu.memref_slice %arg3[%dma_wait3A_1443, %multiple_of3A_1442] : memref<32x1000000xf32, #tpu.memory_space<hbm>> -> memref<32x128xf32, #tpu.memory_space<hbm>>
      %dma_wait3A_1445 = arith.constant 0 : i32
      %dma_wait3A_1446 = tpu.memref_slice %arg3[%dma_wait3A_1445, %multiple_of3A_1442] : memref<32x1000000xf32, #tpu.memory_space<hbm>> -> memref<32x128xf32, #tpu.memory_space<hbm>>
      tpu.wait_dma2 semaphore(%arg23 : memref<!tpu.dma_semaphore, #tpu.memory_space<semaphore_mem>>) src(%dma_wait3A_1446 : memref<32x128xf32, #tpu.memory_space<hbm>>) dst(%arg18 : memref<32x128xf32, #tpu.memory_space<vmem>>)
      %shift_right_arithmetic3A_1447 = arith.constant 4 : i32
      %shift_right_arithmetic3A_1448 = arith.shrsi %add3A_1415, %shift_right_arithmetic3A_1447 : i32
      %mul3A_1449 = arith.constant 16 : i32
      %mul3A_1450 = arith.muli %shift_right_arithmetic3A_1448, %mul3A_1449 : i32
      %multiple_of3A_1451 = tpu.assume_multiple %mul3A_1450, 16 : i32
      %get3A_1452 = arith.index_cast %multiple_of3A_1451 : i32 to index
      %get3A_1453 = tpu.vector_load %arg5[%get3A_1452] {strides = array<i32>} : memref<512xi32, #tpu.memory_space<vmem>>, vector<16xi32>,
      %and3A_1454 = arith.constant 15 : i32
      %and3A_1455 = arith.andi %add3A_1415, %and3A_1454 : i32
      %eq3A_1456 = vector.broadcast %and3A_1455 : i32 to vector<16xi32>
      %eq3A_1457 = arith.cmpi eq, %iota3A, %eq3A_1456 : vector<16xi32>
      %jit3A_1458 = arith.constant 0 : i32
      %broadcast_in_dim3A_1459 = vector.broadcast %jit3A_1458 : i32 to vector<16xi32>
      %select_n3A_1460 = arith.select %eq3A_1457, %get3A_1453, %broadcast_in_dim3A_1459 : vector<16xi1>, vector<16xi32>
      %reduce_max3A_1461 = arith.constant true
      %reduce_max3A_1462 = vector.broadcast %reduce_max3A_1461 : i1 to vector<16xi1>
      %reduce_max3A_1463 = arith.constant -2147483648 : i32
      %reduce_max3A_1464 = vector.broadcast %reduce_max3A_1463 : i32 to vector<16xi32>
      %reduce_max3A_1465 = arith.xori %select_n3A_1460, %reduce_max3A_1464 : vector<16xi32>
      %reduce_max3A_1466 = tpu.scan <max>, %reduce_max3A_1465 masked %reduce_max3A_1462 : vector<16xi32>, vector<16xi1> -> vector<16xi32>
      %reduce_max3A_1467 = arith.xori %reduce_max3A_1466, %reduce_max3A_1464 : vector<16xi32>
      %reduce_max3A_1468 = vector.extract %reduce_max3A_1467[15] : i32 from vector<16xi32>
      %and3A_1469 = arith.constant 127 : i32
      %and3A_1470 = arith.andi %reduce_max3A_1468, %and3A_1469 : i32
      %broadcast_in_dim3A_1471 = vector.broadcast %and3A_1470 : i32 to vector<16xi32>
      %broadcast_in_dim3A_1472 = vector.broadcast %add3A_1415 : i32 to vector<16xi32>
      %add3A_1473 = arith.constant 0 : i32
      %add3A_1474 = vector.broadcast %add3A_1473 : i32 to vector<16xi32>
      %add3A_1475 = arith.addi %add3A_1474, %iota3A : vector<16xi32>
      %gather3A_1476 = tpu.vector_load_idx %arg18[%add3A_1475, %broadcast_in_dim3A_1471] : memref<32x128xf32, #tpu.memory_space<vmem>>[vector<16xi32>, vector<16xi32>], vector<16xf32>,
      %add3A_1477 = arith.constant 0 : i32
      %add3A_1478 = vector.broadcast %add3A_1477 : i32 to vector<16xi32>
      %add3A_1479 = arith.addi %add3A_1478, %iota3A : vector<16xi32>
      tpu.vector_store_idx %arg22[%add3A_1479, %broadcast_in_dim3A_1472], %gather3A_1476 : memref<32x512xf32, #tpu.memory_space<vmem>>[vector<16xi32>, vector<16xi32>], vector<16xf32>,
      %add3A_1480 = arith.constant 16 : i32
      %add3A_1481 = vector.broadcast %add3A_1480 : i32 to vector<16xi32>
      %add3A_1482 = arith.addi %add3A_1481, %iota3A : vector<16xi32>
      %gather3A_1483 = tpu.vector_load_idx %arg18[%add3A_1482, %broadcast_in_dim3A_1471] : memref<32x128xf32, #tpu.memory_space<vmem>>[vector<16xi32>, vector<16xi32>], vector<16xf32>,
      %add3A_1484 = arith.constant 16 : i32
      %add3A_1485 = vector.broadcast %add3A_1484 : i32 to vector<16xi32>
      %add3A_1486 = arith.addi %add3A_1485, %iota3A : vector<16xi32>
      tpu.vector_store_idx %arg22[%add3A_1486, %broadcast_in_dim3A_1472], %gather3A_1483 : memref<32x512xf32, #tpu.memory_space<vmem>>[vector<16xi32>, vector<16xi32>], vector<16xf32>,
      %add3A_1487 = arith.constant 16 : i32
      %add3A_1488 = arith.addi %add3A_1415, %add3A_1487 : i32
      %lt3A_1489 = arith.constant 512 : i32
      %lt3A_1490 = arith.cmpi slt, %add3A_1488, %lt3A_1489 : i32
      %convert_element_type3A_1491 = arith.extui %lt3A_1490 : i1 to i32
      %cond3A_1492 = arith.constant 0 : i32
      %cond3A_1493 = arith.cmpi ne, %convert_element_type3A_1491, %cond3A_1492 : i32
      scf.if %cond3A_1493 {
        %add3A_1741 = arith.constant 16 : i32
        %add3A_1742 = arith.addi %add3A_1415, %add3A_1741 : i32
        %shift_right_arithmetic3A_1743 = arith.constant 4 : i32
        %shift_right_arithmetic3A_1744 = arith.shrsi %add3A_1742, %shift_right_arithmetic3A_1743 : i32
        %mul3A_1745 = arith.constant 16 : i32
        %mul3A_1746 = arith.muli %shift_right_arithmetic3A_1744, %mul3A_1745 : i32
        %multiple_of3A_1747 = tpu.assume_multiple %mul3A_1746, 16 : i32
        %get3A_1748 = arith.index_cast %multiple_of3A_1747 : i32 to index
        %get3A_1749 = tpu.vector_load %arg5[%get3A_1748] {strides = array<i32>} : memref<512xi32, #tpu.memory_space<vmem>>, vector<16xi32>,
        %and3A_1750 = arith.constant 15 : i32
        %and3A_1751 = arith.andi %add3A_1742, %and3A_1750 : i32
        %eq3A_1752 = vector.broadcast %and3A_1751 : i32 to vector<16xi32>
        %eq3A_1753 = arith.cmpi eq, %iota3A, %eq3A_1752 : vector<16xi32>
        %jit3A_1754 = arith.constant 0 : i32
        %broadcast_in_dim3A_1755 = vector.broadcast %jit3A_1754 : i32 to vector<16xi32>
        %select_n3A_1756 = arith.select %eq3A_1753, %get3A_1749, %broadcast_in_dim3A_1755 : vector<16xi1>, vector<16xi32>
        %reduce_max3A_1757 = arith.constant true
        %reduce_max3A_1758 = vector.broadcast %reduce_max3A_1757 : i1 to vector<16xi1>
        %reduce_max3A_1759 = arith.constant -2147483648 : i32
        %reduce_max3A_1760 = vector.broadcast %reduce_max3A_1759 : i32 to vector<16xi32>
        %reduce_max3A_1761 = arith.xori %select_n3A_1756, %reduce_max3A_1760 : vector<16xi32>
        %reduce_max3A_1762 = tpu.scan <max>, %reduce_max3A_1761 masked %reduce_max3A_1758 : vector<16xi32>, vector<16xi1> -> vector<16xi32>
        %reduce_max3A_1763 = arith.xori %reduce_max3A_1762, %reduce_max3A_1760 : vector<16xi32>
        %reduce_max3A_1764 = vector.extract %reduce_max3A_1763[15] : i32 from vector<16xi32>
        %shift_right_arithmetic3A_1765 = arith.constant 7 : i32
        %shift_right_arithmetic3A_1766 = arith.shrsi %reduce_max3A_1764, %shift_right_arithmetic3A_1765 : i32
        %mul3A_1767 = arith.constant 128 : i32
        %mul3A_1768 = arith.muli %shift_right_arithmetic3A_1766, %mul3A_1767 : i32
        %multiple_of3A_1769 = tpu.assume_multiple %mul3A_1768, 128 : i32
        %dma_start3A_1770 = arith.constant 0 : i32
        %dma_start3A_1771 = tpu.memref_slice %arg3[%dma_start3A_1770, %multiple_of3A_1769] : memref<32x1000000xf32, #tpu.memory_space<hbm>> -> memref<32x128xf32, #tpu.memory_space<hbm>>
        %dma_start3A_1772 = arith.constant 0 : i32
        %dma_start3A_1773 = tpu.memref_slice %arg3[%dma_start3A_1772, %multiple_of3A_1769] : memref<32x1000000xf32, #tpu.memory_space<hbm>> -> memref<32x128xf32, #tpu.memory_space<hbm>>
        tpu.enqueue_dma source(%dma_start3A_1773 : memref<32x128xf32, #tpu.memory_space<hbm>>) target(%arg18 : memref<32x128xf32, #tpu.memory_space<vmem>>) target_semaphore(%arg23 : memref<!tpu.dma_semaphore, #tpu.memory_space<semaphore_mem>>)
      } else {
      }
      %mul3A_1494 = arith.constant 16 : i32
      %mul3A_1495 = arith.muli %scan3A_432, %mul3A_1494 : i32
      %add3A_1496 = arith.constant 13 : i32
      %add3A_1497 = arith.addi %mul3A_1495, %add3A_1496 : i32
      %shift_right_arithmetic3A_1498 = arith.constant 4 : i32
      %shift_right_arithmetic3A_1499 = arith.shrsi %add3A_1497, %shift_right_arithmetic3A_1498 : i32
      %mul3A_1500 = arith.constant 16 : i32
      %mul3A_1501 = arith.muli %shift_right_arithmetic3A_1499, %mul3A_1500 : i32
      %multiple_of3A_1502 = tpu.assume_multiple %mul3A_1501, 16 : i32
      %get3A_1503 = arith.index_cast %multiple_of3A_1502 : i32 to index
      %get3A_1504 = tpu.vector_load %arg5[%get3A_1503] {strides = array<i32>} : memref<512xi32, #tpu.memory_space<vmem>>, vector<16xi32>,
      %and3A_1505 = arith.constant 15 : i32
      %and3A_1506 = arith.andi %add3A_1497, %and3A_1505 : i32
      %eq3A_1507 = vector.broadcast %and3A_1506 : i32 to vector<16xi32>
      %eq3A_1508 = arith.cmpi eq, %iota3A, %eq3A_1507 : vector<16xi32>
      %jit3A_1509 = arith.constant 0 : i32
      %broadcast_in_dim3A_1510 = vector.broadcast %jit3A_1509 : i32 to vector<16xi32>
      %select_n3A_1511 = arith.select %eq3A_1508, %get3A_1504, %broadcast_in_dim3A_1510 : vector<16xi1>, vector<16xi32>
      %reduce_max3A_1512 = arith.constant true
      %reduce_max3A_1513 = vector.broadcast %reduce_max3A_1512 : i1 to vector<16xi1>
      %reduce_max3A_1514 = arith.constant -2147483648 : i32
      %reduce_max3A_1515 = vector.broadcast %reduce_max3A_1514 : i32 to vector<16xi32>
      %reduce_max3A_1516 = arith.xori %select_n3A_1511, %reduce_max3A_1515 : vector<16xi32>
      %reduce_max3A_1517 = tpu.scan <max>, %reduce_max3A_1516 masked %reduce_max3A_1513 : vector<16xi32>, vector<16xi1> -> vector<16xi32>
      %reduce_max3A_1518 = arith.xori %reduce_max3A_1517, %reduce_max3A_1515 : vector<16xi32>
      %reduce_max3A_1519 = vector.extract %reduce_max3A_1518[15] : i32 from vector<16xi32>
      %shift_right_arithmetic3A_1520 = arith.constant 7 : i32
      %shift_right_arithmetic3A_1521 = arith.shrsi %reduce_max3A_1519, %shift_right_arithmetic3A_1520 : i32
      %mul3A_1522 = arith.constant 128 : i32
      %mul3A_1523 = arith.muli %shift_right_arithmetic3A_1521, %mul3A_1522 : i32
      %multiple_of3A_1524 = tpu.assume_multiple %mul3A_1523, 128 : i32
      %dma_wait3A_1525 = arith.constant 0 : i32
      %dma_wait3A_1526 = tpu.memref_slice %arg3[%dma_wait3A_1525, %multiple_of3A_1524] : memref<32x1000000xf32, #tpu.memory_space<hbm>> -> memref<32x128xf32, #tpu.memory_space<hbm>>
      %dma_wait3A_1527 = arith.constant 0 : i32
      %dma_wait3A_1528 = tpu.memref_slice %arg3[%dma_wait3A_1527, %multiple_of3A_1524] : memref<32x1000000xf32, #tpu.memory_space<hbm>> -> memref<32x128xf32, #tpu.memory_space<hbm>>
      tpu.wait_dma2 semaphore(%arg24 : memref<!tpu.dma_semaphore, #tpu.memory_space<semaphore_mem>>) src(%dma_wait3A_1528 : memref<32x128xf32, #tpu.memory_space<hbm>>) dst(%arg19 : memref<32x128xf32, #tpu.memory_space<vmem>>)
      %shift_right_arithmetic3A_1529 = arith.constant 4 : i32
      %shift_right_arithmetic3A_1530 = arith.shrsi %add3A_1497, %shift_right_arithmetic3A_1529 : i32
      %mul3A_1531 = arith.constant 16 : i32
      %mul3A_1532 = arith.muli %shift_right_arithmetic3A_1530, %mul3A_1531 : i32
      %multiple_of3A_1533 = tpu.assume_multiple %mul3A_1532, 16 : i32
      %get3A_1534 = arith.index_cast %multiple_of3A_1533 : i32 to index
      %get3A_1535 = tpu.vector_load %arg5[%get3A_1534] {strides = array<i32>} : memref<512xi32, #tpu.memory_space<vmem>>, vector<16xi32>,
      %and3A_1536 = arith.constant 15 : i32
      %and3A_1537 = arith.andi %add3A_1497, %and3A_1536 : i32
      %eq3A_1538 = vector.broadcast %and3A_1537 : i32 to vector<16xi32>
      %eq3A_1539 = arith.cmpi eq, %iota3A, %eq3A_1538 : vector<16xi32>
      %jit3A_1540 = arith.constant 0 : i32
      %broadcast_in_dim3A_1541 = vector.broadcast %jit3A_1540 : i32 to vector<16xi32>
      %select_n3A_1542 = arith.select %eq3A_1539, %get3A_1535, %broadcast_in_dim3A_1541 : vector<16xi1>, vector<16xi32>
      %reduce_max3A_1543 = arith.constant true
      %reduce_max3A_1544 = vector.broadcast %reduce_max3A_1543 : i1 to vector<16xi1>
      %reduce_max3A_1545 = arith.constant -2147483648 : i32
      %reduce_max3A_1546 = vector.broadcast %reduce_max3A_1545 : i32 to vector<16xi32>
      %reduce_max3A_1547 = arith.xori %select_n3A_1542, %reduce_max3A_1546 : vector<16xi32>
      %reduce_max3A_1548 = tpu.scan <max>, %reduce_max3A_1547 masked %reduce_max3A_1544 : vector<16xi32>, vector<16xi1> -> vector<16xi32>
      %reduce_max3A_1549 = arith.xori %reduce_max3A_1548, %reduce_max3A_1546 : vector<16xi32>
      %reduce_max3A_1550 = vector.extract %reduce_max3A_1549[15] : i32 from vector<16xi32>
      %and3A_1551 = arith.constant 127 : i32
      %and3A_1552 = arith.andi %reduce_max3A_1550, %and3A_1551 : i32
      %broadcast_in_dim3A_1553 = vector.broadcast %and3A_1552 : i32 to vector<16xi32>
      %broadcast_in_dim3A_1554 = vector.broadcast %add3A_1497 : i32 to vector<16xi32>
      %add3A_1555 = arith.constant 0 : i32
      %add3A_1556 = vector.broadcast %add3A_1555 : i32 to vector<16xi32>
      %add3A_1557 = arith.addi %add3A_1556, %iota3A : vector<16xi32>
      %gather3A_1558 = tpu.vector_load_idx %arg19[%add3A_1557, %broadcast_in_dim3A_1553] : memref<32x128xf32, #tpu.memory_space<vmem>>[vector<16xi32>, vector<16xi32>], vector<16xf32>,
      %add3A_1559 = arith.constant 0 : i32
      %add3A_1560 = vector.broadcast %add3A_1559 : i32 to vector<16xi32>
      %add3A_1561 = arith.addi %add3A_1560, %iota3A : vector<16xi32>
      tpu.vector_store_idx %arg22[%add3A_1561, %broadcast_in_dim3A_1554], %gather3A_1558 : memref<32x512xf32, #tpu.memory_space<vmem>>[vector<16xi32>, vector<16xi32>], vector<16xf32>,
      %add3A_1562 = arith.constant 16 : i32
      %add3A_1563 = vector.broadcast %add3A_1562 : i32 to vector<16xi32>
      %add3A_1564 = arith.addi %add3A_1563, %iota3A : vector<16xi32>
      %gather3A_1565 = tpu.vector_load_idx %arg19[%add3A_1564, %broadcast_in_dim3A_1553] : memref<32x128xf32, #tpu.memory_space<vmem>>[vector<16xi32>, vector<16xi32>], vector<16xf32>,
      %add3A_1566 = arith.constant 16 : i32
      %add3A_1567 = vector.broadcast %add3A_1566 : i32 to vector<16xi32>
      %add3A_1568 = arith.addi %add3A_1567, %iota3A : vector<16xi32>
      tpu.vector_store_idx %arg22[%add3A_1568, %broadcast_in_dim3A_1554], %gather3A_1565 : memref<32x512xf32, #tpu.memory_space<vmem>>[vector<16xi32>, vector<16xi32>], vector<16xf32>,
      %add3A_1569 = arith.constant 16 : i32
      %add3A_1570 = arith.addi %add3A_1497, %add3A_1569 : i32
      %lt3A_1571 = arith.constant 512 : i32
      %lt3A_1572 = arith.cmpi slt, %add3A_1570, %lt3A_1571 : i32
      %convert_element_type3A_1573 = arith.extui %lt3A_1572 : i1 to i32
      %cond3A_1574 = arith.constant 0 : i32
      %cond3A_1575 = arith.cmpi ne, %convert_element_type3A_1573, %cond3A_1574 : i32
      scf.if %cond3A_1575 {
        %add3A_1741 = arith.constant 16 : i32
        %add3A_1742 = arith.addi %add3A_1497, %add3A_1741 : i32
        %shift_right_arithmetic3A_1743 = arith.constant 4 : i32
        %shift_right_arithmetic3A_1744 = arith.shrsi %add3A_1742, %shift_right_arithmetic3A_1743 : i32
        %mul3A_1745 = arith.constant 16 : i32
        %mul3A_1746 = arith.muli %shift_right_arithmetic3A_1744, %mul3A_1745 : i32
        %multiple_of3A_1747 = tpu.assume_multiple %mul3A_1746, 16 : i32
        %get3A_1748 = arith.index_cast %multiple_of3A_1747 : i32 to index
        %get3A_1749 = tpu.vector_load %arg5[%get3A_1748] {strides = array<i32>} : memref<512xi32, #tpu.memory_space<vmem>>, vector<16xi32>,
        %and3A_1750 = arith.constant 15 : i32
        %and3A_1751 = arith.andi %add3A_1742, %and3A_1750 : i32
        %eq3A_1752 = vector.broadcast %and3A_1751 : i32 to vector<16xi32>
        %eq3A_1753 = arith.cmpi eq, %iota3A, %eq3A_1752 : vector<16xi32>
        %jit3A_1754 = arith.constant 0 : i32
        %broadcast_in_dim3A_1755 = vector.broadcast %jit3A_1754 : i32 to vector<16xi32>
        %select_n3A_1756 = arith.select %eq3A_1753, %get3A_1749, %broadcast_in_dim3A_1755 : vector<16xi1>, vector<16xi32>
        %reduce_max3A_1757 = arith.constant true
        %reduce_max3A_1758 = vector.broadcast %reduce_max3A_1757 : i1 to vector<16xi1>
        %reduce_max3A_1759 = arith.constant -2147483648 : i32
        %reduce_max3A_1760 = vector.broadcast %reduce_max3A_1759 : i32 to vector<16xi32>
        %reduce_max3A_1761 = arith.xori %select_n3A_1756, %reduce_max3A_1760 : vector<16xi32>
        %reduce_max3A_1762 = tpu.scan <max>, %reduce_max3A_1761 masked %reduce_max3A_1758 : vector<16xi32>, vector<16xi1> -> vector<16xi32>
        %reduce_max3A_1763 = arith.xori %reduce_max3A_1762, %reduce_max3A_1760 : vector<16xi32>
        %reduce_max3A_1764 = vector.extract %reduce_max3A_1763[15] : i32 from vector<16xi32>
        %shift_right_arithmetic3A_1765 = arith.constant 7 : i32
        %shift_right_arithmetic3A_1766 = arith.shrsi %reduce_max3A_1764, %shift_right_arithmetic3A_1765 : i32
        %mul3A_1767 = arith.constant 128 : i32
        %mul3A_1768 = arith.muli %shift_right_arithmetic3A_1766, %mul3A_1767 : i32
        %multiple_of3A_1769 = tpu.assume_multiple %mul3A_1768, 128 : i32
        %dma_start3A_1770 = arith.constant 0 : i32
        %dma_start3A_1771 = tpu.memref_slice %arg3[%dma_start3A_1770, %multiple_of3A_1769] : memref<32x1000000xf32, #tpu.memory_space<hbm>> -> memref<32x128xf32, #tpu.memory_space<hbm>>
        %dma_start3A_1772 = arith.constant 0 : i32
        %dma_start3A_1773 = tpu.memref_slice %arg3[%dma_start3A_1772, %multiple_of3A_1769] : memref<32x1000000xf32, #tpu.memory_space<hbm>> -> memref<32x128xf32, #tpu.memory_space<hbm>>
        tpu.enqueue_dma source(%dma_start3A_1773 : memref<32x128xf32, #tpu.memory_space<hbm>>) target(%arg19 : memref<32x128xf32, #tpu.memory_space<vmem>>) target_semaphore(%arg24 : memref<!tpu.dma_semaphore, #tpu.memory_space<semaphore_mem>>)
      } else {
      }
      %mul3A_1576 = arith.constant 16 : i32
      %mul3A_1577 = arith.muli %scan3A_432, %mul3A_1576 : i32
      %add3A_1578 = arith.constant 14 : i32
      %add3A_1579 = arith.addi %mul3A_1577, %add3A_1578 : i32
      %shift_right_arithmetic3A_1580 = arith.constant 4 : i32
      %shift_right_arithmetic3A_1581 = arith.shrsi %add3A_1579, %shift_right_arithmetic3A_1580 : i32
      %mul3A_1582 = arith.constant 16 : i32
      %mul3A_1583 = arith.muli %shift_right_arithmetic3A_1581, %mul3A_1582 : i32
      %multiple_of3A_1584 = tpu.assume_multiple %mul3A_1583, 16 : i32
      %get3A_1585 = arith.index_cast %multiple_of3A_1584 : i32 to index
      %get3A_1586 = tpu.vector_load %arg5[%get3A_1585] {strides = array<i32>} : memref<512xi32, #tpu.memory_space<vmem>>, vector<16xi32>,
      %and3A_1587 = arith.constant 15 : i32
      %and3A_1588 = arith.andi %add3A_1579, %and3A_1587 : i32
      %eq3A_1589 = vector.broadcast %and3A_1588 : i32 to vector<16xi32>
      %eq3A_1590 = arith.cmpi eq, %iota3A, %eq3A_1589 : vector<16xi32>
      %jit3A_1591 = arith.constant 0 : i32
      %broadcast_in_dim3A_1592 = vector.broadcast %jit3A_1591 : i32 to vector<16xi32>
      %select_n3A_1593 = arith.select %eq3A_1590, %get3A_1586, %broadcast_in_dim3A_1592 : vector<16xi1>, vector<16xi32>
      %reduce_max3A_1594 = arith.constant true
      %reduce_max3A_1595 = vector.broadcast %reduce_max3A_1594 : i1 to vector<16xi1>
      %reduce_max3A_1596 = arith.constant -2147483648 : i32
      %reduce_max3A_1597 = vector.broadcast %reduce_max3A_1596 : i32 to vector<16xi32>
      %reduce_max3A_1598 = arith.xori %select_n3A_1593, %reduce_max3A_1597 : vector<16xi32>
      %reduce_max3A_1599 = tpu.scan <max>, %reduce_max3A_1598 masked %reduce_max3A_1595 : vector<16xi32>, vector<16xi1> -> vector<16xi32>
      %reduce_max3A_1600 = arith.xori %reduce_max3A_1599, %reduce_max3A_1597 : vector<16xi32>
      %reduce_max3A_1601 = vector.extract %reduce_max3A_1600[15] : i32 from vector<16xi32>
      %shift_right_arithmetic3A_1602 = arith.constant 7 : i32
      %shift_right_arithmetic3A_1603 = arith.shrsi %reduce_max3A_1601, %shift_right_arithmetic3A_1602 : i32
      %mul3A_1604 = arith.constant 128 : i32
      %mul3A_1605 = arith.muli %shift_right_arithmetic3A_1603, %mul3A_1604 : i32
      %multiple_of3A_1606 = tpu.assume_multiple %mul3A_1605, 128 : i32
      %dma_wait3A_1607 = arith.constant 0 : i32
      %dma_wait3A_1608 = tpu.memref_slice %arg3[%dma_wait3A_1607, %multiple_of3A_1606] : memref<32x1000000xf32, #tpu.memory_space<hbm>> -> memref<32x128xf32, #tpu.memory_space<hbm>>
      %dma_wait3A_1609 = arith.constant 0 : i32
      %dma_wait3A_1610 = tpu.memref_slice %arg3[%dma_wait3A_1609, %multiple_of3A_1606] : memref<32x1000000xf32, #tpu.memory_space<hbm>> -> memref<32x128xf32, #tpu.memory_space<hbm>>
      tpu.wait_dma2 semaphore(%arg25 : memref<!tpu.dma_semaphore, #tpu.memory_space<semaphore_mem>>) src(%dma_wait3A_1610 : memref<32x128xf32, #tpu.memory_space<hbm>>) dst(%arg20 : memref<32x128xf32, #tpu.memory_space<vmem>>)
      %shift_right_arithmetic3A_1611 = arith.constant 4 : i32
      %shift_right_arithmetic3A_1612 = arith.shrsi %add3A_1579, %shift_right_arithmetic3A_1611 : i32
      %mul3A_1613 = arith.constant 16 : i32
      %mul3A_1614 = arith.muli %shift_right_arithmetic3A_1612, %mul3A_1613 : i32
      %multiple_of3A_1615 = tpu.assume_multiple %mul3A_1614, 16 : i32
      %get3A_1616 = arith.index_cast %multiple_of3A_1615 : i32 to index
      %get3A_1617 = tpu.vector_load %arg5[%get3A_1616] {strides = array<i32>} : memref<512xi32, #tpu.memory_space<vmem>>, vector<16xi32>,
      %and3A_1618 = arith.constant 15 : i32
      %and3A_1619 = arith.andi %add3A_1579, %and3A_1618 : i32
      %eq3A_1620 = vector.broadcast %and3A_1619 : i32 to vector<16xi32>
      %eq3A_1621 = arith.cmpi eq, %iota3A, %eq3A_1620 : vector<16xi32>
      %jit3A_1622 = arith.constant 0 : i32
      %broadcast_in_dim3A_1623 = vector.broadcast %jit3A_1622 : i32 to vector<16xi32>
      %select_n3A_1624 = arith.select %eq3A_1621, %get3A_1617, %broadcast_in_dim3A_1623 : vector<16xi1>, vector<16xi32>
      %reduce_max3A_1625 = arith.constant true
      %reduce_max3A_1626 = vector.broadcast %reduce_max3A_1625 : i1 to vector<16xi1>
      %reduce_max3A_1627 = arith.constant -2147483648 : i32
      %reduce_max3A_1628 = vector.broadcast %reduce_max3A_1627 : i32 to vector<16xi32>
      %reduce_max3A_1629 = arith.xori %select_n3A_1624, %reduce_max3A_1628 : vector<16xi32>
      %reduce_max3A_1630 = tpu.scan <max>, %reduce_max3A_1629 masked %reduce_max3A_1626 : vector<16xi32>, vector<16xi1> -> vector<16xi32>
      %reduce_max3A_1631 = arith.xori %reduce_max3A_1630, %reduce_max3A_1628 : vector<16xi32>
      %reduce_max3A_1632 = vector.extract %reduce_max3A_1631[15] : i32 from vector<16xi32>
      %and3A_1633 = arith.constant 127 : i32
      %and3A_1634 = arith.andi %reduce_max3A_1632, %and3A_1633 : i32
      %broadcast_in_dim3A_1635 = vector.broadcast %and3A_1634 : i32 to vector<16xi32>
      %broadcast_in_dim3A_1636 = vector.broadcast %add3A_1579 : i32 to vector<16xi32>
      %add3A_1637 = arith.constant 0 : i32
      %add3A_1638 = vector.broadcast %add3A_1637 : i32 to vector<16xi32>
      %add3A_1639 = arith.addi %add3A_1638, %iota3A : vector<16xi32>
      %gather3A_1640 = tpu.vector_load_idx %arg20[%add3A_1639, %broadcast_in_dim3A_1635] : memref<32x128xf32, #tpu.memory_space<vmem>>[vector<16xi32>, vector<16xi32>], vector<16xf32>,
      %add3A_1641 = arith.constant 0 : i32
      %add3A_1642 = vector.broadcast %add3A_1641 : i32 to vector<16xi32>
      %add3A_1643 = arith.addi %add3A_1642, %iota3A : vector<16xi32>
      tpu.vector_store_idx %arg22[%add3A_1643, %broadcast_in_dim3A_1636], %gather3A_1640 : memref<32x512xf32, #tpu.memory_space<vmem>>[vector<16xi32>, vector<16xi32>], vector<16xf32>,
      %add3A_1644 = arith.constant 16 : i32
      %add3A_1645 = vector.broadcast %add3A_1644 : i32 to vector<16xi32>
      %add3A_1646 = arith.addi %add3A_1645, %iota3A : vector<16xi32>
      %gather3A_1647 = tpu.vector_load_idx %arg20[%add3A_1646, %broadcast_in_dim3A_1635] : memref<32x128xf32, #tpu.memory_space<vmem>>[vector<16xi32>, vector<16xi32>], vector<16xf32>,
      %add3A_1648 = arith.constant 16 : i32
      %add3A_1649 = vector.broadcast %add3A_1648 : i32 to vector<16xi32>
      %add3A_1650 = arith.addi %add3A_1649, %iota3A : vector<16xi32>
      tpu.vector_store_idx %arg22[%add3A_1650, %broadcast_in_dim3A_1636], %gather3A_1647 : memref<32x512xf32, #tpu.memory_space<vmem>>[vector<16xi32>, vector<16xi32>], vector<16xf32>,
      %add3A_1651 = arith.constant 16 : i32
      %add3A_1652 = arith.addi %add3A_1579, %add3A_1651 : i32
      %lt3A_1653 = arith.constant 512 : i32
      %lt3A_1654 = arith.cmpi slt, %add3A_1652, %lt3A_1653 : i32
      %convert_element_type3A_1655 = arith.extui %lt3A_1654 : i1 to i32
      %cond3A_1656 = arith.constant 0 : i32
      %cond3A_1657 = arith.cmpi ne, %convert_element_type3A_1655, %cond3A_1656 : i32
      scf.if %cond3A_1657 {
        %add3A_1741 = arith.constant 16 : i32
        %add3A_1742 = arith.addi %add3A_1579, %add3A_1741 : i32
        %shift_right_arithmetic3A_1743 = arith.constant 4 : i32
        %shift_right_arithmetic3A_1744 = arith.shrsi %add3A_1742, %shift_right_arithmetic3A_1743 : i32
        %mul3A_1745 = arith.constant 16 : i32
        %mul3A_1746 = arith.muli %shift_right_arithmetic3A_1744, %mul3A_1745 : i32
        %multiple_of3A_1747 = tpu.assume_multiple %mul3A_1746, 16 : i32
        %get3A_1748 = arith.index_cast %multiple_of3A_1747 : i32 to index
        %get3A_1749 = tpu.vector_load %arg5[%get3A_1748] {strides = array<i32>} : memref<512xi32, #tpu.memory_space<vmem>>, vector<16xi32>,
        %and3A_1750 = arith.constant 15 : i32
        %and3A_1751 = arith.andi %add3A_1742, %and3A_1750 : i32
        %eq3A_1752 = vector.broadcast %and3A_1751 : i32 to vector<16xi32>
        %eq3A_1753 = arith.cmpi eq, %iota3A, %eq3A_1752 : vector<16xi32>
        %jit3A_1754 = arith.constant 0 : i32
        %broadcast_in_dim3A_1755 = vector.broadcast %jit3A_1754 : i32 to vector<16xi32>
        %select_n3A_1756 = arith.select %eq3A_1753, %get3A_1749, %broadcast_in_dim3A_1755 : vector<16xi1>, vector<16xi32>
        %reduce_max3A_1757 = arith.constant true
        %reduce_max3A_1758 = vector.broadcast %reduce_max3A_1757 : i1 to vector<16xi1>
        %reduce_max3A_1759 = arith.constant -2147483648 : i32
        %reduce_max3A_1760 = vector.broadcast %reduce_max3A_1759 : i32 to vector<16xi32>
        %reduce_max3A_1761 = arith.xori %select_n3A_1756, %reduce_max3A_1760 : vector<16xi32>
        %reduce_max3A_1762 = tpu.scan <max>, %reduce_max3A_1761 masked %reduce_max3A_1758 : vector<16xi32>, vector<16xi1> -> vector<16xi32>
        %reduce_max3A_1763 = arith.xori %reduce_max3A_1762, %reduce_max3A_1760 : vector<16xi32>
        %reduce_max3A_1764 = vector.extract %reduce_max3A_1763[15] : i32 from vector<16xi32>
        %shift_right_arithmetic3A_1765 = arith.constant 7 : i32
        %shift_right_arithmetic3A_1766 = arith.shrsi %reduce_max3A_1764, %shift_right_arithmetic3A_1765 : i32
        %mul3A_1767 = arith.constant 128 : i32
        %mul3A_1768 = arith.muli %shift_right_arithmetic3A_1766, %mul3A_1767 : i32
        %multiple_of3A_1769 = tpu.assume_multiple %mul3A_1768, 128 : i32
        %dma_start3A_1770 = arith.constant 0 : i32
        %dma_start3A_1771 = tpu.memref_slice %arg3[%dma_start3A_1770, %multiple_of3A_1769] : memref<32x1000000xf32, #tpu.memory_space<hbm>> -> memref<32x128xf32, #tpu.memory_space<hbm>>
        %dma_start3A_1772 = arith.constant 0 : i32
        %dma_start3A_1773 = tpu.memref_slice %arg3[%dma_start3A_1772, %multiple_of3A_1769] : memref<32x1000000xf32, #tpu.memory_space<hbm>> -> memref<32x128xf32, #tpu.memory_space<hbm>>
        tpu.enqueue_dma source(%dma_start3A_1773 : memref<32x128xf32, #tpu.memory_space<hbm>>) target(%arg20 : memref<32x128xf32, #tpu.memory_space<vmem>>) target_semaphore(%arg25 : memref<!tpu.dma_semaphore, #tpu.memory_space<semaphore_mem>>)
      } else {
      }
      %mul3A_1658 = arith.constant 16 : i32
      %mul3A_1659 = arith.muli %scan3A_432, %mul3A_1658 : i32
      %add3A_1660 = arith.constant 15 : i32
      %add3A_1661 = arith.addi %mul3A_1659, %add3A_1660 : i32
      %shift_right_arithmetic3A_1662 = arith.constant 4 : i32
      %shift_right_arithmetic3A_1663 = arith.shrsi %add3A_1661, %shift_right_arithmetic3A_1662 : i32
      %mul3A_1664 = arith.constant 16 : i32
      %mul3A_1665 = arith.muli %shift_right_arithmetic3A_1663, %mul3A_1664 : i32
      %multiple_of3A_1666 = tpu.assume_multiple %mul3A_1665, 16 : i32
      %get3A_1667 = arith.index_cast %multiple_of3A_1666 : i32 to index
      %get3A_1668 = tpu.vector_load %arg5[%get3A_1667] {strides = array<i32>} : memref<512xi32, #tpu.memory_space<vmem>>, vector<16xi32>,
      %and3A_1669 = arith.constant 15 : i32
      %and3A_1670 = arith.andi %add3A_1661, %and3A_1669 : i32
      %eq3A_1671 = vector.broadcast %and3A_1670 : i32 to vector<16xi32>
      %eq3A_1672 = arith.cmpi eq, %iota3A, %eq3A_1671 : vector<16xi32>
      %jit3A_1673 = arith.constant 0 : i32
      %broadcast_in_dim3A_1674 = vector.broadcast %jit3A_1673 : i32 to vector<16xi32>
      %select_n3A_1675 = arith.select %eq3A_1672, %get3A_1668, %broadcast_in_dim3A_1674 : vector<16xi1>, vector<16xi32>
      %reduce_max3A_1676 = arith.constant true
      %reduce_max3A_1677 = vector.broadcast %reduce_max3A_1676 : i1 to vector<16xi1>
      %reduce_max3A_1678 = arith.constant -2147483648 : i32
      %reduce_max3A_1679 = vector.broadcast %reduce_max3A_1678 : i32 to vector<16xi32>
      %reduce_max3A_1680 = arith.xori %select_n3A_1675, %reduce_max3A_1679 : vector<16xi32>
      %reduce_max3A_1681 = tpu.scan <max>, %reduce_max3A_1680 masked %reduce_max3A_1677 : vector<16xi32>, vector<16xi1> -> vector<16xi32>
      %reduce_max3A_1682 = arith.xori %reduce_max3A_1681, %reduce_max3A_1679 : vector<16xi32>
      %reduce_max3A_1683 = vector.extract %reduce_max3A_1682[15] : i32 from vector<16xi32>
      %shift_right_arithmetic3A_1684 = arith.constant 7 : i32
      %shift_right_arithmetic3A_1685 = arith.shrsi %reduce_max3A_1683, %shift_right_arithmetic3A_1684 : i32
      %mul3A_1686 = arith.constant 128 : i32
      %mul3A_1687 = arith.muli %shift_right_arithmetic3A_1685, %mul3A_1686 : i32
      %multiple_of3A_1688 = tpu.assume_multiple %mul3A_1687, 128 : i32
      %dma_wait3A_1689 = arith.constant 0 : i32
      %dma_wait3A_1690 = tpu.memref_slice %arg3[%dma_wait3A_1689, %multiple_of3A_1688] : memref<32x1000000xf32, #tpu.memory_space<hbm>> -> memref<32x128xf32, #tpu.memory_space<hbm>>
      %dma_wait3A_1691 = arith.constant 0 : i32
      %dma_wait3A_1692 = tpu.memref_slice %arg3[%dma_wait3A_1691, %multiple_of3A_1688] : memref<32x1000000xf32, #tpu.memory_space<hbm>> -> memref<32x128xf32, #tpu.memory_space<hbm>>
      tpu.wait_dma2 semaphore(%arg26 : memref<!tpu.dma_semaphore, #tpu.memory_space<semaphore_mem>>) src(%dma_wait3A_1692 : memref<32x128xf32, #tpu.memory_space<hbm>>) dst(%arg21 : memref<32x128xf32, #tpu.memory_space<vmem>>)
      %shift_right_arithmetic3A_1693 = arith.constant 4 : i32
      %shift_right_arithmetic3A_1694 = arith.shrsi %add3A_1661, %shift_right_arithmetic3A_1693 : i32
      %mul3A_1695 = arith.constant 16 : i32
      %mul3A_1696 = arith.muli %shift_right_arithmetic3A_1694, %mul3A_1695 : i32
      %multiple_of3A_1697 = tpu.assume_multiple %mul3A_1696, 16 : i32
      %get3A_1698 = arith.index_cast %multiple_of3A_1697 : i32 to index
      %get3A_1699 = tpu.vector_load %arg5[%get3A_1698] {strides = array<i32>} : memref<512xi32, #tpu.memory_space<vmem>>, vector<16xi32>,
      %and3A_1700 = arith.constant 15 : i32
      %and3A_1701 = arith.andi %add3A_1661, %and3A_1700 : i32
      %eq3A_1702 = vector.broadcast %and3A_1701 : i32 to vector<16xi32>
      %eq3A_1703 = arith.cmpi eq, %iota3A, %eq3A_1702 : vector<16xi32>
      %jit3A_1704 = arith.constant 0 : i32
      %broadcast_in_dim3A_1705 = vector.broadcast %jit3A_1704 : i32 to vector<16xi32>
      %select_n3A_1706 = arith.select %eq3A_1703, %get3A_1699, %broadcast_in_dim3A_1705 : vector<16xi1>, vector<16xi32>
      %reduce_max3A_1707 = arith.constant true
      %reduce_max3A_1708 = vector.broadcast %reduce_max3A_1707 : i1 to vector<16xi1>
      %reduce_max3A_1709 = arith.constant -2147483648 : i32
      %reduce_max3A_1710 = vector.broadcast %reduce_max3A_1709 : i32 to vector<16xi32>
      %reduce_max3A_1711 = arith.xori %select_n3A_1706, %reduce_max3A_1710 : vector<16xi32>
      %reduce_max3A_1712 = tpu.scan <max>, %reduce_max3A_1711 masked %reduce_max3A_1708 : vector<16xi32>, vector<16xi1> -> vector<16xi32>
      %reduce_max3A_1713 = arith.xori %reduce_max3A_1712, %reduce_max3A_1710 : vector<16xi32>
      %reduce_max3A_1714 = vector.extract %reduce_max3A_1713[15] : i32 from vector<16xi32>
      %and3A_1715 = arith.constant 127 : i32
      %and3A_1716 = arith.andi %reduce_max3A_1714, %and3A_1715 : i32
      %broadcast_in_dim3A_1717 = vector.broadcast %and3A_1716 : i32 to vector<16xi32>
      %broadcast_in_dim3A_1718 = vector.broadcast %add3A_1661 : i32 to vector<16xi32>
      %add3A_1719 = arith.constant 0 : i32
      %add3A_1720 = vector.broadcast %add3A_1719 : i32 to vector<16xi32>
      %add3A_1721 = arith.addi %add3A_1720, %iota3A : vector<16xi32>
      %gather3A_1722 = tpu.vector_load_idx %arg21[%add3A_1721, %broadcast_in_dim3A_1717] : memref<32x128xf32, #tpu.memory_space<vmem>>[vector<16xi32>, vector<16xi32>], vector<16xf32>,
      %add3A_1723 = arith.constant 0 : i32
      %add3A_1724 = vector.broadcast %add3A_1723 : i32 to vector<16xi32>
      %add3A_1725 = arith.addi %add3A_1724, %iota3A : vector<16xi32>
      tpu.vector_store_idx %arg22[%add3A_1725, %broadcast_in_dim3A_1718], %gather3A_1722 : memref<32x512xf32, #tpu.memory_space<vmem>>[vector<16xi32>, vector<16xi32>], vector<16xf32>,
      %add3A_1726 = arith.constant 16 : i32
      %add3A_1727 = vector.broadcast %add3A_1726 : i32 to vector<16xi32>
      %add3A_1728 = arith.addi %add3A_1727, %iota3A : vector<16xi32>
      %gather3A_1729 = tpu.vector_load_idx %arg21[%add3A_1728, %broadcast_in_dim3A_1717] : memref<32x128xf32, #tpu.memory_space<vmem>>[vector<16xi32>, vector<16xi32>], vector<16xf32>,
      %add3A_1730 = arith.constant 16 : i32
      %add3A_1731 = vector.broadcast %add3A_1730 : i32 to vector<16xi32>
      %add3A_1732 = arith.addi %add3A_1731, %iota3A : vector<16xi32>
      tpu.vector_store_idx %arg22[%add3A_1732, %broadcast_in_dim3A_1718], %gather3A_1729 : memref<32x512xf32, #tpu.memory_space<vmem>>[vector<16xi32>, vector<16xi32>], vector<16xf32>,
      %add3A_1733 = arith.constant 16 : i32
      %add3A_1734 = arith.addi %add3A_1661, %add3A_1733 : i32
      %lt3A_1735 = arith.constant 512 : i32
      %lt3A_1736 = arith.cmpi slt, %add3A_1734, %lt3A_1735 : i32
      %convert_element_type3A_1737 = arith.extui %lt3A_1736 : i1 to i32
      %cond3A_1738 = arith.constant 0 : i32
      %cond3A_1739 = arith.cmpi ne, %convert_element_type3A_1737, %cond3A_1738 : i32
      scf.if %cond3A_1739 {
        %add3A_1741 = arith.constant 16 : i32
        %add3A_1742 = arith.addi %add3A_1661, %add3A_1741 : i32
        %shift_right_arithmetic3A_1743 = arith.constant 4 : i32
        %shift_right_arithmetic3A_1744 = arith.shrsi %add3A_1742, %shift_right_arithmetic3A_1743 : i32
        %mul3A_1745 = arith.constant 16 : i32
        %mul3A_1746 = arith.muli %shift_right_arithmetic3A_1744, %mul3A_1745 : i32
        %multiple_of3A_1747 = tpu.assume_multiple %mul3A_1746, 16 : i32
        %get3A_1748 = arith.index_cast %multiple_of3A_1747 : i32 to index
        %get3A_1749 = tpu.vector_load %arg5[%get3A_1748] {strides = array<i32>} : memref<512xi32, #tpu.memory_space<vmem>>, vector<16xi32>,
        %and3A_1750 = arith.constant 15 : i32
        %and3A_1751 = arith.andi %add3A_1742, %and3A_1750 : i32
        %eq3A_1752 = vector.broadcast %and3A_1751 : i32 to vector<16xi32>
        %eq3A_1753 = arith.cmpi eq, %iota3A, %eq3A_1752 : vector<16xi32>
        %jit3A_1754 = arith.constant 0 : i32
        %broadcast_in_dim3A_1755 = vector.broadcast %jit3A_1754 : i32 to vector<16xi32>
        %select_n3A_1756 = arith.select %eq3A_1753, %get3A_1749, %broadcast_in_dim3A_1755 : vector<16xi1>, vector<16xi32>
        %reduce_max3A_1757 = arith.constant true
        %reduce_max3A_1758 = vector.broadcast %reduce_max3A_1757 : i1 to vector<16xi1>
        %reduce_max3A_1759 = arith.constant -2147483648 : i32
        %reduce_max3A_1760 = vector.broadcast %reduce_max3A_1759 : i32 to vector<16xi32>
        %reduce_max3A_1761 = arith.xori %select_n3A_1756, %reduce_max3A_1760 : vector<16xi32>
        %reduce_max3A_1762 = tpu.scan <max>, %reduce_max3A_1761 masked %reduce_max3A_1758 : vector<16xi32>, vector<16xi1> -> vector<16xi32>
        %reduce_max3A_1763 = arith.xori %reduce_max3A_1762, %reduce_max3A_1760 : vector<16xi32>
        %reduce_max3A_1764 = vector.extract %reduce_max3A_1763[15] : i32 from vector<16xi32>
        %shift_right_arithmetic3A_1765 = arith.constant 7 : i32
        %shift_right_arithmetic3A_1766 = arith.shrsi %reduce_max3A_1764, %shift_right_arithmetic3A_1765 : i32
        %mul3A_1767 = arith.constant 128 : i32
        %mul3A_1768 = arith.muli %shift_right_arithmetic3A_1766, %mul3A_1767 : i32
        %multiple_of3A_1769 = tpu.assume_multiple %mul3A_1768, 128 : i32
        %dma_start3A_1770 = arith.constant 0 : i32
        %dma_start3A_1771 = tpu.memref_slice %arg3[%dma_start3A_1770, %multiple_of3A_1769] : memref<32x1000000xf32, #tpu.memory_space<hbm>> -> memref<32x128xf32, #tpu.memory_space<hbm>>
        %dma_start3A_1772 = arith.constant 0 : i32
        %dma_start3A_1773 = tpu.memref_slice %arg3[%dma_start3A_1772, %multiple_of3A_1769] : memref<32x1000000xf32, #tpu.memory_space<hbm>> -> memref<32x128xf32, #tpu.memory_space<hbm>>
        tpu.enqueue_dma source(%dma_start3A_1773 : memref<32x128xf32, #tpu.memory_space<hbm>>) target(%arg21 : memref<32x128xf32, #tpu.memory_space<vmem>>) target_semaphore(%arg26 : memref<!tpu.dma_semaphore, #tpu.memory_space<semaphore_mem>>)
      } else {
      }
      %scan3A_1740 = arith.constant 0 : i32
      scf.yield %scan3A_1740 : i32
    }
    %scan3A_431 = arith.constant 32 : i32
    "tpu.region"() ({
      %run_scoped3A = tpu.sem_alloc : memref<!tpu.dma_semaphore, #tpu.memory_space<semaphore_mem>>
      %dma_start3A_432 = arith.constant 0 : i32
      %dma_start3A_433 = tpu.memref_slice %arg4[%dma_start3A_432, %mul3A_2] : memref<32x16384xf32, #tpu.memory_space<hbm>> -> memref<32x512xf32, #tpu.memory_space<hbm>>
      %dma_start3A_434 = arith.constant 0 : i32
      %dma_start3A_435 = tpu.memref_slice %arg4[%dma_start3A_434, %mul3A_2] : memref<32x16384xf32, #tpu.memory_space<hbm>> -> memref<32x512xf32, #tpu.memory_space<hbm>>
      tpu.enqueue_dma source(%arg22 : memref<32x512xf32, #tpu.memory_space<vmem>>) target(%dma_start3A_435 : memref<32x512xf32, #tpu.memory_space<hbm>>) target_semaphore(%run_scoped3A : memref<!tpu.dma_semaphore, #tpu.memory_space<semaphore_mem>>)
      %dma_wait3A = arith.constant 0 : i32
      %dma_wait3A_436 = tpu.memref_slice %arg4[%dma_wait3A, %mul3A_2] : memref<32x16384xf32, #tpu.memory_space<hbm>> -> memref<32x512xf32, #tpu.memory_space<hbm>>
      %dma_wait3A_437 = arith.constant 0 : i32
      %dma_wait3A_438 = tpu.memref_slice %arg4[%dma_wait3A_437, %mul3A_2] : memref<32x16384xf32, #tpu.memory_space<hbm>> -> memref<32x512xf32, #tpu.memory_space<hbm>>
      tpu.wait_dma2 semaphore(%run_scoped3A : memref<!tpu.dma_semaphore, #tpu.memory_space<semaphore_mem>>) src(%arg22 : memref<32x512xf32, #tpu.memory_space<vmem>>) dst(%dma_wait3A_438 : memref<32x512xf32, #tpu.memory_space<hbm>>)
      tpu.yield
    }) : () -> ()
    return
  }
}

</mosaic_0001>

<sc_bundles>
// kernel: kernel.3.cloned.1.call-start
scs
__scs_entry_jumppad:
0x0: {  	(pc) =	sbr.rel $0x88, $3  }
0x1: {  	(tag) =	ssettag $0x0;
	lr =	simm.s32 $0x1  }
0x2: {  	[smem:$0x3F9F] =	sst lr;
	_ =	strace $0xD0000000  }
0x3: {  	_ = 	snop  }
0x4: {  	_ = 	snop  }
0x5: {  	_ = 	snop  }
0x6: {  	_ = 	snop  }
0x7: {  	_ = 	snop  }
__scs_overlays_trampoline_lowered:
0x8: {  	[smem:$0x3FAE] =	sst s0  }
0x9: {  	[smem:$0x3FAF] =	sst s1  }
0xa: {  	[smem:$0x3FB0] =	sst s2  }
0xb: {  	[smem:$0x3FB1] =	sst s3  }
0xc: {  	[smem:$0x3FB2] =	sst s4  }
0xd: {  	[smem:$0x3FB3] =	sst s5  }
0xe: {  	[smem:$0x3FB4] =	sst s6  }
0xf: {  	[smem:$0x3FB5] =	sst s7  }
0x10: {  	[smem:$0x3FB6] =	sst s8  }
0x11: {  	[smem:$0x3FB7] =	sst s9;
	s0 =	simm.s32 @!p0 $0x0  }
0x12: {  	s1 =	sld [smem:$0x3F9D];
	s0 =	simm.s32 @p0 $0x1  }
0x13: {  	[smem:$0x3FB8] =	sst s0;
	s0 =	simm.s32 @!p1 $0x0  }
0x14: {  	s2 =	sld [smem:$0x3F9C];
	s0 =	simm.s32 @p1 $0x1  }
0x15: {  	[smem:$0x3FB9] =	sst s0;
	s0 =	simm.s32 @!p2 $0x0  }
0x16: {  	s3 =	sld [smem:$0x3FDB];
	s0 =	simm.s32 @p2 $0x1  }
0x17: {  	s4 =	simm.s32 $0x1BF5;
	[smem:$0x3FBB] =	sst s0  }
0x18: {  	s0 =	sld [smem:$0x3F9E];
	_ =	swait.ge [sflag:s4], $0x0  }
0x19: {  	s7 =	sld [smem:$0x3F9F]  }
0x1a: {  	s8 =	sadd.s32 $0xFFFFE003, lr  }
0x1b: {  	s9 =	sadd.s32 $0xFFFFFEF7, lr;
	s5 =	simm.s32 $0xFFFFFFFF;
	p2 =	slt.u32 s8, $0xFFFFF086  }
0x1c: {  	p1 =	slt.u32 s9, $0xF7A;
	s5 =	simm.s32 @!p2 $0x0  }
0x1d: {  	s5 =	simm.s32 @p1 $0x1;
	p0 =	seq.s32 s7, s2  }
0x1e: {  	s7 =	smul.u32 @!p0 $0xF7A, s2;
	p2 =	seq.s32 @!p0 s5, $0x0  }
0x1f: {  	s9 =	smul.u32 $0xF7A, s1;
	s8 =	simm.s32 @!p0 $0x1BF5;
	p2 =	por !p2, p0  }
0x20: {  	[sflag:s8] =	ssyncset.s32 @!p0 $0xFFFFF086;
	s6 =	sadd.s32 @!p0 s3, s7;
	s7 =	simm.s32 @!p0 $0x108  }
0x21: {  	s3 =	sadd.s32 s3, s9;
	s6 =	sadd.s32 @!p0 $0x88, s6;
	s7 =	simm.s32 @p2 $0x1082  }
0x22: {  	[simem:s7], [sflag:s8] =	dma.local @!p0 [hbm:s6], $0xF7A  }
0x23: {  	s9 =	sor.u32 $0xD0000000, s2;
	s6 =	simm.s32 $0x108;
	_ =	swait.ge @!p0 [sflag:s8], $0x0  }
0x24: {  	s3 =	sadd.s32 $0x88, s3;
	s6 =	simm.s32 @!p1 $0x1082;
	[sflag:s4] =	ssyncset.s32 $0xFFFFF086  }
0x25: {  	[simem:s6], [sflag:s4] =	dma.local [hbm:s3], $0xF7A  }
0x26: {  	[smem:$0x3F9F] =	sst s1;
	(tag) =	ssettag s2;
	_ =	strace s9  }
0x27: {  	s1 =	sld [smem:$0x3FAF]  }
0x28: {  	s2 =	sld [smem:$0x3FB0]  }
0x29: {  	s4 =	sld [smem:$0x3FB2]  }
0x2a: {  	p0 =	seq.s32 s5, $0x0;
	s5 =	sld [smem:$0x3FB3]  }
0x2b: {  	s6 =	sld [smem:$0x3FB4]  }
0x2c: {  	s7 =	sld [smem:$0x3FB5]  }
0x2d: {  	s3 =	simm.s32 $0x108;
	s8 =	sld [smem:$0x3FB6]  }
0x2e: {  	s3 =	simm.s32 @!p0 $0x1082;
	s9 =	sld [smem:$0x3FB7]  }
0x2f: {  	lr =	sadd.s32 s0, s3;
	s0 =	sld [smem:$0x3FAE]  }
0x30: {  	s3 =	sld [smem:$0x3FB1]  }
0x31: {  	[smem:$0x3FBA] =	sst s10  }
0x32: {  	s10 =	sld [smem:$0x3FB8];
	_ =	sdelay $0x3  }
0x33: {  	p0 =	seq.s32 s10, $0x1;
	s10 =	sld [smem:$0x3FBA];
	_ =	sdelay $0x3  }
0x34: {  	[smem:$0x3FBA] =	sst s10  }
0x35: {  	s10 =	sld [smem:$0x3FB9];
	_ =	sdelay $0x3  }
0x36: {  	p1 =	seq.s32 s10, $0x1;
	s10 =	sld [smem:$0x3FBA];
	_ =	sdelay $0x3  }
0x37: {  	[smem:$0x3FBA] =	sst s10  }
0x38: {  	s10 =	sld [smem:$0x3FBB]  }
0x39: {  	_ = 	snop;
	(pc) =	sbr.ind lr, $3  }
0x3a: {  	_ = 	snop  }
0x3b: {  	_ = 	snop  }
0x3c: {  	p2 =	seq.s32 s10, $0x1;
	s10 =	sld [smem:$0x3FBA]  }
0x3d: {  	_ =	shalt  }
0x3e: {  	_ =	shalt  }
0x3f: {  	_ =	shalt  }
0x40: {  	_ =	shalt  }
0x41: {  	_ =	shalt  }
0x42: {  	_ =	shalt  }
0x43: {  	_ =	shalt  }
0x44: {  	_ =	shalt  }
0x45: {  	_ =	shalt  }
0x46: {  	_ =	shalt  }
0x47: {  	_ =	shalt  }
0x48: {  	_ =	shalt  }
0x49: {  	_ =	shalt  }
0x4a: {  	_ =	shalt  }
0x4b: {  	_ =	shalt  }
0x4c: {  	_ =	shalt  }
0x4d: {  	_ =	shalt  }
0x4e: {  	_ =	shalt  }
0x4f: {  	_ =	shalt  }
0x50: {  	_ =	shalt  }
0x51: {  	_ =	shalt  }
0x52: {  	_ =	shalt  }
0x53: {  	_ =	shalt  }
0x54: {  	_ =	shalt  }
0x55: {  	_ =	shalt  }
0x56: {  	_ =	shalt  }
0x57: {  	_ =	shalt  }
0x58: {  	_ =	shalt  }
0x59: {  	_ =	shalt  }
0x5a: {  	_ =	shalt  }
0x5b: {  	_ =	shalt  }
0x5c: {  	_ =	shalt  }
0x5d: {  	_ =	shalt  }
0x5e: {  	_ =	shalt  }
0x5f: {  	_ =	shalt  }
0x60: {  	_ =	shalt  }
0x61: {  	_ =	shalt  }
0x62: {  	_ =	shalt  }
0x63: {  	_ =	shalt  }
0x64: {  	_ =	shalt  }
0x65: {  	_ =	shalt  }
0x66: {  	_ =	shalt  }
0x67: {  	_ =	shalt  }
0x68: {  	_ =	shalt  }
0x69: {  	_ =	shalt  }
0x6a: {  	_ =	shalt  }
0x6b: {  	_ =	shalt  }
0x6c: {  	_ =	shalt  }
0x6d: {  	_ =	shalt  }
0x6e: {  	_ =	shalt  }
0x6f: {  	_ =	shalt  }
0x70: {  	_ =	shalt  }
0x71: {  	_ =	shalt  }
0x72: {  	_ =	shalt  }
0x73: {  	_ =	shalt  }
0x74: {  	_ =	shalt  }
0x75: {  	_ =	shalt  }
0x76: {  	_ =	shalt  }
0x77: {  	_ =	shalt  }
0x78: {  	_ =	shalt  }
0x79: {  	_ =	shalt  }
0x7a: {  	_ =	shalt  }
0x7b: {  	_ =	shalt  }
0x7c: {  	_ =	shalt  }
0x7d: {  	_ =	shalt  }
0x7e: {  	_ =	shalt  }
0x7f: {  	_ =	shalt  }
0x80: {  	_ =	shalt  }
0x81: {  	_ =	shalt  }
0x82: {  	_ =	shalt  }
0x83: {  	_ =	shalt  }
0x84: {  	_ =	shalt  }
0x85: {  	_ =	shalt  }
0x86: {  	_ =	shalt  }
0x87: {  	_ =	shalt  }
.Lfunc_end0:
.L_simem_size_0:
called_computation_lowered:
.L_overlay_start_0:
0x88: {  	s2 =	sld [smem:$0x3FD9]  }
0x89: {  	s3 =	sld [smem:$0x3FFE];
	_ =	sdelay $0x1  }
0x8a: {  	s1 =	srdreg.scid  }
0x8b: {  	s0 =	sand.u32 $0x1, s1  }
0x8c: {  	s18 =	sshll.u32 s0, $0xA;
	s2 =	sadd.s32 s3, s2  }
0x8d: {  	s2 =	sadd.s32 s2, s18  }
0x8e: {  	[smem:$0x3FC6] =	sst s2  }
0x8f: {  	_ = 	snop  }
0x90: {  	s2 =	sld [smem:$0x3FC9]  }
0x91: {  	s19 =	sld [smem:$0x3FC8]  }
0x92: {  	s4 =	sld [smem:$0x3FD0];
	(tm) =	ssettm $0x1  }
0x93: {  	s5 =	sld [smem:$0x3FFB];
	_ =	sdelay $0x3  }
0x94: {  	_ =	strace s5  }
0x95: {  	s5 =	sld [smem:$0x3FFC];
	_ =	sdelay $0x3  }
0x96: {  	_ =	strace s5  }
0x97: {  	s5 =	sld [smem:$0x3FFD];
	_ =	sdelay $0x3  }
0x98: {  	_ =	strace s5  }
0x99: {  	_ =	strace $0x8FFFFFFF  }
0x9a: {  	s20 =	sld [smem:$0x3FDB];
	_ =	sdelay $0x1  }
0x9b: {  	s6 =	simm.s32 $_scs_section_size  }
0x9c: {  	s7 =	simm.s32 $_size__tile_overlayer_lowered;
	s8 =	simm.s32 $_tile_overlayer_lowered  }
0x9d: {  	s23 =	simm.s32 $0x1BFF;
	s22 =	sshll.u32 s8, $0x1;
	s5 =	sadd.s32 s6, s20  }
0x9e: {  	s9 =	simm.s32 $0x0;
	s21 =	sshll.u32 s7, $0x1;
	s7 =	sadd.s32 s22, s5  }
0x9f: {  	[timem:s9], [sflag:s23] =	dma.local [hbm:s7], s21  }
0xa0: {  	_ =	swait.ge [sflag:s23], s21  }
0xa1: {  	s6 =	ssub.s32 $0x0, s21;
	[sflag:s23] =	ssyncset.done $0x0  }
0xa2: {  	[sflag:s23] =	ssyncadd.s32 s6;
	_ =	sdelay $0x1  }
0xa3: {  	s24 =	simm.s32 $0x1B8B  }
0xa4: {  	_ =	swait.ge [sflag:s24], $0x1  }
0xa5: {  	[sflag:s24] =	ssyncset.done $0x0  }
0xa6: {  	s25 =	simm.s32 $0x1B8E;
	[sflag:s24] =	ssyncadd.s32 $0xFFFFFFFF  }
0xa7: {  	s26 =	simm.s32 $execute0_lowered;
	[smem:$0x3FD2] =	sst s25  }
0xa8: {  	s6 =	sshll.u32 s26, $0x1;
	_ =	strace $0x80000046;
	[dreg:$0x1] =	wrdreg $0xFFFFFFFF  }
0xa9: {  	s28 =	simm.s32 $_size_execute0_lowered;
	s5 =	sadd.s32 s5, s6;
	[dreg:$0x0] =	wrdreg $0x0  }
0xaa: {  	s6 =	sshll.u32 s28, $0x1;
	[dreg:$0x2] =	wrdreg s5  }
0xab: {  	[dreg:$0x3] =	wrdreg s6  }
0xac: {  	[dreg:$0x4] =	wrdreg $0xC0  }
0xad: {  	_ =	task [dreg:s9], $0x5FFFF  }
0xae: {  	[dreg:$0x1] =	wrdreg $0xFFFFFFFF  }
0xaf: {  	[dreg:$0x0] =	wrdreg $0x60  }
0xb0: {  	[dreg:$0x2] =	wrdreg s2  }
0xb1: {  	[dreg:$0x3] =	wrdreg s19  }
0xb2: {  	[dreg:$0x4] =	wrdreg s4  }
0xb3: {  	[dreg:$0x5] =	wrdreg $0x9  }
0xb4: {  	_ =	task.clear_ibuf [dreg:s9], $0x6FFFF;
	_ =	strace $0x90000046  }
0xb5: {  	s29 =	simm.s32 $0x9;
	_ =	strace $0x80000048  }
0xb6: {  	_ =	swait.ge [sflag:s29], $0x1  }
0xb7: {  	[sflag:s29] =	ssyncadd.s32 $0xFFFFFFFF  }
0xb8: {  	_ =	strace $0x90000048  }
0xb9: {  	_ =	sfence  }
0xba: {  	s30 =	sld [smem:$0x0];
	_ =	sdelay $0x2  }
0xbb: {  	s31 =	sshll.u32 s1, $0xD;
	s1 =	sshrl.u32 s1, $0x2  }
0xbc: {  	s3 =	sand.u32 $0x4000, s31;
	s1 =	sadd.s32 s1, s30  }
0xbd: {  	s0 =	sor.u32 s3, s0;
	s1 =	sshll.u32 s1, $0x11  }
0xbe: {  	s0 =	sor.u32 s1, s0  }
0xbf: {  	s0 =	sadd.s32 $0x8F2B, s0  }
0xc0: {  	[sflag:s0] =	ssyncadd.remote.s32 $0x1  }
0xc1: {  	_ =	sfence.sel $0xFFFF  }
0xc2: {  	[dreg:$0x0] =	wrdreg $0xFFFFFFFF;
	(pc) =	sbr.abs _section_cstart, $3  }
0xc3: {  	[dreg:$0x1] =	wrdreg $0xFFFFFFFF  }
0xc4: {  	_ =	task.clear_ibuf [dreg:s9], $0x2FFFF;
	_ =	strace $0x9FFFFFFF  }
0xc5: {  	(tm) =	ssettm $0x7FFFFFFF  }
tec
execute0_lowered:
.L_overlay_start_1:
0x0: {  	(tag) =	ssettag $0x1  }
0x1: {  	vm0 =	vmmov $0x1;
	vm2 =	vcmask $0x70C  }
0x2: {  	vm3 =	vcmask $0xB10;
	vm4 =	vcmask $0xF14;
	vm5 =	vcmask $0x1318  }
0x3: {  	vm6 =	vcmask $0x171C;
	vm7 =	vcmask $0x1B20;
	vm8 =	vcmask $0x1F24  }
0x4: {  	vm9 =	vcmask $0x2328;
	vm10 =	vcmask $0x272C;
	vm11 =	vcmask $0x2B30  }
0x5: {  	s1 =	rddreg [dreg:$0x0];
	vm12 =	vcmask $0x2F34;
	vm13 =	vcmask $0x3338;
	v0 =	vlaneseq.u32  }
0x6: {  	s0 =	rddreg [dreg:$0x1];
	v1 =	vimm.s32 $0x1380;
	vm14 =	vcmask $0x300;
	vm15 =	vcmask $0x704  }
0x7: {  	s2 =	rddreg [dreg:$0x2];
	v2 =	vimm.s32 $0x3380;
	vm1 =	vcmask $0x3B38;
	v0 =	vmul.u32 $0x80, v0  }
0x8: {  	s3 =	srdreg.scid;
	s6 =	simm.s32 $0x0;
	s8 =	simm.s32 $0x400;
	v1 =	vsel vm14, $0x0, v1;
	v2 =	vsel vm14, $0x2000, v2;
	vm14 =	vcmask $0xB08  }
0x9: {  	s5 =	stileid.u32;
	s9 =	simm.s32 $0x7A1400;
	s10 =	simm.s32 $0x200;
	v1 =	vsel vm15, $0x80, v1;
	v2 =	vsel vm15, $0x2080, v2;
	vm15 =	vcmask $0xF0C  }
0xa: {  	s11 =	simm.s32 $0x1200;
	s12 =	simm.s32 $0x2200;
	s13 =	simm.s32 $0x3200;
	v1 =	vsel vm14, $0x100, v1;
	v2 =	vsel vm14, $0x2100, v2;
	vm14 =	vcmask $0x1310  }
0xb: {  	s14 =	simm.s32 $0x4200;
	s15 =	simm.s32 $0x5200;
	s16 =	simm.s32 $0x6200;
	v3 =	vor.u32 $0x800, v0;
	v1 =	vsel vm15, $0x180, v1;
	v2 =	vsel vm15, $0x2180, v2  }
0xc: {  	s17 =	simm.s32 $0x7200;
	s18 =	simm.s32 $0x8200;
	s19 =	simm.s32 $0x9200;
	vm15 =	vcmask $0x1714;
	v1 =	vsel vm14, $0x200, v1;
	v2 =	vsel vm14, $0x2200, v2  }
0xd: {  	s20 =	simm.s32 $0xA200;
	s21 =	simm.s32 $0xB200;
	s22 =	simm.s32 $0xC200;
	vm14 =	vcmask $0x1B18;
	v1 =	vsel vm15, $0x280, v1;
	v2 =	vsel vm15, $0x2280, v2  }
0xe: {  	s23 =	simm.s32 $0xD200;
	s28 =	simm.s32 $0x10200;
	s29 =	simm.s32 $0x2;
	vm15 =	vcmask $0x1F1C;
	v1 =	vsel vm14, $0x300, v1;
	v2 =	vsel vm14, $0x2300, v2  }
0xf: {  	s30 =	simm.s32 $0x3;
	s31 =	simm.s32 $0x4;
	s3 =	sand.u32 $0x1, s3;
	vm14 =	vcmask $0x2320;
	v1 =	vsel vm15, $0x380, v1;
	v2 =	vsel vm15, $0x2380, v2  }
0x10: {  	s5 =	sshll.u32 s5, $0xA;
	[smem:$0x7FF] =	sst s6;
	s4 =	ssub.s32 $0x2, s3;
	vm15 =	vcmask $0x2724;
	v1 =	vsel vm14, $0x1000, v1;
	v2 =	vsel vm14, $0x3000, v2  }
0x11: {  	s3 =	sshll.u32 s3, $0x9;
	_ =	strace $0x80000047;
	s24 =	sshrl.u32 s4, $0x1;
	vm14 =	vcmask $0x2B28;
	v1 =	vsel vm15, $0x1080, v1;
	v2 =	vsel vm15, $0x3080, v2  }
.Ltmp0:
0x12: {  	s3 =	sor.u32 s3, s5;
	s4 =	ssub.s32 s4, s24;
	vm15 =	vcmask $0x2F2C;
	v1 =	vsel vm14, $0x1100, v1;
	v2 =	vsel vm14, $0x3100, v2;
	(pc) =	sbr.rel .LBB2_1-.Ltmp0, $4  }
0x13: {  	s5 =	sshrl.u32 s3, $0x3;
	s25 =	sadd.s32 s2, s3;
	s24 =	simm.s32 $0xE200;
	vm14 =	vcmask $0x3330;
	v1 =	vsel vm15, $0x1180, v1;
	v2 =	vsel vm15, $0x3180, v2  }
0x14: {  	s3 =	simm.s32 $0x0;
	s1 =	sadd.s32 s1, s5;
	[dreg:$0x5] =	wrdreg s25;
	vm15 =	vcmask $0x3734;
	v1 =	vsel vm14, $0x1200, v1;
	v2 =	vsel vm14, $0x3200, v2  }
0x15: {  	s26 =	smax.u32 s4, $0x1;
	s4 =	simm.s32 $0x5;
	[dreg:$0x4] =	wrdreg s1;
	vm14 =	vcmask $0x373C;
	v1 =	vsel vm15, $0x1280, v1;
	v2 =	vsel vm15, $0x3280, v2  }
0x16: {  	s25 =	simm.s32 $0xF200;
	[dreg:$0x6] =	wrdreg s26;
	s26 =	simm.s32 $0x1;
	vm15 =	vmmov $0x7fff;
	v1 =	vsel vm1, $0x1300, v1;
	v2 =	vsel vm1, $0x3300, v2  }
.LBB2_4:
0x17: {  	s1 =	rddreg [dreg:$0x5];
	s2 =	simm.s32 $0x1000;
	s4 =	simm.s32 $0x20000  }
0x18: {  	[hbm4b:s1+s2] =	stream.strided.scatter [tilespmem:s28], [sflag:$0x5], $0x4000, s4, s2, $0x38;
	[tilespmem:$0x14200] =	vst v63  }
0x19: {  	s4 =	simm.s32 $0x5  }
0x1a: {  	_ =	swait.ge [sflag:s4], $0x4000  }
0x1b: {  	s3 =	sadd.s32 $0x1, s3;
	s7 =	rddreg [dreg:$0x6]  }
0x1c: {  	p0 =	sne.s32 s3, s7  }
.Ltmp1:
0x1d: {  	_ = 	snop;
	(pc) =	sbr.rel @!p0 .LBB2_5-.Ltmp1, $3  }
0x1e: {  	_ =	sdelay $0x1  }
0x1f: {  	[sflag:s4] =	ssyncset.done $0x0  }
0x20: {  	[sflag:s4] =	ssyncadd.s32 $0xFFFFC000  }
.LBB2_1:
0x21: {  	s1 =	simm.s32 $0x0;
	s2 =	rddreg [dreg:$0x4]  }
0x22: {  	[tilespmem:s1], [sflag:$0x5] =	stream.linear.gather [hbm4b:s2+s1], $0x200, $0x38;
	[tilespmem:$0x14200] =	vst v63  }
0x23: {  	_ =	swait.ge [sflag:s4], $0x200  }
0x24: {  	[sflag:s4] =	ssyncset.done $0x0  }
0x25: {  	[sflag:s4] =	ssyncadd.s32 $0xFFFFFE00  }
0x26: {  	v4 =	vld [tilespmem:$0x0];
	_ =	sdelay $0x4  }
0x27: {  	v4 =	vnsel vm0, $0x0, v4  }
0x28: {  	v4 =	vxor.u32 $0x80000000, v4  }
0x29: {  	(xrf0) =	vmax.scan.msk.u32 $0xffff, v4;
	_ =	sdelay $0x5  }
0x2a: {  	v4, _, _ =	vpop (xrf0)  }
0x2b: {  	(v2sf) =	vpush v4, $0xF;
	_ =	sdelay $0xe  }
0x2c: {  	s7 =	spop (v2sf)  }
0x2d: {  	s1 =	sand.u32 $0x1FFFFF80, s7  }
0x2e: {  	s1 =	sadd.s32 s0, s1  }
0x2f: {  	[tilespmem:s10], [sflag:$0x1] =	stream.strided.gather [hbm4b:s1+s8], $0x1000, s9, s8, $0x38;
	[tilespmem:$0x14200] =	vst v63  }
0x30: {  	v4 =	vld [tilespmem:$0x0];
	_ =	sdelay $0x3  }
0x31: {  	vm1 =	vcmask $0x308  }
0x32: {  	v4 =	vsel vm1, $0x0, v4  }
0x33: {  	v4 =	vxor.u32 $0x80000000, v4  }
0x34: {  	(xrf0) =	vmax.scan.msk.u32 $0xffff, v4;
	_ =	sdelay $0x5  }
0x35: {  	v4, _, _ =	vpop (xrf0)  }
0x36: {  	(v2sf) =	vpush v4, $0xF;
	_ =	sdelay $0xe  }
0x37: {  	s2 =	spop (v2sf)  }
0x38: {  	s1 =	sand.u32 $0x1FFFFF80, s2  }
0x39: {  	s1 =	sadd.s32 s0, s1  }
0x3a: {  	[tilespmem:s11], [sflag:$0x2] =	stream.strided.gather [hbm4b:s1+s8], $0x1000, s9, s8, $0x38;
	[tilespmem:$0x14200] =	vst v63  }
0x3b: {  	v4 =	vld [tilespmem:$0x0];
	_ =	sdelay $0x4  }
0x3c: {  	v4 =	vsel vm2, $0x0, v4  }
0x3d: {  	v4 =	vxor.u32 $0x80000000, v4  }
0x3e: {  	(xrf0) =	vmax.scan.msk.u32 $0xffff, v4;
	_ =	sdelay $0x5  }
0x3f: {  	v4, _, _ =	vpop (xrf0)  }
0x40: {  	(v2sf) =	vpush v4, $0xF;
	_ =	sdelay $0xe  }
0x41: {  	s4 =	spop (v2sf)  }
0x42: {  	s1 =	sand.u32 $0x1FFFFF80, s4  }
0x43: {  	s1 =	sadd.s32 s0, s1  }
0x44: {  	[tilespmem:s12], [sflag:$0x3] =	stream.strided.gather [hbm4b:s1+s8], $0x1000, s9, s8, $0x38;
	[tilespmem:$0x14200] =	vst v63  }
0x45: {  	v4 =	vld [tilespmem:$0x0];
	_ =	sdelay $0x4  }
0x46: {  	v4 =	vsel vm3, $0x0, v4  }
0x47: {  	v4 =	vxor.u32 $0x80000000, v4  }
0x48: {  	(xrf0) =	vmax.scan.msk.u32 $0xffff, v4;
	_ =	sdelay $0x5  }
0x49: {  	v4, _, _ =	vpop (xrf0)  }
0x4a: {  	(v2sf) =	vpush v4, $0xF;
	_ =	sdelay $0xe  }
0x4b: {  	s5 =	spop (v2sf)  }
0x4c: {  	s1 =	sand.u32 $0x1FFFFF80, s5  }
0x4d: {  	s1 =	sadd.s32 s0, s1  }
0x4e: {  	[tilespmem:s13], [sflag:$0x4] =	stream.strided.gather [hbm4b:s1+s8], $0x1000, s9, s8, $0x38;
	[tilespmem:$0x14200] =	vst v63  }
0x4f: {  	v4 =	vld [tilespmem:$0x0];
	_ =	sdelay $0x4  }
0x50: {  	v4 =	vsel vm4, $0x0, v4  }
0x51: {  	v4 =	vxor.u32 $0x80000000, v4  }
0x52: {  	(xrf0) =	vmax.scan.msk.u32 $0xffff, v4;
	_ =	sdelay $0x5  }
0x53: {  	v4, _, _ =	vpop (xrf0)  }
0x54: {  	(v2sf) =	vpush v4, $0xF;
	_ =	sdelay $0xe  }
0x55: {  	s6 =	spop (v2sf)  }
0x56: {  	s1 =	sand.u32 $0x1FFFFF80, s6  }
0x57: {  	s1 =	sadd.s32 s0, s1  }
0x58: {  	[tilespmem:s14], [sflag:$0x1] =	stream.strided.gather [hbm4b:s1+s8], $0x1000, s9, s8, $0x38;
	[tilespmem:$0x14200] =	vst v63  }
0x59: {  	v4 =	vld [tilespmem:$0x0];
	_ =	sdelay $0x4  }
0x5a: {  	v4 =	vsel vm5, $0x0, v4  }
0x5b: {  	v4 =	vxor.u32 $0x80000000, v4  }
0x5c: {  	(xrf0) =	vmax.scan.msk.u32 $0xffff, v4;
	_ =	sdelay $0x5  }
0x5d: {  	v4, _, _ =	vpop (xrf0)  }
0x5e: {  	(v2sf) =	vpush v4, $0xF;
	_ =	sdelay $0xe  }
0x5f: {  	s7 =	spop (v2sf)  }
0x60: {  	s1 =	sand.u32 $0x1FFFFF80, s7  }
0x61: {  	s1 =	sadd.s32 s0, s1  }
0x62: {  	[tilespmem:s15], [sflag:$0x2] =	stream.strided.gather [hbm4b:s1+s8], $0x1000, s9, s8, $0x38;
	[tilespmem:$0x14200] =	vst v63  }
0x63: {  	v4 =	vld [tilespmem:$0x0];
	_ =	sdelay $0x4  }
0x64: {  	v4 =	vsel vm6, $0x0, v4  }
0x65: {  	v4 =	vxor.u32 $0x80000000, v4  }
0x66: {  	(xrf0) =	vmax.scan.msk.u32 $0xffff, v4;
	_ =	sdelay $0x5  }
0x67: {  	v4, _, _ =	vpop (xrf0)  }
0x68: {  	(v2sf) =	vpush v4, $0xF;
	_ =	sdelay $0xe  }
0x69: {  	s2 =	spop (v2sf)  }
0x6a: {  	s1 =	sand.u32 $0x1FFFFF80, s2  }
0x6b: {  	s1 =	sadd.s32 s0, s1  }
0x6c: {  	[tilespmem:s16], [sflag:$0x3] =	stream.strided.gather [hbm4b:s1+s8], $0x1000, s9, s8, $0x38;
	[tilespmem:$0x14200] =	vst v63  }
0x6d: {  	v4 =	vld [tilespmem:$0x0];
	_ =	sdelay $0x4  }
0x6e: {  	v4 =	vsel vm7, $0x0, v4  }
0x6f: {  	v4 =	vxor.u32 $0x80000000, v4  }
0x70: {  	(xrf0) =	vmax.scan.msk.u32 $0xffff, v4;
	_ =	sdelay $0x5  }
0x71: {  	v4, _, _ =	vpop (xrf0)  }
0x72: {  	(v2sf) =	vpush v4, $0xF;
	_ =	sdelay $0xe  }
0x73: {  	s4 =	spop (v2sf)  }
0x74: {  	s1 =	sand.u32 $0x1FFFFF80, s4  }
0x75: {  	s1 =	sadd.s32 s0, s1  }
0x76: {  	[tilespmem:s17], [sflag:$0x4] =	stream.strided.gather [hbm4b:s1+s8], $0x1000, s9, s8, $0x38;
	[tilespmem:$0x14200] =	vst v63  }
0x77: {  	v4 =	vld [tilespmem:$0x0];
	_ =	sdelay $0x4  }
0x78: {  	v4 =	vsel vm8, $0x0, v4  }
0x79: {  	v4 =	vxor.u32 $0x80000000, v4  }
0x7a: {  	(xrf0) =	vmax.scan.msk.u32 $0xffff, v4;
	_ =	sdelay $0x5  }
0x7b: {  	v4, _, _ =	vpop (xrf0)  }
0x7c: {  	(v2sf) =	vpush v4, $0xF;
	_ =	sdelay $0xe  }
0x7d: {  	s5 =	spop (v2sf)  }
0x7e: {  	s1 =	sand.u32 $0x1FFFFF80, s5  }
0x7f: {  	s1 =	sadd.s32 s0, s1  }
0x80: {  	[tilespmem:s18], [sflag:$0x1] =	stream.strided.gather [hbm4b:s1+s8], $0x1000, s9, s8, $0x38;
	[tilespmem:$0x14200] =	vst v63  }
0x81: {  	v4 =	vld [tilespmem:$0x0];
	_ =	sdelay $0x4  }
0x82: {  	v4 =	vsel vm9, $0x0, v4  }
0x83: {  	v4 =	vxor.u32 $0x80000000, v4  }
0x84: {  	(xrf0) =	vmax.scan.msk.u32 $0xffff, v4;
	_ =	sdelay $0x5  }
0x85: {  	v4, _, _ =	vpop (xrf0)  }
0x86: {  	(v2sf) =	vpush v4, $0xF;
	_ =	sdelay $0xe  }
0x87: {  	s6 =	spop (v2sf)  }
0x88: {  	s1 =	sand.u32 $0x1FFFFF80, s6  }
0x89: {  	s1 =	sadd.s32 s0, s1  }
0x8a: {  	[tilespmem:s19], [sflag:$0x2] =	stream.strided.gather [hbm4b:s1+s8], $0x1000, s9, s8, $0x38;
	[tilespmem:$0x14200] =	vst v63  }
0x8b: {  	v4 =	vld [tilespmem:$0x0];
	_ =	sdelay $0x4  }
0x8c: {  	v4 =	vsel vm10, $0x0, v4  }
0x8d: {  	v4 =	vxor.u32 $0x80000000, v4  }
0x8e: {  	(xrf0) =	vmax.scan.msk.u32 $0xffff, v4;
	_ =	sdelay $0x5  }
0x8f: {  	v4, _, _ =	vpop (xrf0)  }
0x90: {  	(v2sf) =	vpush v4, $0xF;
	_ =	sdelay $0xe  }
0x91: {  	s7 =	spop (v2sf)  }
0x92: {  	s1 =	sand.u32 $0x1FFFFF80, s7  }
0x93: {  	s1 =	sadd.s32 s0, s1  }
0x94: {  	[tilespmem:s20], [sflag:$0x3] =	stream.strided.gather [hbm4b:s1+s8], $0x1000, s9, s8, $0x38;
	[tilespmem:$0x14200] =	vst v63  }
0x95: {  	v4 =	vld [tilespmem:$0x0];
	_ =	sdelay $0x4  }
0x96: {  	v4 =	vsel vm11, $0x0, v4  }
0x97: {  	v4 =	vxor.u32 $0x80000000, v4  }
0x98: {  	(xrf0) =	vmax.scan.msk.u32 $0xffff, v4;
	_ =	sdelay $0x5  }
0x99: {  	v4, _, _ =	vpop (xrf0)  }
0x9a: {  	(v2sf) =	vpush v4, $0xF;
	_ =	sdelay $0xe  }
0x9b: {  	s2 =	spop (v2sf)  }
0x9c: {  	s1 =	sand.u32 $0x1FFFFF80, s2  }
0x9d: {  	s1 =	sadd.s32 s0, s1  }
0x9e: {  	[tilespmem:s21], [sflag:$0x4] =	stream.strided.gather [hbm4b:s1+s8], $0x1000, s9, s8, $0x38;
	[tilespmem:$0x14200] =	vst v63  }
0x9f: {  	v4 =	vld [tilespmem:$0x0];
	_ =	sdelay $0x4  }
0xa0: {  	v4 =	vsel vm12, $0x0, v4  }
0xa1: {  	v4 =	vxor.u32 $0x80000000, v4  }
0xa2: {  	(xrf0) =	vmax.scan.msk.u32 $0xffff, v4;
	_ =	sdelay $0x5  }
0xa3: {  	v4, _, _ =	vpop (xrf0)  }
0xa4: {  	(v2sf) =	vpush v4, $0xF;
	_ =	sdelay $0xe  }
0xa5: {  	s4 =	spop (v2sf)  }
0xa6: {  	s1 =	sand.u32 $0x1FFFFF80, s4  }
0xa7: {  	s1 =	sadd.s32 s0, s1  }
0xa8: {  	[tilespmem:s22], [sflag:$0x1] =	stream.strided.gather [hbm4b:s1+s8], $0x1000, s9, s8, $0x38;
	[tilespmem:$0x14200] =	vst v63  }
0xa9: {  	v4 =	vld [tilespmem:$0x0];
	_ =	sdelay $0x4  }
0xaa: {  	v4 =	vsel vm13, $0x0, v4  }
0xab: {  	v4 =	vxor.u32 $0x80000000, v4  }
0xac: {  	(xrf0) =	vmax.scan.msk.u32 $0xffff, v4;
	_ =	sdelay $0x5  }
0xad: {  	v4, _, _ =	vpop (xrf0)  }
0xae: {  	(v2sf) =	vpush v4, $0xF;
	_ =	sdelay $0xe  }
0xaf: {  	s5 =	spop (v2sf)  }
0xb0: {  	s1 =	sand.u32 $0x1FFFFF80, s5  }
0xb1: {  	s1 =	sadd.s32 s0, s1  }
0xb2: {  	[tilespmem:s23], [sflag:$0x2] =	stream.strided.gather [hbm4b:s1+s8], $0x1000, s9, s8, $0x38;
	[tilespmem:$0x14200] =	vst v63  }
0xb3: {  	v4 =	vld [tilespmem:$0x0];
	_ =	sdelay $0x4  }
0xb4: {  	v4 =	vsel vm14, $0x0, v4  }
0xb5: {  	v4 =	vxor.u32 $0x80000000, v4  }
0xb6: {  	(xrf0) =	vmax.scan.msk.u32 $0xffff, v4;
	_ =	sdelay $0x5  }
0xb7: {  	v4, _, _ =	vpop (xrf0)  }
0xb8: {  	(v2sf) =	vpush v4, $0xF;
	_ =	sdelay $0xe  }
0xb9: {  	s6 =	spop (v2sf)  }
0xba: {  	s1 =	sand.u32 $0x1FFFFF80, s6  }
0xbb: {  	s1 =	sadd.s32 s0, s1  }
0xbc: {  	[tilespmem:s24], [sflag:$0x3] =	stream.strided.gather [hbm4b:s1+s8], $0x1000, s9, s8, $0x38;
	[tilespmem:$0x14200] =	vst v63  }
0xbd: {  	v4 =	vld [tilespmem:$0x0];
	_ =	sdelay $0x4  }
0xbe: {  	v4 =	vsel vm15, $0x0, v4  }
0xbf: {  	v4 =	vxor.u32 $0x80000000, v4  }
0xc0: {  	(xrf0) =	vmax.scan.msk.u32 $0xffff, v4;
	_ =	sdelay $0x5  }
0xc1: {  	v4, _, _ =	vpop (xrf0)  }
0xc2: {  	(v2sf) =	vpush v4, $0xF;
	_ =	sdelay $0xe  }
0xc3: {  	s7 =	spop (v2sf)  }
0xc4: {  	s1 =	sand.u32 $0x1FFFFF80, s7  }
0xc5: {  	s1 =	sadd.s32 s0, s1  }
0xc6: {  	[tilespmem:s25], [sflag:$0x4] =	stream.strided.gather [hbm4b:s1+s8], $0x1000, s9, s8, $0x38;
	[tilespmem:$0x14200] =	vst v63  }
0xc7: {  	s2 =	simm.s32 $0x10;
	s1 =	simm.s32 $0xF  }
.LBB2_2:
0xc8: {  	_ =	swait.ge [sflag:s26], $0x1000  }
0xc9: {  	[sflag:s26] =	ssyncset.done $0x0  }
0xca: {  	[sflag:s26] =	ssyncadd.s32 $0xFFFFF000  }
0xcb: {  	v4 =	vld [tilespmem:s2+$0xFFFFFFF0];
	_ =	sdelay $0x4  }
0xcc: {  	v4 =	vnsel vm0, $0x0, v4  }
0xcd: {  	v4 =	vxor.u32 $0x80000000, v4  }
0xce: {  	(xrf0) =	vmax.scan.msk.u32 $0xffff, v4;
	_ =	sdelay $0x5  }
0xcf: {  	v4, _, _ =	vpop (xrf0)  }
0xd0: {  	(v2sf) =	vpush v4, $0xF;
	_ =	sdelay $0xe  }
0xd1: {  	s4 =	spop (v2sf)  }
0xd2: {  	s4 =	sand.u32 $0x7F, s4  }
0xd3: {  	s5 =	sadd.s32 $0xFFFFFFF1, s1;
	v4 =	vor.u32 s4, v0  }
0xd4: {  	v5 =	vmov s5  }
0xd5: {  	v6 =	vshll.u32 v5, $0x3  }
0xd6: {  	v5 =	vand.u32 $0x70, v5;
	v6 =	vand.u32 $0xC00, v6  }
0xd7: {  	v5 =	vor.u32 v5, v6  }
0xd8: {  	v6 =	vor.u32 v1, v5;
	v4 =	vld.idx.msk [tilespmem:v4+s10+$0x0], $0xffff  }
0xd9: {  	v7 =	vor.u32 s4, v3;
	_ =	sdelay $0x3  }
0xda: {  	[tilespmem:v6+s28+$0x0] =	vst.idx.msk $0xffff, v4  }
0xdb: {  	v5 =	vor.u32 v2, v5;
	v4 =	vld.idx.msk [tilespmem:v7+s10+$0x0], $0xffff;
	_ =	sdelay $0x4  }
0xdc: {  	p0 =	seq.s32 s1, $0x1FF;
	[tilespmem:v5+s28+$0x0] =	vst.idx.msk $0xffff, v4  }
0xdd: {  	v4 =	vld @!p0 [tilespmem:s2+$0x0];
	_ =	sdelay $0x3  }
0xde: {  	vm1 =	vmmov @!p0 $0x1  }
0xdf: {  	v4 =	vnsel @!p0 vm1, $0x0, v4  }
0xe0: {  	v4 =	vxor.u32 @!p0 $0x80000000, v4  }
0xe1: {  	(xrf0) =	vmax.scan.msk.u32 @!p0 $0xffff, v4;
	_ =	sdelay $0x5  }
0xe2: {  	v4, _, _ =	vpop @!p0 (xrf0)  }
0xe3: {  	(v2sf) =	vpush @!p0 v4, $0xF;
	_ =	sdelay $0xe  }
0xe4: {  	s4 =	spop @!p0 (v2sf)  }
0xe5: {  	s5 =	simm.s32 @!p0 $0x7A1400;
	s4 =	sand.u32 @!p0 $0x1FFFFF80, s4  }
0xe6: {  	s7 =	simm.s32 @!p0 $0x200;
	s6 =	sadd.s32 @!p0 s0, s4;
	s4 =	simm.s32 @!p0 $0x400  }
0xe7: {  	[tilespmem:s7], [sflag:$0x1] =	stream.strided.gather @!p0 [hbm4b:s6+s4], $0x1000, s5, s4, $0x38;
	[tilespmem:$0x14200] =	vst v63  }
0xe8: {  	_ =	swait.ge [sflag:s29], $0x1000  }
0xe9: {  	[sflag:s29] =	ssyncset.done $0x0  }
0xea: {  	[sflag:s29] =	ssyncadd.s32 $0xFFFFF000  }
0xeb: {  	v4 =	vld [tilespmem:s2+$0xFFFFFFF0];
	_ =	sdelay $0x3  }
0xec: {  	vm1 =	vcmask $0x308  }
0xed: {  	v4 =	vsel vm1, $0x0, v4  }
0xee: {  	v4 =	vxor.u32 $0x80000000, v4  }
0xef: {  	(xrf0) =	vmax.scan.msk.u32 $0xffff, v4;
	_ =	sdelay $0x5  }
0xf0: {  	v4, _, _ =	vpop (xrf0)  }
0xf1: {  	(v2sf) =	vpush v4, $0xF;
	_ =	sdelay $0xe  }
0xf2: {  	s7 =	spop (v2sf)  }
0xf3: {  	s6 =	sand.u32 $0x7F, s7  }
0xf4: {  	s7 =	sadd.s32 $0xFFFFFFF2, s1;
	v4 =	vor.u32 s6, v0  }
0xf5: {  	v5 =	vmov s7  }
0xf6: {  	v34 =	vshll.u32 v5, $0x3  }
0xf7: {  	v5 =	vand.u32 $0x71, v5;
	v6 =	vand.u32 $0xC00, v34  }
0xf8: {  	v5 =	vor.u32 v5, v6  }
0xf9: {  	v6 =	vor.u32 v1, v5;
	v4 =	vld.idx.msk [tilespmem:v4+s11+$0x0], $0xffff  }
0xfa: {  	v35 =	vor.u32 s6, v3;
	_ =	sdelay $0x3  }
0xfb: {  	[tilespmem:v6+s28+$0x0] =	vst.idx.msk $0xffff, v4  }
0xfc: {  	v5 =	vor.u32 v2, v5;
	v4 =	vld.idx.msk [tilespmem:v35+s11+$0x0], $0xffff;
	_ =	sdelay $0x4  }
0xfd: {  	[tilespmem:v5+s28+$0x0] =	vst.idx.msk $0xffff, v4  }
0xfe: {  	v4 =	vld @!p0 [tilespmem:s2+$0x0];
	_ =	sdelay $0x3  }
0xff: {  	vm1 =	vcmask @!p0 $0x308  }
0x100: {  	v4 =	vsel @!p0 vm1, $0x0, v4  }
0x101: {  	v4 =	vxor.u32 @!p0 $0x80000000, v4  }
0x102: {  	(xrf0) =	vmax.scan.msk.u32 @!p0 $0xffff, v4;
	_ =	sdelay $0x5  }
0x103: {  	v4, _, _ =	vpop @!p0 (xrf0)  }
0x104: {  	(v2sf) =	vpush @!p0 v4, $0xF;
	_ =	sdelay $0xe  }
0x105: {  	s6 =	spop @!p0 (v2sf)  }
0x106: {  	s6 =	sand.u32 @!p0 $0x1FFFFF80, s6  }
0x107: {  	s7 =	simm.s32 @!p0 $0x1200;
	s6 =	sadd.s32 @!p0 s0, s6  }
0x108: {  	[tilespmem:s7], [sflag:$0x2] =	stream.strided.gather @!p0 [hbm4b:s6+s4], $0x1000, s5, s4, $0x38;
	[tilespmem:$0x14200] =	vst v63  }
0x109: {  	_ =	swait.ge [sflag:s30], $0x1000  }
0x10a: {  	[sflag:s30] =	ssyncset.done $0x0  }
0x10b: {  	[sflag:s30] =	ssyncadd.s32 $0xFFFFF000  }
0x10c: {  	v4 =	vld [tilespmem:s2+$0xFFFFFFF0];
	_ =	sdelay $0x4  }
0x10d: {  	v4 =	vsel vm2, $0x0, v4  }
0x10e: {  	v4 =	vxor.u32 $0x80000000, v4  }
0x10f: {  	(xrf0) =	vmax.scan.msk.u32 $0xffff, v4;
	_ =	sdelay $0x5  }
0x110: {  	v4, _, _ =	vpop (xrf0)  }
0x111: {  	(v2sf) =	vpush v4, $0xF;
	_ =	sdelay $0xe  }
0x112: {  	s7 =	spop (v2sf)  }
0x113: {  	s6 =	sand.u32 $0x7F, s7  }
0x114: {  	s7 =	sadd.s32 $0xFFFFFFF3, s1;
	v4 =	vor.u32 s6, v0  }
0x115: {  	v5 =	vmov s7  }
0x116: {  	v36 =	vshll.u32 v5, $0x3  }
0x117: {  	v5 =	vand.u32 $0x72, v5;
	v6 =	vand.u32 $0xC00, v36  }
0x118: {  	v5 =	vor.u32 v5, v6  }
0x119: {  	v6 =	vor.u32 v1, v5;
	v4 =	vld.idx.msk [tilespmem:v4+s12+$0x0], $0xffff  }
0x11a: {  	v37 =	vor.u32 s6, v3;
	_ =	sdelay $0x3  }
0x11b: {  	[tilespmem:v6+s28+$0x0] =	vst.idx.msk $0xffff, v4  }
0x11c: {  	v5 =	vor.u32 v2, v5;
	v4 =	vld.idx.msk [tilespmem:v37+s12+$0x0], $0xffff;
	_ =	sdelay $0x4  }
0x11d: {  	[tilespmem:v5+s28+$0x0] =	vst.idx.msk $0xffff, v4  }
0x11e: {  	v4 =	vld @!p0 [tilespmem:s2+$0x0];
	_ =	sdelay $0x3  }
0x11f: {  	vm1 =	vcmask @!p0 $0x70C  }
0x120: {  	v4 =	vsel @!p0 vm1, $0x0, v4  }
0x121: {  	v4 =	vxor.u32 @!p0 $0x80000000, v4  }
0x122: {  	(xrf0) =	vmax.scan.msk.u32 @!p0 $0xffff, v4;
	_ =	sdelay $0x5  }
0x123: {  	v4, _, _ =	vpop @!p0 (xrf0)  }
0x124: {  	(v2sf) =	vpush @!p0 v4, $0xF;
	_ =	sdelay $0xe  }
0x125: {  	s6 =	spop @!p0 (v2sf)  }
0x126: {  	s6 =	sand.u32 @!p0 $0x1FFFFF80, s6  }
0x127: {  	s7 =	simm.s32 @!p0 $0x2200;
	s6 =	sadd.s32 @!p0 s0, s6  }
0x128: {  	[tilespmem:s7], [sflag:$0x3] =	stream.strided.gather @!p0 [hbm4b:s6+s4], $0x1000, s5, s4, $0x38;
	[tilespmem:$0x14200] =	vst v63  }
0x129: {  	_ =	swait.ge [sflag:s31], $0x1000  }
0x12a: {  	[sflag:s31] =	ssyncset.done $0x0  }
0x12b: {  	[sflag:s31] =	ssyncadd.s32 $0xFFFFF000  }
0x12c: {  	v4 =	vld [tilespmem:s2+$0xFFFFFFF0];
	_ =	sdelay $0x4  }
0x12d: {  	v4 =	vsel vm3, $0x0, v4  }
0x12e: {  	v4 =	vxor.u32 $0x80000000, v4  }
0x12f: {  	(xrf0) =	vmax.scan.msk.u32 $0xffff, v4;
	_ =	sdelay $0x5  }
0x130: {  	v4, _, _ =	vpop (xrf0)  }
0x131: {  	(v2sf) =	vpush v4, $0xF;
	_ =	sdelay $0xe  }
0x132: {  	s7 =	spop (v2sf)  }
0x133: {  	s6 =	sand.u32 $0x7F, s7  }
0x134: {  	s7 =	sadd.s32 $0xFFFFFFF4, s1;
	v4 =	vor.u32 s6, v0  }
0x135: {  	v5 =	vmov s7  }
0x136: {  	v38 =	vshll.u32 v5, $0x3  }
0x137: {  	v5 =	vand.u32 $0x73, v5;
	v6 =	vand.u32 $0xC00, v38  }
0x138: {  	v5 =	vor.u32 v5, v6  }
0x139: {  	v6 =	vor.u32 v1, v5;
	v4 =	vld.idx.msk [tilespmem:v4+s13+$0x0], $0xffff  }
0x13a: {  	v39 =	vor.u32 s6, v3;
	_ =	sdelay $0x3  }
0x13b: {  	[tilespmem:v6+s28+$0x0] =	vst.idx.msk $0xffff, v4  }
0x13c: {  	v5 =	vor.u32 v2, v5;
	v4 =	vld.idx.msk [tilespmem:v39+s13+$0x0], $0xffff;
	_ =	sdelay $0x4  }
0x13d: {  	[tilespmem:v5+s28+$0x0] =	vst.idx.msk $0xffff, v4  }
0x13e: {  	v4 =	vld @!p0 [tilespmem:s2+$0x0];
	_ =	sdelay $0x3  }
0x13f: {  	vm1 =	vcmask @!p0 $0xB10  }
0x140: {  	v4 =	vsel @!p0 vm1, $0x0, v4  }
0x141: {  	v4 =	vxor.u32 @!p0 $0x80000000, v4  }
0x142: {  	(xrf0) =	vmax.scan.msk.u32 @!p0 $0xffff, v4;
	_ =	sdelay $0x5  }
0x143: {  	v4, _, _ =	vpop @!p0 (xrf0)  }
0x144: {  	(v2sf) =	vpush @!p0 v4, $0xF;
	_ =	sdelay $0xe  }
0x145: {  	s6 =	spop @!p0 (v2sf)  }
0x146: {  	s6 =	sand.u32 @!p0 $0x1FFFFF80, s6  }
0x147: {  	s7 =	simm.s32 @!p0 $0x3200;
	s6 =	sadd.s32 @!p0 s0, s6  }
0x148: {  	[tilespmem:s7], [sflag:$0x4] =	stream.strided.gather @!p0 [hbm4b:s6+s4], $0x1000, s5, s4, $0x38;
	[tilespmem:$0x14200] =	vst v63  }
0x149: {  	_ =	swait.ge [sflag:s26], $0x1000  }
0x14a: {  	[sflag:s26] =	ssyncset.done $0x0  }
0x14b: {  	[sflag:s26] =	ssyncadd.s32 $0xFFFFF000  }
0x14c: {  	v4 =	vld [tilespmem:s2+$0xFFFFFFF0];
	_ =	sdelay $0x4  }
0x14d: {  	v4 =	vsel vm4, $0x0, v4  }
0x14e: {  	v4 =	vxor.u32 $0x80000000, v4  }
0x14f: {  	(xrf0) =	vmax.scan.msk.u32 $0xffff, v4;
	_ =	sdelay $0x5  }
0x150: {  	v4, _, _ =	vpop (xrf0)  }
0x151: {  	(v2sf) =	vpush v4, $0xF;
	_ =	sdelay $0xe  }
0x152: {  	s7 =	spop (v2sf)  }
0x153: {  	s6 =	sand.u32 $0x7F, s7  }
0x154: {  	s7 =	sadd.s32 $0xFFFFFFF5, s1;
	v4 =	vor.u32 s6, v0  }
0x155: {  	v5 =	vmov s7  }
0x156: {  	v40 =	vshll.u32 v5, $0x3  }
0x157: {  	v5 =	vand.u32 $0x74, v5;
	v6 =	vand.u32 $0xC00, v40  }
0x158: {  	v5 =	vor.u32 v5, v6  }
0x159: {  	v6 =	vor.u32 v1, v5;
	v4 =	vld.idx.msk [tilespmem:v4+s14+$0x0], $0xffff  }
0x15a: {  	v41 =	vor.u32 s6, v3;
	_ =	sdelay $0x3  }
0x15b: {  	[tilespmem:v6+s28+$0x0] =	vst.idx.msk $0xffff, v4  }
0x15c: {  	v5 =	vor.u32 v2, v5;
	v4 =	vld.idx.msk [tilespmem:v41+s14+$0x0], $0xffff;
	_ =	sdelay $0x4  }
0x15d: {  	[tilespmem:v5+s28+$0x0] =	vst.idx.msk $0xffff, v4  }
0x15e: {  	v4 =	vld @!p0 [tilespmem:s2+$0x0];
	_ =	sdelay $0x3  }
0x15f: {  	vm1 =	vcmask @!p0 $0xF14  }
0x160: {  	v4 =	vsel @!p0 vm1, $0x0, v4  }
0x161: {  	v4 =	vxor.u32 @!p0 $0x80000000, v4  }
0x162: {  	(xrf0) =	vmax.scan.msk.u32 @!p0 $0xffff, v4;
	_ =	sdelay $0x5  }
0x163: {  	v4, _, _ =	vpop @!p0 (xrf0)  }
0x164: {  	(v2sf) =	vpush @!p0 v4, $0xF;
	_ =	sdelay $0xe  }
0x165: {  	s6 =	spop @!p0 (v2sf)  }
0x166: {  	s6 =	sand.u32 @!p0 $0x1FFFFF80, s6  }
0x167: {  	s7 =	simm.s32 @!p0 $0x4200;
	s6 =	sadd.s32 @!p0 s0, s6  }
0x168: {  	[tilespmem:s7], [sflag:$0x1] =	stream.strided.gather @!p0 [hbm4b:s6+s4], $0x1000, s5, s4, $0x38;
	[tilespmem:$0x14200] =	vst v63  }
0x169: {  	_ =	swait.ge [sflag:s29], $0x1000  }
0x16a: {  	[sflag:s29] =	ssyncset.done $0x0  }
0x16b: {  	[sflag:s29] =	ssyncadd.s32 $0xFFFFF000  }
0x16c: {  	v4 =	vld [tilespmem:s2+$0xFFFFFFF0];
	_ =	sdelay $0x4  }
0x16d: {  	v4 =	vsel vm5, $0x0, v4  }
0x16e: {  	v4 =	vxor.u32 $0x80000000, v4  }
0x16f: {  	(xrf0) =	vmax.scan.msk.u32 $0xffff, v4;
	_ =	sdelay $0x5  }
0x170: {  	v4, _, _ =	vpop (xrf0)  }
0x171: {  	(v2sf) =	vpush v4, $0xF;
	_ =	sdelay $0xe  }
0x172: {  	s7 =	spop (v2sf)  }
0x173: {  	s6 =	sand.u32 $0x7F, s7  }
0x174: {  	s7 =	sadd.s32 $0xFFFFFFF6, s1;
	v4 =	vor.u32 s6, v0  }
0x175: {  	v5 =	vmov s7  }
0x176: {  	v42 =	vshll.u32 v5, $0x3  }
0x177: {  	v5 =	vand.u32 $0x75, v5;
	v6 =	vand.u32 $0xC00, v42  }
0x178: {  	v5 =	vor.u32 v5, v6  }
0x179: {  	v6 =	vor.u32 v1, v5;
	v4 =	vld.idx.msk [tilespmem:v4+s15+$0x0], $0xffff  }
0x17a: {  	v43 =	vor.u32 s6, v3;
	_ =	sdelay $0x3  }
0x17b: {  	[tilespmem:v6+s28+$0x0] =	vst.idx.msk $0xffff, v4  }
0x17c: {  	v5 =	vor.u32 v2, v5;
	v4 =	vld.idx.msk [tilespmem:v43+s15+$0x0], $0xffff;
	_ =	sdelay $0x4  }
0x17d: {  	[tilespmem:v5+s28+$0x0] =	vst.idx.msk $0xffff, v4  }
0x17e: {  	v4 =	vld @!p0 [tilespmem:s2+$0x0];
	_ =	sdelay $0x3  }
0x17f: {  	vm1 =	vcmask @!p0 $0x1318  }
0x180: {  	v4 =	vsel @!p0 vm1, $0x0, v4  }
0x181: {  	v4 =	vxor.u32 @!p0 $0x80000000, v4  }
0x182: {  	(xrf0) =	vmax.scan.msk.u32 @!p0 $0xffff, v4;
	_ =	sdelay $0x5  }
0x183: {  	v4, _, _ =	vpop @!p0 (xrf0)  }
0x184: {  	(v2sf) =	vpush @!p0 v4, $0xF;
	_ =	sdelay $0xe  }
0x185: {  	s6 =	spop @!p0 (v2sf)  }
0x186: {  	s6 =	sand.u32 @!p0 $0x1FFFFF80, s6  }
0x187: {  	s7 =	simm.s32 @!p0 $0x5200;
	s6 =	sadd.s32 @!p0 s0, s6  }
0x188: {  	[tilespmem:s7], [sflag:$0x2] =	stream.strided.gather @!p0 [hbm4b:s6+s4], $0x1000, s5, s4, $0x38;
	[tilespmem:$0x14200] =	vst v63  }
0x189: {  	_ =	swait.ge [sflag:s30], $0x1000  }
0x18a: {  	[sflag:s30] =	ssyncset.done $0x0  }
0x18b: {  	[sflag:s30] =	ssyncadd.s32 $0xFFFFF000  }
0x18c: {  	v4 =	vld [tilespmem:s2+$0xFFFFFFF0];
	_ =	sdelay $0x4  }
0x18d: {  	v4 =	vsel vm6, $0x0, v4  }
0x18e: {  	v4 =	vxor.u32 $0x80000000, v4  }
0x18f: {  	(xrf0) =	vmax.scan.msk.u32 $0xffff, v4;
	_ =	sdelay $0x5  }
0x190: {  	v4, _, _ =	vpop (xrf0)  }
0x191: {  	(v2sf) =	vpush v4, $0xF;
	_ =	sdelay $0xe  }
0x192: {  	s7 =	spop (v2sf)  }
0x193: {  	s6 =	sand.u32 $0x7F, s7  }
0x194: {  	s7 =	sadd.s32 $0xFFFFFFF7, s1;
	v4 =	vor.u32 s6, v0  }
0x195: {  	v5 =	vmov s7  }
0x196: {  	v44 =	vshll.u32 v5, $0x3  }
0x197: {  	v5 =	vand.u32 $0x76, v5;
	v6 =	vand.u32 $0xC00, v44  }
0x198: {  	v5 =	vor.u32 v5, v6  }
0x199: {  	v6 =	vor.u32 v1, v5;
	v4 =	vld.idx.msk [tilespmem:v4+s16+$0x0], $0xffff  }
0x19a: {  	v45 =	vor.u32 s6, v3;
	_ =	sdelay $0x3  }
0x19b: {  	[tilespmem:v6+s28+$0x0] =	vst.idx.msk $0xffff, v4  }
0x19c: {  	v5 =	vor.u32 v2, v5;
	v4 =	vld.idx.msk [tilespmem:v45+s16+$0x0], $0xffff;
	_ =	sdelay $0x4  }
0x19d: {  	[tilespmem:v5+s28+$0x0] =	vst.idx.msk $0xffff, v4  }
0x19e: {  	v4 =	vld @!p0 [tilespmem:s2+$0x0];
	_ =	sdelay $0x3  }
0x19f: {  	vm1 =	vcmask @!p0 $0x171C  }
0x1a0: {  	v4 =	vsel @!p0 vm1, $0x0, v4  }
0x1a1: {  	v4 =	vxor.u32 @!p0 $0x80000000, v4  }
0x1a2: {  	(xrf0) =	vmax.scan.msk.u32 @!p0 $0xffff, v4;
	_ =	sdelay $0x5  }
0x1a3: {  	v4, _, _ =	vpop @!p0 (xrf0)  }
0x1a4: {  	(v2sf) =	vpush @!p0 v4, $0xF;
	_ =	sdelay $0xe  }
0x1a5: {  	s6 =	spop @!p0 (v2sf)  }
0x1a6: {  	s6 =	sand.u32 @!p0 $0x1FFFFF80, s6  }
0x1a7: {  	s7 =	simm.s32 @!p0 $0x6200;
	s6 =	sadd.s32 @!p0 s0, s6  }
0x1a8: {  	[tilespmem:s7], [sflag:$0x3] =	stream.strided.gather @!p0 [hbm4b:s6+s4], $0x1000, s5, s4, $0x38;
	[tilespmem:$0x14200] =	vst v63  }
0x1a9: {  	_ =	swait.ge [sflag:s31], $0x1000  }
0x1aa: {  	[sflag:s31] =	ssyncset.done $0x0  }
0x1ab: {  	[sflag:s31] =	ssyncadd.s32 $0xFFFFF000  }
0x1ac: {  	v4 =	vld [tilespmem:s2+$0xFFFFFFF0];
	_ =	sdelay $0x4  }
0x1ad: {  	v4 =	vsel vm7, $0x0, v4  }
0x1ae: {  	v4 =	vxor.u32 $0x80000000, v4  }
0x1af: {  	(xrf0) =	vmax.scan.msk.u32 $0xffff, v4;
	_ =	sdelay $0x5  }
0x1b0: {  	v4, _, _ =	vpop (xrf0)  }
0x1b1: {  	(v2sf) =	vpush v4, $0xF;
	_ =	sdelay $0xe  }
0x1b2: {  	s7 =	spop (v2sf)  }
0x1b3: {  	s6 =	sand.u32 $0x7F, s7  }
0x1b4: {  	s7 =	sadd.s32 $0xFFFFFFF8, s1;
	v4 =	vor.u32 s6, v0  }
0x1b5: {  	v5 =	vmov s7  }
0x1b6: {  	v46 =	vshll.u32 v5, $0x3  }
0x1b7: {  	v5 =	vand.u32 $0x77, v5;
	v6 =	vand.u32 $0xC00, v46  }
0x1b8: {  	v5 =	vor.u32 v5, v6  }
0x1b9: {  	v6 =	vor.u32 v1, v5;
	v4 =	vld.idx.msk [tilespmem:v4+s17+$0x0], $0xffff  }
0x1ba: {  	v47 =	vor.u32 s6, v3;
	_ =	sdelay $0x3  }
0x1bb: {  	[tilespmem:v6+s28+$0x0] =	vst.idx.msk $0xffff, v4  }
0x1bc: {  	v5 =	vor.u32 v2, v5;
	v4 =	vld.idx.msk [tilespmem:v47+s17+$0x0], $0xffff;
	_ =	sdelay $0x4  }
0x1bd: {  	[tilespmem:v5+s28+$0x0] =	vst.idx.msk $0xffff, v4  }
0x1be: {  	v4 =	vld @!p0 [tilespmem:s2+$0x0];
	_ =	sdelay $0x3  }
0x1bf: {  	vm1 =	vcmask @!p0 $0x1B20  }
0x1c0: {  	v4 =	vsel @!p0 vm1, $0x0, v4  }
0x1c1: {  	v4 =	vxor.u32 @!p0 $0x80000000, v4  }
0x1c2: {  	(xrf0) =	vmax.scan.msk.u32 @!p0 $0xffff, v4;
	_ =	sdelay $0x5  }
0x1c3: {  	v4, _, _ =	vpop @!p0 (xrf0)  }
0x1c4: {  	(v2sf) =	vpush @!p0 v4, $0xF;
	_ =	sdelay $0xe  }
0x1c5: {  	s6 =	spop @!p0 (v2sf)  }
0x1c6: {  	s6 =	sand.u32 @!p0 $0x1FFFFF80, s6  }
0x1c7: {  	s7 =	simm.s32 @!p0 $0x7200;
	s6 =	sadd.s32 @!p0 s0, s6  }
0x1c8: {  	[tilespmem:s7], [sflag:$0x4] =	stream.strided.gather @!p0 [hbm4b:s6+s4], $0x1000, s5, s4, $0x38;
	[tilespmem:$0x14200] =	vst v63  }
0x1c9: {  	_ =	swait.ge [sflag:s26], $0x1000  }
0x1ca: {  	[sflag:s26] =	ssyncset.done $0x0  }
0x1cb: {  	[sflag:s26] =	ssyncadd.s32 $0xFFFFF000  }
0x1cc: {  	v4 =	vld [tilespmem:s2+$0xFFFFFFF0];
	_ =	sdelay $0x4  }
0x1cd: {  	v4 =	vsel vm8, $0x0, v4  }
0x1ce: {  	v4 =	vxor.u32 $0x80000000, v4  }
0x1cf: {  	(xrf0) =	vmax.scan.msk.u32 $0xffff, v4;
	_ =	sdelay $0x5  }
0x1d0: {  	v4, _, _ =	vpop (xrf0)  }
0x1d1: {  	(v2sf) =	vpush v4, $0xF;
	_ =	sdelay $0xe  }
0x1d2: {  	s7 =	spop (v2sf)  }
0x1d3: {  	s6 =	sand.u32 $0x7F, s7  }
0x1d4: {  	s7 =	sadd.s32 $0xFFFFFFF9, s1;
	v4 =	vor.u32 s6, v0  }
0x1d5: {  	v5 =	vmov s7  }
0x1d6: {  	v48 =	vshll.u32 v5, $0x3  }
0x1d7: {  	v5 =	vand.u32 $0x78, v5;
	v6 =	vand.u32 $0xC00, v48  }
0x1d8: {  	v5 =	vor.u32 v5, v6  }
0x1d9: {  	v6 =	vor.u32 v1, v5;
	v4 =	vld.idx.msk [tilespmem:v4+s18+$0x0], $0xffff  }
0x1da: {  	v49 =	vor.u32 s6, v3;
	_ =	sdelay $0x3  }
0x1db: {  	[tilespmem:v6+s28+$0x0] =	vst.idx.msk $0xffff, v4  }
0x1dc: {  	v5 =	vor.u32 v2, v5;
	v4 =	vld.idx.msk [tilespmem:v49+s18+$0x0], $0xffff;
	_ =	sdelay $0x4  }
0x1dd: {  	[tilespmem:v5+s28+$0x0] =	vst.idx.msk $0xffff, v4  }
0x1de: {  	v4 =	vld @!p0 [tilespmem:s2+$0x0];
	_ =	sdelay $0x3  }
0x1df: {  	vm1 =	vcmask @!p0 $0x1F24  }
0x1e0: {  	v4 =	vsel @!p0 vm1, $0x0, v4  }
0x1e1: {  	v4 =	vxor.u32 @!p0 $0x80000000, v4  }
0x1e2: {  	(xrf0) =	vmax.scan.msk.u32 @!p0 $0xffff, v4;
	_ =	sdelay $0x5  }
0x1e3: {  	v4, _, _ =	vpop @!p0 (xrf0)  }
0x1e4: {  	(v2sf) =	vpush @!p0 v4, $0xF;
	_ =	sdelay $0xe  }
0x1e5: {  	s6 =	spop @!p0 (v2sf)  }
0x1e6: {  	s6 =	sand.u32 @!p0 $0x1FFFFF80, s6  }
0x1e7: {  	s7 =	simm.s32 @!p0 $0x8200;
	s6 =	sadd.s32 @!p0 s0, s6  }
0x1e8: {  	[tilespmem:s7], [sflag:$0x1] =	stream.strided.gather @!p0 [hbm4b:s6+s4], $0x1000, s5, s4, $0x38;
	[tilespmem:$0x14200] =	vst v63  }
0x1e9: {  	_ =	swait.ge [sflag:s29], $0x1000  }
0x1ea: {  	[sflag:s29] =	ssyncset.done $0x0  }
0x1eb: {  	[sflag:s29] =	ssyncadd.s32 $0xFFFFF000  }
0x1ec: {  	v4 =	vld [tilespmem:s2+$0xFFFFFFF0];
	_ =	sdelay $0x4  }
0x1ed: {  	v4 =	vsel vm9, $0x0, v4  }
0x1ee: {  	v4 =	vxor.u32 $0x80000000, v4  }
0x1ef: {  	(xrf0) =	vmax.scan.msk.u32 $0xffff, v4;
	_ =	sdelay $0x5  }
0x1f0: {  	v4, _, _ =	vpop (xrf0)  }
0x1f1: {  	(v2sf) =	vpush v4, $0xF;
	_ =	sdelay $0xe  }
0x1f2: {  	s7 =	spop (v2sf)  }
0x1f3: {  	s6 =	sand.u32 $0x7F, s7  }
0x1f4: {  	s7 =	sadd.s32 $0xFFFFFFFA, s1;
	v4 =	vor.u32 s6, v0  }
0x1f5: {  	v5 =	vmov s7  }
0x1f6: {  	v50 =	vshll.u32 v5, $0x3  }
0x1f7: {  	v5 =	vand.u32 $0x79, v5;
	v6 =	vand.u32 $0xC00, v50  }
0x1f8: {  	v5 =	vor.u32 v5, v6  }
0x1f9: {  	v6 =	vor.u32 v1, v5;
	v4 =	vld.idx.msk [tilespmem:v4+s19+$0x0], $0xffff  }
0x1fa: {  	v51 =	vor.u32 s6, v3;
	_ =	sdelay $0x3  }
0x1fb: {  	[tilespmem:v6+s28+$0x0] =	vst.idx.msk $0xffff, v4  }
0x1fc: {  	v5 =	vor.u32 v2, v5;
	v4 =	vld.idx.msk [tilespmem:v51+s19+$0x0], $0xffff;
	_ =	sdelay $0x4  }
0x1fd: {  	[tilespmem:v5+s28+$0x0] =	vst.idx.msk $0xffff, v4  }
0x1fe: {  	v4 =	vld @!p0 [tilespmem:s2+$0x0];
	_ =	sdelay $0x3  }
0x1ff: {  	vm1 =	vcmask @!p0 $0x2328  }
0x200: {  	v4 =	vsel @!p0 vm1, $0x0, v4  }
0x201: {  	v4 =	vxor.u32 @!p0 $0x80000000, v4  }
0x202: {  	(xrf0) =	vmax.scan.msk.u32 @!p0 $0xffff, v4;
	_ =	sdelay $0x5  }
0x203: {  	v4, _, _ =	vpop @!p0 (xrf0)  }
0x204: {  	(v2sf) =	vpush @!p0 v4, $0xF;
	_ =	sdelay $0xe  }
0x205: {  	s6 =	spop @!p0 (v2sf)  }
0x206: {  	s6 =	sand.u32 @!p0 $0x1FFFFF80, s6  }
0x207: {  	s7 =	simm.s32 @!p0 $0x9200;
	s6 =	sadd.s32 @!p0 s0, s6  }
0x208: {  	[tilespmem:s7], [sflag:$0x2] =	stream.strided.gather @!p0 [hbm4b:s6+s4], $0x1000, s5, s4, $0x38;
	[tilespmem:$0x14200] =	vst v63  }
0x209: {  	_ =	swait.ge [sflag:s30], $0x1000  }
0x20a: {  	[sflag:s30] =	ssyncset.done $0x0  }
0x20b: {  	[sflag:s30] =	ssyncadd.s32 $0xFFFFF000  }
0x20c: {  	v4 =	vld [tilespmem:s2+$0xFFFFFFF0];
	_ =	sdelay $0x4  }
0x20d: {  	v4 =	vsel vm10, $0x0, v4  }
0x20e: {  	v4 =	vxor.u32 $0x80000000, v4  }
0x20f: {  	(xrf0) =	vmax.scan.msk.u32 $0xffff, v4;
	_ =	sdelay $0x5  }
0x210: {  	v4, _, _ =	vpop (xrf0)  }
0x211: {  	(v2sf) =	vpush v4, $0xF;
	_ =	sdelay $0xe  }
0x212: {  	s7 =	spop (v2sf)  }
0x213: {  	s6 =	sand.u32 $0x7F, s7  }
0x214: {  	s7 =	sadd.s32 $0xFFFFFFFB, s1;
	v4 =	vor.u32 s6, v0  }
0x215: {  	v5 =	vmov s7  }
0x216: {  	v52 =	vshll.u32 v5, $0x3  }
0x217: {  	v5 =	vand.u32 $0x7A, v5;
	v6 =	vand.u32 $0xC00, v52  }
0x218: {  	v5 =	vor.u32 v5, v6  }
0x219: {  	v6 =	vor.u32 v1, v5;
	v4 =	vld.idx.msk [tilespmem:v4+s20+$0x0], $0xffff  }
0x21a: {  	v53 =	vor.u32 s6, v3;
	_ =	sdelay $0x3  }
0x21b: {  	[tilespmem:v6+s28+$0x0] =	vst.idx.msk $0xffff, v4  }
0x21c: {  	v5 =	vor.u32 v2, v5;
	v4 =	vld.idx.msk [tilespmem:v53+s20+$0x0], $0xffff;
	_ =	sdelay $0x4  }
0x21d: {  	[tilespmem:v5+s28+$0x0] =	vst.idx.msk $0xffff, v4  }
0x21e: {  	v4 =	vld @!p0 [tilespmem:s2+$0x0];
	_ =	sdelay $0x3  }
0x21f: {  	vm1 =	vcmask @!p0 $0x272C  }
0x220: {  	v4 =	vsel @!p0 vm1, $0x0, v4  }
0x221: {  	v4 =	vxor.u32 @!p0 $0x80000000, v4  }
0x222: {  	(xrf0) =	vmax.scan.msk.u32 @!p0 $0xffff, v4;
	_ =	sdelay $0x5  }
0x223: {  	v4, _, _ =	vpop @!p0 (xrf0)  }
0x224: {  	(v2sf) =	vpush @!p0 v4, $0xF;
	_ =	sdelay $0xe  }
0x225: {  	s6 =	spop @!p0 (v2sf)  }
0x226: {  	s6 =	sand.u32 @!p0 $0x1FFFFF80, s6  }
0x227: {  	s7 =	simm.s32 @!p0 $0xA200;
	s6 =	sadd.s32 @!p0 s0, s6  }
0x228: {  	[tilespmem:s7], [sflag:$0x3] =	stream.strided.gather @!p0 [hbm4b:s6+s4], $0x1000, s5, s4, $0x38;
	[tilespmem:$0x14200] =	vst v63  }
0x229: {  	_ =	swait.ge [sflag:s31], $0x1000  }
0x22a: {  	[sflag:s31] =	ssyncset.done $0x0  }
0x22b: {  	[sflag:s31] =	ssyncadd.s32 $0xFFFFF000  }
0x22c: {  	v4 =	vld [tilespmem:s2+$0xFFFFFFF0];
	_ =	sdelay $0x4  }
0x22d: {  	v4 =	vsel vm11, $0x0, v4  }
0x22e: {  	v4 =	vxor.u32 $0x80000000, v4  }
0x22f: {  	(xrf0) =	vmax.scan.msk.u32 $0xffff, v4;
	_ =	sdelay $0x5  }
0x230: {  	v4, _, _ =	vpop (xrf0)  }
0x231: {  	(v2sf) =	vpush v4, $0xF;
	_ =	sdelay $0xe  }
0x232: {  	s7 =	spop (v2sf)  }
0x233: {  	s6 =	sand.u32 $0x7F, s7  }
0x234: {  	s7 =	sadd.s32 $0xFFFFFFFC, s1;
	v4 =	vor.u32 s6, v0  }
0x235: {  	v5 =	vmov s7  }
0x236: {  	v54 =	vshll.u32 v5, $0x3  }
0x237: {  	v5 =	vand.u32 $0x7B, v5;
	v6 =	vand.u32 $0xC00, v54  }
0x238: {  	v5 =	vor.u32 v5, v6  }
0x239: {  	v6 =	vor.u32 v1, v5;
	v4 =	vld.idx.msk [tilespmem:v4+s21+$0x0], $0xffff  }
0x23a: {  	v55 =	vor.u32 s6, v3;
	_ =	sdelay $0x3  }
0x23b: {  	[tilespmem:v6+s28+$0x0] =	vst.idx.msk $0xffff, v4  }
0x23c: {  	v5 =	vor.u32 v2, v5;
	v4 =	vld.idx.msk [tilespmem:v55+s21+$0x0], $0xffff;
	_ =	sdelay $0x4  }
0x23d: {  	[tilespmem:v5+s28+$0x0] =	vst.idx.msk $0xffff, v4  }
0x23e: {  	v4 =	vld @!p0 [tilespmem:s2+$0x0];
	_ =	sdelay $0x3  }
0x23f: {  	vm1 =	vcmask @!p0 $0x2B30  }
0x240: {  	v4 =	vsel @!p0 vm1, $0x0, v4  }
0x241: {  	v4 =	vxor.u32 @!p0 $0x80000000, v4  }
0x242: {  	(xrf0) =	vmax.scan.msk.u32 @!p0 $0xffff, v4;
	_ =	sdelay $0x5  }
0x243: {  	v4, _, _ =	vpop @!p0 (xrf0)  }
0x244: {  	(v2sf) =	vpush @!p0 v4, $0xF;
	_ =	sdelay $0xe  }
0x245: {  	s6 =	spop @!p0 (v2sf)  }
0x246: {  	s6 =	sand.u32 @!p0 $0x1FFFFF80, s6  }
0x247: {  	s7 =	simm.s32 @!p0 $0xB200;
	s6 =	sadd.s32 @!p0 s0, s6  }
0x248: {  	[tilespmem:s7], [sflag:$0x4] =	stream.strided.gather @!p0 [hbm4b:s6+s4], $0x1000, s5, s4, $0x38;
	[tilespmem:$0x14200] =	vst v63  }
0x249: {  	_ =	swait.ge [sflag:s26], $0x1000  }
0x24a: {  	[sflag:s26] =	ssyncset.done $0x0  }
0x24b: {  	[sflag:s26] =	ssyncadd.s32 $0xFFFFF000  }
0x24c: {  	v4 =	vld [tilespmem:s2+$0xFFFFFFF0];
	_ =	sdelay $0x4  }
0x24d: {  	v4 =	vsel vm12, $0x0, v4  }
0x24e: {  	v4 =	vxor.u32 $0x80000000, v4  }
0x24f: {  	(xrf0) =	vmax.scan.msk.u32 $0xffff, v4;
	_ =	sdelay $0x5  }
0x250: {  	v4, _, _ =	vpop (xrf0)  }
0x251: {  	(v2sf) =	vpush v4, $0xF;
	_ =	sdelay $0xe  }
0x252: {  	s7 =	spop (v2sf)  }
0x253: {  	s6 =	sand.u32 $0x7F, s7  }
0x254: {  	s7 =	sadd.s32 $0xFFFFFFFD, s1;
	v4 =	vor.u32 s6, v0  }
0x255: {  	v5 =	vmov s7  }
0x256: {  	v56 =	vshll.u32 v5, $0x3  }
0x257: {  	v5 =	vand.u32 $0x7C, v5;
	v6 =	vand.u32 $0xC00, v56  }
0x258: {  	v5 =	vor.u32 v5, v6  }
0x259: {  	v6 =	vor.u32 v1, v5;
	v4 =	vld.idx.msk [tilespmem:v4+s22+$0x0], $0xffff  }
0x25a: {  	v57 =	vor.u32 s6, v3;
	_ =	sdelay $0x3  }
0x25b: {  	[tilespmem:v6+s28+$0x0] =	vst.idx.msk $0xffff, v4  }
0x25c: {  	v5 =	vor.u32 v2, v5;
	v4 =	vld.idx.msk [tilespmem:v57+s22+$0x0], $0xffff;
	_ =	sdelay $0x4  }
0x25d: {  	[tilespmem:v5+s28+$0x0] =	vst.idx.msk $0xffff, v4  }
0x25e: {  	v4 =	vld @!p0 [tilespmem:s2+$0x0];
	_ =	sdelay $0x3  }
0x25f: {  	vm1 =	vcmask @!p0 $0x2F34  }
0x260: {  	v4 =	vsel @!p0 vm1, $0x0, v4  }
0x261: {  	v4 =	vxor.u32 @!p0 $0x80000000, v4  }
0x262: {  	(xrf0) =	vmax.scan.msk.u32 @!p0 $0xffff, v4;
	_ =	sdelay $0x5  }
0x263: {  	v4, _, _ =	vpop @!p0 (xrf0)  }
0x264: {  	(v2sf) =	vpush @!p0 v4, $0xF;
	_ =	sdelay $0xe  }
0x265: {  	s6 =	spop @!p0 (v2sf)  }
0x266: {  	s6 =	sand.u32 @!p0 $0x1FFFFF80, s6  }
0x267: {  	s7 =	simm.s32 @!p0 $0xC200;
	s6 =	sadd.s32 @!p0 s0, s6  }
0x268: {  	[tilespmem:s7], [sflag:$0x1] =	stream.strided.gather @!p0 [hbm4b:s6+s4], $0x1000, s5, s4, $0x38;
	[tilespmem:$0x14200] =	vst v63  }
0x269: {  	_ =	swait.ge [sflag:s29], $0x1000  }
0x26a: {  	[sflag:s29] =	ssyncset.done $0x0  }
0x26b: {  	[sflag:s29] =	ssyncadd.s32 $0xFFFFF000  }
0x26c: {  	v4 =	vld [tilespmem:s2+$0xFFFFFFF0];
	_ =	sdelay $0x4  }
0x26d: {  	v4 =	vsel vm13, $0x0, v4  }
0x26e: {  	v4 =	vxor.u32 $0x80000000, v4  }
0x26f: {  	(xrf0) =	vmax.scan.msk.u32 $0xffff, v4;
	_ =	sdelay $0x5  }
0x270: {  	v4, _, _ =	vpop (xrf0)  }
0x271: {  	(v2sf) =	vpush v4, $0xF;
	_ =	sdelay $0xe  }
0x272: {  	s7 =	spop (v2sf)  }
0x273: {  	s6 =	sand.u32 $0x7F, s7  }
0x274: {  	s7 =	sadd.s32 $0xFFFFFFFE, s1;
	v4 =	vor.u32 s6, v0  }
0x275: {  	v5 =	vmov s7  }
0x276: {  	v58 =	vshll.u32 v5, $0x3  }
0x277: {  	v5 =	vand.u32 $0x7D, v5;
	v6 =	vand.u32 $0xC00, v58  }
0x278: {  	v5 =	vor.u32 v5, v6  }
0x279: {  	v6 =	vor.u32 v1, v5;
	v4 =	vld.idx.msk [tilespmem:v4+s23+$0x0], $0xffff  }
0x27a: {  	v59 =	vor.u32 s6, v3;
	_ =	sdelay $0x3  }
0x27b: {  	[tilespmem:v6+s28+$0x0] =	vst.idx.msk $0xffff, v4  }
0x27c: {  	v5 =	vor.u32 v2, v5;
	v4 =	vld.idx.msk [tilespmem:v59+s23+$0x0], $0xffff;
	_ =	sdelay $0x4  }
0x27d: {  	[tilespmem:v5+s28+$0x0] =	vst.idx.msk $0xffff, v4  }
0x27e: {  	v4 =	vld @!p0 [tilespmem:s2+$0x0];
	_ =	sdelay $0x3  }
0x27f: {  	vm1 =	vcmask @!p0 $0x3338  }
0x280: {  	v4 =	vsel @!p0 vm1, $0x0, v4  }
0x281: {  	v4 =	vxor.u32 @!p0 $0x80000000, v4  }
0x282: {  	(xrf0) =	vmax.scan.msk.u32 @!p0 $0xffff, v4;
	_ =	sdelay $0x5  }
0x283: {  	v4, _, _ =	vpop @!p0 (xrf0)  }
0x284: {  	(v2sf) =	vpush @!p0 v4, $0xF;
	_ =	sdelay $0xe  }
0x285: {  	s6 =	spop @!p0 (v2sf)  }
0x286: {  	s6 =	sand.u32 @!p0 $0x1FFFFF80, s6  }
0x287: {  	s7 =	simm.s32 @!p0 $0xD200;
	s6 =	sadd.s32 @!p0 s0, s6  }
0x288: {  	[tilespmem:s7], [sflag:$0x2] =	stream.strided.gather @!p0 [hbm4b:s6+s4], $0x1000, s5, s4, $0x38;
	[tilespmem:$0x14200] =	vst v63  }
0x289: {  	_ =	swait.ge [sflag:s30], $0x1000  }
0x28a: {  	[sflag:s30] =	ssyncset.done $0x0  }
0x28b: {  	[sflag:s30] =	ssyncadd.s32 $0xFFFFF000  }
0x28c: {  	v4 =	vld [tilespmem:s2+$0xFFFFFFF0];
	_ =	sdelay $0x4  }
0x28d: {  	v4 =	vsel vm14, $0x0, v4  }
0x28e: {  	v4 =	vxor.u32 $0x80000000, v4  }
0x28f: {  	(xrf0) =	vmax.scan.msk.u32 $0xffff, v4;
	_ =	sdelay $0x5  }
0x290: {  	v4, _, _ =	vpop (xrf0)  }
0x291: {  	(v2sf) =	vpush v4, $0xF;
	_ =	sdelay $0xe  }
0x292: {  	s7 =	spop (v2sf)  }
0x293: {  	s6 =	sand.u32 $0x7F, s7  }
0x294: {  	s7 =	sadd.s32 $0xFFFFFFFF, s1;
	v4 =	vor.u32 s6, v0  }
0x295: {  	v5 =	vmov s7  }
0x296: {  	v60 =	vshll.u32 v5, $0x3  }
0x297: {  	v5 =	vand.u32 $0x7E, v5;
	v6 =	vand.u32 $0xC00, v60  }
0x298: {  	v5 =	vor.u32 v5, v6  }
0x299: {  	v6 =	vor.u32 v1, v5;
	v4 =	vld.idx.msk [tilespmem:v4+s24+$0x0], $0xffff  }
0x29a: {  	v61 =	vor.u32 s6, v3;
	_ =	sdelay $0x3  }
0x29b: {  	[tilespmem:v6+s28+$0x0] =	vst.idx.msk $0xffff, v4  }
0x29c: {  	v5 =	vor.u32 v2, v5;
	v4 =	vld.idx.msk [tilespmem:v61+s24+$0x0], $0xffff;
	_ =	sdelay $0x4  }
0x29d: {  	[tilespmem:v5+s28+$0x0] =	vst.idx.msk $0xffff, v4  }
0x29e: {  	v4 =	vld @!p0 [tilespmem:s2+$0x0];
	_ =	sdelay $0x3  }
0x29f: {  	vm1 =	vcmask @!p0 $0x373C  }
0x2a0: {  	v4 =	vsel @!p0 vm1, $0x0, v4  }
0x2a1: {  	v4 =	vxor.u32 @!p0 $0x80000000, v4  }
0x2a2: {  	(xrf0) =	vmax.scan.msk.u32 @!p0 $0xffff, v4;
	_ =	sdelay $0x5  }
0x2a3: {  	v4, _, _ =	vpop @!p0 (xrf0)  }
0x2a4: {  	(v2sf) =	vpush @!p0 v4, $0xF;
	_ =	sdelay $0xe  }
0x2a5: {  	s6 =	spop @!p0 (v2sf)  }
0x2a6: {  	s6 =	sand.u32 @!p0 $0x1FFFFF80, s6  }
0x2a7: {  	s7 =	simm.s32 @!p0 $0xE200;
	s6 =	sadd.s32 @!p0 s0, s6  }
0x2a8: {  	[tilespmem:s7], [sflag:$0x3] =	stream.strided.gather @!p0 [hbm4b:s6+s4], $0x1000, s5, s4, $0x38;
	[tilespmem:$0x14200] =	vst v63  }
0x2a9: {  	_ =	swait.ge [sflag:s31], $0x1000  }
0x2aa: {  	[sflag:s31] =	ssyncset.done $0x0  }
0x2ab: {  	[sflag:s31] =	ssyncadd.s32 $0xFFFFF000  }
0x2ac: {  	v4 =	vld [tilespmem:s2+$0xFFFFFFF0];
	_ =	sdelay $0x4  }
0x2ad: {  	v4 =	vsel vm15, $0x0, v4  }
0x2ae: {  	v4 =	vxor.u32 $0x80000000, v4  }
0x2af: {  	(xrf0) =	vmax.scan.msk.u32 $0xffff, v4;
	_ =	sdelay $0x5  }
0x2b0: {  	v4, _, _ =	vpop (xrf0)  }
0x2b1: {  	(v2sf) =	vpush v4, $0xF;
	_ =	sdelay $0xe  }
0x2b2: {  	s7 =	spop (v2sf)  }
0x2b3: {  	s4 =	sand.u32 $0x7F, s7  }
0x2b4: {  	v4 =	vor.u32 s4, v0  }
0x2b5: {  	v5 =	vmov s1  }
0x2b6: {  	v62 =	vshll.u32 v5, $0x3  }
0x2b7: {  	v5 =	vand.u32 $0x7F, v5;
	v6 =	vand.u32 $0xC00, v62  }
0x2b8: {  	v5 =	vor.u32 v5, v6  }
0x2b9: {  	v6 =	vor.u32 v1, v5;
	v4 =	vld.idx.msk [tilespmem:v4+s25+$0x0], $0xffff  }
0x2ba: {  	v63 =	vor.u32 s4, v3;
	_ =	sdelay $0x3  }
0x2bb: {  	[tilespmem:v6+s28+$0x0] =	vst.idx.msk $0xffff, v4  }
0x2bc: {  	v5 =	vor.u32 v2, v5;
	v4 =	vld.idx.msk [tilespmem:v63+s25+$0x0], $0xffff  }
.Ltmp2:
0x2bd: {  	_ = 	snop;
	(pc) =	sbr.rel @p0 .LBB2_4-.Ltmp2, $2  }
0x2be: {  	_ =	sdelay $0x2  }
0x2bf: {  	[tilespmem:v5+s28+$0x0] =	vst.idx.msk $0xffff, v4  }
0x2c0: {  	v4 =	vld [tilespmem:s2+$0x0];
	_ =	sdelay $0x4  }
0x2c1: {  	v4 =	vsel vm15, $0x0, v4  }
0x2c2: {  	v4 =	vxor.u32 $0x80000000, v4  }
0x2c3: {  	(xrf0) =	vmax.scan.msk.u32 $0xffff, v4;
	_ =	sdelay $0x5  }
0x2c4: {  	v4, _, _ =	vpop (xrf0)  }
0x2c5: {  	(v2sf) =	vpush v4, $0xF;
	_ =	sdelay $0xd  }
.Ltmp3:
0x2c6: {  	_ = 	snop;
	(pc) =	sbr.rel .LBB2_2-.Ltmp3, $4  }
0x2c7: {  	s4 =	spop (v2sf)  }
0x2c8: {  	s4 =	sand.u32 $0x1FFFFF80, s4  }
0x2c9: {  	s1 =	sadd.s32 $0x10, s1;
	s2 =	sadd.s32 $0x10, s2;
	s4 =	sadd.s32 s0, s4  }
0x2ca: {  	[tilespmem:s25], [sflag:$0x4] =	stream.strided.gather [hbm4b:s4+s8], $0x1000, s9, s8, $0x38;
	[tilespmem:$0x14200] =	vst v63  }
.LBB2_5:
0x2cb: {  	_ =	sfence.sel $0x180000  }
0x2cc: {  	[bflag:$0x0] =	sbarrier.arrive $0xFFFF  }
0x2cd: {  	_ =	strace $0x90000047  }
0x2ce: {  	s0 =	stileid.u32;
	[bflag:$0x2] =	sbarrier.arrive $0xFFFF  }
0x2cf: {  	p0 =	sne.s32 s0, $0x0;
	s0 =	rddreg [dreg:$0x3]  }
0x2d0: {  	s0 =	sadd.s32 @!p0 $0x100000, s0  }
0x2d1: {  	[sflag:s0] =	ssyncadd.tile.s32 @!p0 $0x1;
	_ =	shalt  }
.Lfunc_end2:
_tile_overlayer_lowered:
.L_overlay_start_2:
0x2d2: {  	(tag) =	ssettag $0x2  }
0x2d3: {  	s0 =	rddreg [dreg:$0x0];
	s2 =	stileid.u32  }
0x2d4: {  	s1 =	rddreg [dreg:$0x1];
	p0 =	sne.s32 s2, $0x0  }
0x2d5: {  	s3 =	rddreg [dreg:$0x2];
	[bflag:$0x3] =	sbarrier.arrive $0xFFFF;
	s2 =	simm.s32 @!p0 $0x1C05  }
0x2d6: {  	[timem:s3], [sflag:s2] =	dma.local @!p0 [hbm:s0], s1  }
0x2d7: {  	s0 =	simm.s32 @!p0 $0x5  }
0x2d8: {  	_ =	swait.ge @!p0 [sflag:s0], s1  }
0x2d9: {  	s1 =	ssub.s32 @!p0 $0x0, s1;
	[sflag:s0] =	ssyncset.done @!p0 $0x0  }
0x2da: {  	[sflag:s0] =	ssyncadd.s32 @!p0 s1  }
0x2db: {  	[bflag:$0x3] =	sbarrier.arrive $0xFFFF  }
0x2dc: {  	_ =	shalt  }

</sc_bundles>
